<compile_context>
chip_gen: v7x
topology: tpu7x:2x2x1
jax: 0.10.2.dev20260603
libtpu: 0.0.44.dev20260713+nightly
codegen_flags: <defaults>
</compile_context>

<pallas_src>
import functools

import jax
import jax.numpy as jnp
from jax import lax
from jax.experimental import pallas as pl
from jax.experimental.pallas import tpu as pltpu
from jax.experimental.pallas import tpu_sc as plsc

N = 10000
E = 160000
NF = 128
OF = 64
EF = 16
H = 64

NW = 32
CHUNK = 128
EPW = 5120
E_PAD = NW * EPW
N_CHUNKS = EPW // CHUNK
BLK = 512

NACC = 5120
_RPT = NACC // 16
_RCHUNK = 64
_RN = _RPT // _RCHUNK


def _mesh():
    return plsc.VectorSubcoreMesh(core_axis_name="c", subcore_axis_name="s")


@functools.cache
def _sc_gather_fn(nchunks):
    epw = nchunks * CHUNK
    @functools.partial(
        pl.kernel,
        out_type=jax.ShapeDtypeStruct((NW * epw, NF), jnp.float32),
        mesh=_mesh(),
        scratch_types=[
            pltpu.VMEM((nchunks, CHUNK), jnp.int32),
            pltpu.VMEM((2, CHUNK, NF), jnp.float32),
            pltpu.SemaphoreType.DMA((2,)),
            pltpu.SemaphoreType.DMA((2,)),
        ],
    )
    def gather(nfeat_hbm, src_hbm, out_hbm, idx_all, rows_v, gsem, wsem):
        wid = lax.axis_index("s") * 2 + lax.axis_index("c")
        base = wid * epw
        pltpu.sync_copy(src_hbm.at[wid], idx_all)
        pltpu.async_copy(nfeat_hbm.at[idx_all.at[0]], rows_v.at[0], gsem.at[0])

        def outer(t, carry):
            for b in range(2):
                j = 2 * t + b
                nb = 1 - b
                @pl.when(j < nchunks - 1)
                def _():
                    @pl.when(j >= 1)
                    def _():
                        pltpu.make_async_copy(
                            rows_v.at[nb],
                            out_hbm.at[pl.ds(base, CHUNK)],
                            wsem.at[nb],
                        ).wait()
                    pltpu.async_copy(
                        nfeat_hbm.at[idx_all.at[j + 1]], rows_v.at[nb], gsem.at[nb]
                    )

                pltpu.make_async_copy(
                    nfeat_hbm.at[idx_all.at[j]], rows_v.at[b], gsem.at[b]
                ).wait()
                pltpu.async_copy(
                    rows_v.at[b], out_hbm.at[pl.ds(base + j * CHUNK, CHUNK)], wsem.at[b]
                )
            return carry

        lax.fori_loop(0, nchunks // 2, outer, 0)
        for b in range(2):
            pltpu.make_async_copy(
                rows_v.at[b], out_hbm.at[pl.ds(base, CHUNK)], wsem.at[b]
            ).wait()

    return gather


def _sc_gather(nfeat, src3):
    return _sc_gather_fn(src3.shape[1])(nfeat, src3)


@functools.cache
def _sc_scatter_fn():
    @functools.partial(
        pl.kernel,
        out_type=jax.ShapeDtypeStruct((2, NACC, 128), jnp.float32),
        mesh=_mesh(),
        scratch_types=[
            pltpu.VMEM_SHARED((NACC, 128), jnp.float32),
            pltpu.VMEM((N_CHUNKS, CHUNK), jnp.int32),
            pltpu.VMEM((2, CHUNK, 128), jnp.float32),
            pltpu.SemaphoreType.DMA((2,)),
        ],
    )
    def scatter(msg1_hbm, msg2_hbm, dst_hbm, zeros_hbm, out_hbm, acc_sh, idx_all, mrows_v, msem):
        cid = lax.axis_index("c")
        sid = lax.axis_index("s")
        wid = sid * 2 + cid
        r0 = sid * _RPT

        def zbody(k, carry):
            rr = r0 + k * _RCHUNK
            pltpu.sync_copy(zeros_hbm.at[pl.ds(rr, _RCHUNK)], mrows_v.at[0, pl.ds(0, _RCHUNK)])
            pltpu.sync_copy(mrows_v.at[0, pl.ds(0, _RCHUNK)], acc_sh.at[pl.ds(rr, _RCHUNK)])
            return carry

        lax.fori_loop(0, _RN, zbody, 0)
        pltpu.sync_copy(dst_hbm.at[wid], idx_all)
        plsc.subcore_barrier()

        def run_half(msg_hbm, base):
            pltpu.async_copy(msg_hbm.at[pl.ds(base, CHUNK)], mrows_v.at[0], msem.at[0])

            def body(t, carry):
                for b in range(2):
                    j = 2 * t + b
                    nb = 1 - b

                    @pl.when(j < N_CHUNKS - 1)
                    def _():
                        pltpu.async_copy(
                            msg_hbm.at[pl.ds(base + (j + 1) * CHUNK, CHUNK)],
                            mrows_v.at[nb],
                            msem.at[nb],
                        )

                    pltpu.make_async_copy(
                        msg_hbm.at[pl.ds(base, CHUNK)], mrows_v.at[b], msem.at[b]
                    ).wait()
                    pltpu.sync_copy(mrows_v.at[b], acc_sh.at[idx_all.at[j]], add=True)
                return carry

            lax.fori_loop(0, N_CHUNKS // 2, body, 0)

        @pl.when(sid < 8)
        def _():
            run_half(msg1_hbm, wid * EPW)

        @pl.when(sid >= 8)
        def _():
            run_half(msg2_hbm, wid * EPW - E_PAD // 2)
        plsc.subcore_barrier()

        def obody(k, carry):
            rr = r0 + k * _RCHUNK
            pltpu.sync_copy(acc_sh.at[pl.ds(rr, _RCHUNK)], mrows_v.at[0, pl.ds(0, _RCHUNK)])
            pltpu.sync_copy(mrows_v.at[0, pl.ds(0, _RCHUNK)], out_hbm.at[cid, pl.ds(rr, _RCHUNK)])
            return carry

        lax.fori_loop(0, _RN, obody, 0)

    return scatter


def _sc_scatter(msg1, msg2, dst3, zeros):
    return _sc_scatter_fn()(msg1, msg2, dst3, zeros)


_NB = (EF + 2) // 2
_SFW = _NB * 128
_ESW = _SFW + 128


def _build_bsel():
    import numpy as np

    b = np.zeros((32, _ESW), np.float32)
    for f in range(EF + 1):
        c0 = 128 * (f // 2) + OF * (f % 2)
        b[f, c0 : c0 + OF] = 1.0
    b[EF + 1, _SFW : _SFW + OF] = 1.0
    b[EF + 2, _SFW + OF : _SFW + 2 * OF] = 1.0
    return jnp.asarray(b, jnp.float32)


def _msg_body(srch_ref, ef_ref, acat_ref, bsel_ref, out_ref):
    sf = jnp.dot(
        srch_ref[...].astype(jnp.bfloat16),
        acat_ref[...],
        preferred_element_type=jnp.float32,
    )
    efsel = jnp.dot(ef_ref[...], bsel_ref[...], preferred_element_type=jnp.float32)
    acc = efsel[:, 0:128] * sf[:, 0:128]
    for k in range(1, _NB):
        acc = acc + efsel[:, k * 128 : (k + 1) * 128] * sf[:, k * 128 : (k + 1) * 128]
    m2 = acc + jnp.concatenate([acc[:, OF:], acc[:, :OF]], axis=1)
    out_ref[...] = m2 * efsel[:, _SFW:_ESW]


def _tc_msg(src_h, efeat_ext, acat):
    grid = src_h.shape[0] // BLK
    return pl.pallas_call(
        _msg_body,
        grid=(grid,),
        in_specs=[
            pl.BlockSpec((BLK, NF), lambda i: (i, 0)),
            pl.BlockSpec((BLK, 32), lambda i: (i, 0)),
            pl.BlockSpec((NF, _SFW), lambda i: (0, 0)),
            pl.BlockSpec((32, _ESW), lambda i: (0, 0)),
        ],
        out_specs=pl.BlockSpec((BLK, 2 * OF), lambda i: (i, 0)),
        out_shape=jax.ShapeDtypeStruct((src_h.shape[0], 2 * OF), jnp.float32),
    )(src_h, efeat_ext, acat, _build_bsel())


def _head_body(parts_ref, eps_ref, w1t_ref, b1_ref, g1_ref, be1_ref,
               w2t_ref, b2_ref, g2_ref, be2_ref, out_ref):
    agg = (1.0 + eps_ref[0, 0]) * (parts_ref[0] + parts_ref[1])
    x = jnp.dot(agg, w1t_ref[...], preferred_element_type=jnp.float32) + b1_ref[...]
    m = jnp.mean(x, axis=0, keepdims=True)
    v = jnp.mean((x - m) ** 2, axis=0, keepdims=True)
    x = g1_ref[...] * (x - m) * lax.rsqrt(v + 1e-5) + be1_ref[...]
    x = jnp.maximum(x, 0.0)
    x = jnp.dot(x, w2t_ref[...], preferred_element_type=jnp.float32) + b2_ref[...]
    m2 = jnp.mean(x, axis=0, keepdims=True)
    v2 = jnp.mean((x - m2) ** 2, axis=0, keepdims=True)
    x = g2_ref[...] * (x - m2) * lax.rsqrt(v2 + 1e-5) + be2_ref[...]
    out_ref[...] = jnp.where(x >= 0.0, x, 0.01 * x)


def _tc_head(parts, eps, w1t, b1, g1, be1, w2t, b2, g2, be2):
    return pl.pallas_call(
        _head_body,
        in_specs=[
            pl.BlockSpec(memory_space=pltpu.VMEM),
            pl.BlockSpec(memory_space=pltpu.SMEM),
        ] + [pl.BlockSpec(memory_space=pltpu.VMEM)] * 8,
        out_specs=pl.BlockSpec(memory_space=pltpu.VMEM),
        out_shape=jax.ShapeDtypeStruct((N, OF), jnp.float32),
    )(parts, eps, w1t, b1, g1, be1, w2t, b2, g2, be2)


def kernel(nfeat, efeat, edge_index, eps, A, Ab, W1, b1, g1, be1, W2, b2, g2, be2):
    src = edge_index[0]
    dst = edge_index[1]
    pad = E_PAD - E
    src3 = jnp.concatenate([src, jnp.zeros((pad,), jnp.int32)]).reshape(
        NW, N_CHUNKS, CHUNK
    )
    dst_pad = jnp.concatenate([dst, jnp.zeros((pad,), jnp.int32)])
    dst3 = (dst_pad // 2).reshape(NW, N_CHUNKS, CHUNK)
    parity = (dst % 2).astype(jnp.float32)[:, None]
    ef_ext = jnp.concatenate(
        [efeat, jnp.ones((E, 1), jnp.float32), 1.0 - parity, parity], axis=1
    )
    ef_ext = jnp.pad(ef_ext, ((0, pad), (0, 32 - (EF + 3))))
    A3 = A.reshape(EF, NF, OF)
    planes = jnp.concatenate(
        [A3, Ab.reshape(1, NF, OF), jnp.zeros((1, NF, OF), jnp.float32)], axis=0
    )
    acat = (
        planes.reshape(_NB, 2, NF, OF)
        .transpose(2, 0, 1, 3)
        .reshape(NF, _SFW)
        .astype(jnp.bfloat16)
    )

    half = E_PAD // 2
    srcA = src3.reshape(E_PAD)[:half].reshape(NW, N_CHUNKS // 2, CHUNK)
    srcB = src3.reshape(E_PAD)[half:].reshape(NW, N_CHUNKS // 2, CHUNK)
    src_hA = _sc_gather(nfeat, srcA)
    src_hB = _sc_gather(nfeat, srcB)
    msgA = _tc_msg(src_hA, ef_ext[:half], acat)
    msgB = _tc_msg(src_hB, ef_ext[half:], acat)
    zeros = jnp.zeros((NACC, 128), jnp.float32)
    parts = _sc_scatter(msgA, msgB, dst3, zeros)
    parts = parts.reshape(2, 2 * NACC, OF)[:, :N, :]
    return _tc_head(
        parts,
        eps.reshape(1, 1),
        W1.T, b1.reshape(1, H), g1.reshape(1, H), be1.reshape(1, H),
        W2.T, b2.reshape(1, OF), g2.reshape(1, OF), be2.reshape(1, OF),
    )

# --- scband reference (transcript-rebuilt; emitter-appended) ---
"""Pipeline reference for scband-node-conv-6760278524478 (READ-ONLY COPY).

The authoritative reference and input builder live on the scoring server;
editing this copy changes nothing except your own understanding.
"""

import jax, jax.numpy as jnp
import numpy as np

N = 10000
E = 160000
NF = 128   # node_feats
OF = 64    # out_feats (== hidden_mlp_dim, required by module wiring)
EF = 16    # edge_feats
H = 64     # hidden_mlp_dim


def setup_inputs(seed: int = 0) -> dict:
    key = jax.random.key(seed)
    ks = jax.random.split(key, 16)
    nfeat = jax.random.normal(ks[0], (N, NF), dtype=jnp.float32)
    efeat = jax.random.normal(ks[1], (E, EF), dtype=jnp.float32)
    edge_index = jax.random.randint(ks[2], (2, E), 0, N, dtype=jnp.int32)
    # learned params
    eps = jnp.zeros((1,), dtype=jnp.float32)
    # NNConv edge_func: Linear(EF -> NF*OF)
    A = jax.random.normal(ks[3], (EF, NF * OF), dtype=jnp.float32) / jnp.sqrt(EF)
    Ab = jax.random.normal(ks[4], (NF * OF,), dtype=jnp.float32) * 0.01
    # MLP: Linear(H->H), BN(H), Linear(H->OF)
    W1 = jax.random.normal(ks[5], (H, OF), dtype=jnp.float32) / jnp.sqrt(OF)
    b1 = jnp.zeros((H,), dtype=jnp.float32)
    g1 = jnp.ones((H,), dtype=jnp.float32)
    be1 = jnp.zeros((H,), dtype=jnp.float32)
    W2 = jax.random.normal(ks[6], (OF, H), dtype=jnp.float32) / jnp.sqrt(H)
    b2 = jnp.zeros((OF,), dtype=jnp.float32)
    # final BatchNorm(OF)
    g2 = jnp.ones((OF,), dtype=jnp.float32)
    be2 = jnp.zeros((OF,), dtype=jnp.float32)
    return {"nfeat": nfeat, "efeat": efeat, "edge_index": edge_index,
            "eps": eps, "A": A, "Ab": Ab,
            "W1": W1, "b1": b1, "g1": g1, "be1": be1,
            "W2": W2, "b2": b2, "g2": g2, "be2": be2}


def _batchnorm(x, g, b):
    # training-mode batch statistics (torch BatchNorm1d default)
    m = jnp.mean(x, axis=0)
    v = jnp.var(x, axis=0)
    return g * (x - m) / jnp.sqrt(v + 1e-5) + b


def reference(nfeat, efeat, edge_index, eps, A, Ab, W1, b1, g1, be1, W2, b2, g2, be2):
    src = edge_index[0]
    dst = edge_index[1]
    # h = (1 + eps) * nfeat
    h = (1.0 + eps) * nfeat
    src_h = jnp.take(h, src, axis=0)                      # [E, NF] gather
    A3 = A.reshape(EF, NF, OF)
    b3 = Ab.reshape(NF, OF)
    # NNConv message: m_e = src_h[e] @ W_e, W_e = edge_func(efeat[e]).reshape(NF, OF)
    # fused as einsum (same math, avoids materializing [E, NF, OF])
    tmp = jnp.einsum('ei,fio->efo', src_h, A3)            # [E, EF, OF]
    msg = jnp.einsum('ef,efo->eo', efeat, tmp) + src_h @ b3  # [E, OF]
    # sum aggregation over destination nodes (scatter-add)
    agg = jax.ops.segment_sum(msg, dst, num_segments=N)   # [N, OF]
    # _MLP (2 layers): Linear -> BN -> ReLU -> Linear
    x = agg @ W1.T + b1
    x = jax.nn.relu(_batchnorm(x, g1, be1))
    x = x @ W2.T + b2
    # final BN + leaky_relu
    out = jax.nn.leaky_relu(_batchnorm(x, g2, be2), negative_slope=0.01)
    return out

if __name__ == "__main__":
    import jax
    _d = setup_inputs()
    print(jax.jit(kernel)(*tuple(_d.values())))

</pallas_src>

<mosaic_0001>
#map = affine_map<(d0, d1) -> (0, 0)>
#map1 = affine_map<(d0, d1) -> (0, 0, 0)>
module attributes {stable_mosaic.version = 14 : i64} {
  func.func @gather(%arg0: i32, %arg1: i32, %arg2: memref<10000x128xf32, #tpu.memory_space<hbm>>, %arg3: memref<32x20x128xi32, #tpu.memory_space<hbm>>, %arg4: memref<81920x128xf32, #tpu.memory_space<hbm>>, %arg5: memref<20x128xi32, #tpu.memory_space<vmem>>, %arg6: memref<2x128x128xf32, #tpu.memory_space<vmem>>, %arg7: memref<2x!tpu.dma_semaphore, #tpu.memory_space<semaphore_mem>>, %arg8: memref<2x!tpu.dma_semaphore, #tpu.memory_space<semaphore_mem>>) attributes {dimension_semantics = [#tpu.dimension_semantics<core_parallel>, #tpu.dimension_semantics<subcore_parallel>], iteration_bounds = array<i64: 2, 16>, scalar_prefetch = 0 : i64, scratch_operands = 4 : i64, tpu.core_type = #tpu.core_type<sc_vector_subcore>, window_params = [{transform_indices = #map}, {transform_indices = #map1}, {transform_indices = #map}]} {
    %mul3A = arith.constant 2 : i32
    %mul3A_0 = arith.muli %arg1, %mul3A : i32
    %add3A = arith.addi %mul3A_0, %arg0 : i32
    %mul3A_1 = arith.constant 2560 : i32
    %mul3A_2 = arith.muli %add3A, %mul3A_1 : i32
    "tpu.region"() ({
      %run_scoped3A = tpu.sem_alloc : memref<!tpu.dma_semaphore, #tpu.memory_space<semaphore_mem>>
      %dma_start3A_53 = arith.constant 0 : i32
      %dma_start3A_54 = arith.constant 0 : i32
      %dma_start3A_55 = tpu.memref_slice %arg3[%add3A, %dma_start3A_53, %dma_start3A_54] : memref<32x20x128xi32, #tpu.memory_space<hbm>> -> memref<1x20x128xi32, #tpu.memory_space<hbm>>
      %dma_start3A_56 = tpu.memref_squeeze %dma_start3A_55 : memref<1x20x128xi32, #tpu.memory_space<hbm>> -> memref<20x128xi32, #tpu.memory_space<hbm>>
      %dma_start3A_57 = arith.constant 0 : i32
      %dma_start3A_58 = arith.constant 0 : i32
      %dma_start3A_59 = tpu.memref_slice %arg3[%add3A, %dma_start3A_57, %dma_start3A_58] : memref<32x20x128xi32, #tpu.memory_space<hbm>> -> memref<1x20x128xi32, #tpu.memory_space<hbm>>
      %dma_start3A_60 = tpu.memref_squeeze %dma_start3A_59 : memref<1x20x128xi32, #tpu.memory_space<hbm>> -> memref<20x128xi32, #tpu.memory_space<hbm>>
      tpu.enqueue_dma source(%dma_start3A_60 : memref<20x128xi32, #tpu.memory_space<hbm>>) target(%arg5 : memref<20x128xi32, #tpu.memory_space<vmem>>) target_semaphore(%run_scoped3A : memref<!tpu.dma_semaphore, #tpu.memory_space<semaphore_mem>>)
      %dma_wait3A_61 = arith.constant 0 : i32
      %dma_wait3A_62 = arith.constant 0 : i32
      %dma_wait3A_63 = tpu.memref_slice %arg3[%add3A, %dma_wait3A_61, %dma_wait3A_62] : memref<32x20x128xi32, #tpu.memory_space<hbm>> -> memref<1x20x128xi32, #tpu.memory_space<hbm>>
      %dma_wait3A_64 = tpu.memref_squeeze %dma_wait3A_63 : memref<1x20x128xi32, #tpu.memory_space<hbm>> -> memref<20x128xi32, #tpu.memory_space<hbm>>
      %dma_wait3A_65 = arith.constant 0 : i32
      %dma_wait3A_66 = arith.constant 0 : i32
      %dma_wait3A_67 = tpu.memref_slice %arg3[%add3A, %dma_wait3A_65, %dma_wait3A_66] : memref<32x20x128xi32, #tpu.memory_space<hbm>> -> memref<1x20x128xi32, #tpu.memory_space<hbm>>
      %dma_wait3A_68 = tpu.memref_squeeze %dma_wait3A_67 : memref<1x20x128xi32, #tpu.memory_space<hbm>> -> memref<20x128xi32, #tpu.memory_space<hbm>>
      tpu.wait_dma2 semaphore(%run_scoped3A : memref<!tpu.dma_semaphore, #tpu.memory_space<semaphore_mem>>) src(%dma_wait3A_68 : memref<20x128xi32, #tpu.memory_space<hbm>>) dst(%arg5 : memref<20x128xi32, #tpu.memory_space<vmem>>)
      tpu.yield
    }) : () -> ()
    %dma_start3A = arith.constant 0 : i32
    %dma_start3A_3 = arith.constant 0 : i32
    %dma_start3A_4 = arith.constant 0 : i32
    %dma_start3A_5 = arith.constant 0 : i32
    %dma_start3A_6 = arith.constant 0 : i32
    %dma_start3A_7 = tpu.memref_slice %arg6[%dma_start3A_3, %dma_start3A_5, %dma_start3A_6] : memref<2x128x128xf32, #tpu.memory_space<vmem>> -> memref<1x128x128xf32, #tpu.memory_space<vmem>>
    %dma_start3A_8 = tpu.memref_squeeze %dma_start3A_7 : memref<1x128x128xf32, #tpu.memory_space<vmem>> -> memref<128x128xf32, #tpu.memory_space<vmem>>
    %dma_start3A_9 = arith.constant 0 : i32
    %dma_start3A_10 = tpu.memref_slice %arg5[%dma_start3A, %dma_start3A_9] : memref<20x128xi32, #tpu.memory_space<vmem>> -> memref<1x128xi32, #tpu.memory_space<vmem>>
    %dma_start3A_11 = tpu.memref_squeeze %dma_start3A_10 : memref<1x128xi32, #tpu.memory_space<vmem>> -> memref<128xi32, #tpu.memory_space<vmem>>
    %dma_start3A_12 = arith.constant 0 : i32
    %dma_start3A_13 = arith.constant 0 : i32
    %dma_start3A_14 = tpu.memref_slice %arg2[%dma_start3A_12, %dma_start3A_13] : memref<10000x128xf32, #tpu.memory_space<hbm>> -> memref<10000x128xf32, #tpu.memory_space<hbm>>
    %dma_start3A_15 = tpu.memref_slice %arg7[%dma_start3A_4] : memref<2x!tpu.dma_semaphore, #tpu.memory_space<semaphore_mem>> -> memref<1x!tpu.dma_semaphore, #tpu.memory_space<semaphore_mem>>
    %dma_start3A_16 = tpu.memref_squeeze %dma_start3A_15 : memref<1x!tpu.dma_semaphore, #tpu.memory_space<semaphore_mem>> -> memref<!tpu.dma_semaphore, #tpu.memory_space<semaphore_mem>>
    tpu.enqueue_indirect_dma source(%dma_start3A_14 : memref<10000x128xf32, #tpu.memory_space<hbm>>) target(%dma_start3A_8 : memref<128x128xf32, #tpu.memory_space<vmem>>) offsets(%dma_start3A_11 : memref<128xi32, #tpu.memory_space<vmem>>) semaphore(%dma_start3A_16 : memref<!tpu.dma_semaphore, #tpu.memory_space<semaphore_mem>>)
    %scan3A = arith.constant 0 : i32
    %scan3A_17 = arith.constant 0 : i32
    %scan3A_18 = arith.constant 10 : i32
    %scan3A_19 = arith.addi %scan3A_17, %scan3A_18 : i32
    %scan3A_20 = arith.constant 1 : i32
    scf.for %scan3A_53 = %scan3A_17 to %scan3A_19 step %scan3A_20  : i32 {
      %mul3A_54 = arith.constant 2 : i32
      %mul3A_55 = arith.muli %mul3A_54, %scan3A_53 : i32
      %add3A_56 = arith.constant 0 : i32
      %add3A_57 = arith.addi %mul3A_55, %add3A_56 : i32
      %lt3A = arith.constant 19 : i32
      %lt3A_58 = arith.cmpi slt, %add3A_57, %lt3A : i32
      %convert_element_type3A = arith.extui %lt3A_58 : i1 to i32
      %cond3A = arith.constant 0 : i32
      %cond3A_59 = arith.cmpi ne, %convert_element_type3A, %cond3A : i32
      scf.if %cond3A_59 {
        %ge3A = arith.constant 1 : i32
        %ge3A_135 = arith.cmpi sge, %add3A_57, %ge3A : i32
        %convert_element_type3A_136 = arith.extui %ge3A_135 : i1 to i32
        %cond3A_137 = arith.constant 0 : i32
        %cond3A_138 = arith.cmpi ne, %convert_element_type3A_136, %cond3A_137 : i32
        scf.if %cond3A_138 {
          %dma_wait3A_155 = arith.constant 1 : i32
          %dma_wait3A_156 = arith.constant 1 : i32
          %dma_wait3A_157 = arith.constant 0 : i32
          %dma_wait3A_158 = arith.constant 0 : i32
          %dma_wait3A_159 = tpu.memref_slice %arg6[%dma_wait3A_155, %dma_wait3A_157, %dma_wait3A_158] : memref<2x128x128xf32, #tpu.memory_space<vmem>> -> memref<1x128x128xf32, #tpu.memory_space<vmem>>
          %dma_wait3A_160 = tpu.memref_squeeze %dma_wait3A_159 : memref<1x128x128xf32, #tpu.memory_space<vmem>> -> memref<128x128xf32, #tpu.memory_space<vmem>>
          %dma_wait3A_161 = arith.constant 0 : i32
          %dma_wait3A_162 = tpu.memref_slice %arg4[%mul3A_2, %dma_wait3A_161] : memref<81920x128xf32, #tpu.memory_space<hbm>> -> memref<128x128xf32, #tpu.memory_space<hbm>>
          %dma_wait3A_163 = tpu.memref_slice %arg8[%dma_wait3A_156] : memref<2x!tpu.dma_semaphore, #tpu.memory_space<semaphore_mem>> -> memref<1x!tpu.dma_semaphore, #tpu.memory_space<semaphore_mem>>
          %dma_wait3A_164 = tpu.memref_squeeze %dma_wait3A_163 : memref<1x!tpu.dma_semaphore, #tpu.memory_space<semaphore_mem>> -> memref<!tpu.dma_semaphore, #tpu.memory_space<semaphore_mem>>
          %dma_wait3A_165 = arith.constant 0 : i32
          %dma_wait3A_166 = tpu.memref_slice %arg4[%mul3A_2, %dma_wait3A_165] : memref<81920x128xf32, #tpu.memory_space<hbm>> -> memref<128x128xf32, #tpu.memory_space<hbm>>
          %dma_wait3A_167 = arith.constant 0 : i32
          %dma_wait3A_168 = arith.constant 0 : i32
          %dma_wait3A_169 = tpu.memref_slice %arg6[%dma_wait3A_155, %dma_wait3A_167, %dma_wait3A_168] : memref<2x128x128xf32, #tpu.memory_space<vmem>> -> memref<1x128x128xf32, #tpu.memory_space<vmem>>
          %dma_wait3A_170 = tpu.memref_squeeze %dma_wait3A_169 : memref<1x128x128xf32, #tpu.memory_space<vmem>> -> memref<128x128xf32, #tpu.memory_space<vmem>>
          tpu.wait_dma2 semaphore(%dma_wait3A_164 : memref<!tpu.dma_semaphore, #tpu.memory_space<semaphore_mem>>) src(%dma_wait3A_170 : memref<128x128xf32, #tpu.memory_space<vmem>>) dst(%dma_wait3A_166 : memref<128x128xf32, #tpu.memory_space<hbm>>)
        } else {
        }
        %add3A_139 = arith.constant 1 : i32
        %add3A_140 = arith.addi %add3A_57, %add3A_139 : i32
        %dma_start3A_141 = arith.constant 1 : i32
        %dma_start3A_142 = arith.constant 1 : i32
        %dma_start3A_143 = arith.constant 0 : i32
        %dma_start3A_144 = arith.constant 0 : i32
        %dma_start3A_145 = tpu.memref_slice %arg6[%dma_start3A_141, %dma_start3A_143, %dma_start3A_144] : memref<2x128x128xf32, #tpu.memory_space<vmem>> -> memref<1x128x128xf32, #tpu.memory_space<vmem>>
        %dma_start3A_146 = tpu.memref_squeeze %dma_start3A_145 : memref<1x128x128xf32, #tpu.memory_space<vmem>> -> memref<128x128xf32, #tpu.memory_space<vmem>>
        %dma_start3A_147 = arith.constant 0 : i32
        %dma_start3A_148 = tpu.memref_slice %arg5[%add3A_140, %dma_start3A_147] : memref<20x128xi32, #tpu.memory_space<vmem>> -> memref<1x128xi32, #tpu.memory_space<vmem>>
        %dma_start3A_149 = tpu.memref_squeeze %dma_start3A_148 : memref<1x128xi32, #tpu.memory_space<vmem>> -> memref<128xi32, #tpu.memory_space<vmem>>
        %dma_start3A_150 = arith.constant 0 : i32
        %dma_start3A_151 = arith.constant 0 : i32
        %dma_start3A_152 = tpu.memref_slice %arg2[%dma_start3A_150, %dma_start3A_151] : memref<10000x128xf32, #tpu.memory_space<hbm>> -> memref<10000x128xf32, #tpu.memory_space<hbm>>
        %dma_start3A_153 = tpu.memref_slice %arg7[%dma_start3A_142] : memref<2x!tpu.dma_semaphore, #tpu.memory_space<semaphore_mem>> -> memref<1x!tpu.dma_semaphore, #tpu.memory_space<semaphore_mem>>
        %dma_start3A_154 = tpu.memref_squeeze %dma_start3A_153 : memref<1x!tpu.dma_semaphore, #tpu.memory_space<semaphore_mem>> -> memref<!tpu.dma_semaphore, #tpu.memory_space<semaphore_mem>>
        tpu.enqueue_indirect_dma source(%dma_start3A_152 : memref<10000x128xf32, #tpu.memory_space<hbm>>) target(%dma_start3A_146 : memref<128x128xf32, #tpu.memory_space<vmem>>) offsets(%dma_start3A_149 : memref<128xi32, #tpu.memory_space<vmem>>) semaphore(%dma_start3A_154 : memref<!tpu.dma_semaphore, #tpu.memory_space<semaphore_mem>>)
      } else {
      }
      %dma_wait3A_60 = arith.constant 0 : i32
      %dma_wait3A_61 = arith.constant 0 : i32
      %dma_wait3A_62 = arith.constant 0 : i32
      %dma_wait3A_63 = arith.constant 0 : i32
      %dma_wait3A_64 = tpu.memref_slice %arg6[%dma_wait3A_60, %dma_wait3A_62, %dma_wait3A_63] : memref<2x128x128xf32, #tpu.memory_space<vmem>> -> memref<1x128x128xf32, #tpu.memory_space<vmem>>
      %dma_wait3A_65 = tpu.memref_squeeze %dma_wait3A_64 : memref<1x128x128xf32, #tpu.memory_space<vmem>> -> memref<128x128xf32, #tpu.memory_space<vmem>>
      %dma_wait3A_66 = arith.constant 0 : i32
      %dma_wait3A_67 = tpu.memref_slice %arg5[%add3A_57, %dma_wait3A_66] : memref<20x128xi32, #tpu.memory_space<vmem>> -> memref<1x128xi32, #tpu.memory_space<vmem>>
      %dma_wait3A_68 = tpu.memref_squeeze %dma_wait3A_67 : memref<1x128xi32, #tpu.memory_space<vmem>> -> memref<128xi32, #tpu.memory_space<vmem>>
      %dma_wait3A_69 = arith.constant 0 : i32
      %dma_wait3A_70 = arith.constant 0 : i32
      %dma_wait3A_71 = tpu.memref_slice %arg2[%dma_wait3A_69, %dma_wait3A_70] : memref<10000x128xf32, #tpu.memory_space<hbm>> -> memref<10000x128xf32, #tpu.memory_space<hbm>>
      %dma_wait3A_72 = tpu.memref_slice %arg7[%dma_wait3A_61] : memref<2x!tpu.dma_semaphore, #tpu.memory_space<semaphore_mem>> -> memref<1x!tpu.dma_semaphore, #tpu.memory_space<semaphore_mem>>
      %dma_wait3A_73 = tpu.memref_squeeze %dma_wait3A_72 : memref<1x!tpu.dma_semaphore, #tpu.memory_space<semaphore_mem>> -> memref<!tpu.dma_semaphore, #tpu.memory_space<semaphore_mem>>
      tpu.wait_indirect_dma semaphore(%dma_wait3A_73 : memref<!tpu.dma_semaphore, #tpu.memory_space<semaphore_mem>>) src(%dma_wait3A_71 : memref<10000x128xf32, #tpu.memory_space<hbm>>) dst(%dma_wait3A_65 : memref<128x128xf32, #tpu.memory_space<vmem>>)
      %mul3A_74 = arith.constant 128 : i32
      %mul3A_75 = arith.muli %add3A_57, %mul3A_74 : i32
      %add3A_76 = arith.addi %mul3A_2, %mul3A_75 : i32
      %dma_start3A_77 = arith.constant 0 : i32
      %dma_start3A_78 = arith.constant 0 : i32
      %dma_start3A_79 = arith.constant 0 : i32
      %dma_start3A_80 = arith.constant 0 : i32
      %dma_start3A_81 = tpu.memref_slice %arg6[%dma_start3A_77, %dma_start3A_79, %dma_start3A_80] : memref<2x128x128xf32, #tpu.memory_space<vmem>> -> memref<1x128x128xf32, #tpu.memory_space<vmem>>
      %dma_start3A_82 = tpu.memref_squeeze %dma_start3A_81 : memref<1x128x128xf32, #tpu.memory_space<vmem>> -> memref<128x128xf32, #tpu.memory_space<vmem>>
      %dma_start3A_83 = arith.constant 0 : i32
      %dma_start3A_84 = tpu.memref_slice %arg4[%add3A_76, %dma_start3A_83] : memref<81920x128xf32, #tpu.memory_space<hbm>> -> memref<128x128xf32, #tpu.memory_space<hbm>>
      %dma_start3A_85 = tpu.memref_slice %arg8[%dma_start3A_78] : memref<2x!tpu.dma_semaphore, #tpu.memory_space<semaphore_mem>> -> memref<1x!tpu.dma_semaphore, #tpu.memory_space<semaphore_mem>>
      %dma_start3A_86 = tpu.memref_squeeze %dma_start3A_85 : memref<1x!tpu.dma_semaphore, #tpu.memory_space<semaphore_mem>> -> memref<!tpu.dma_semaphore, #tpu.memory_space<semaphore_mem>>
      %dma_start3A_87 = arith.constant 0 : i32
      %dma_start3A_88 = tpu.memref_slice %arg4[%add3A_76, %dma_start3A_87] : memref<81920x128xf32, #tpu.memory_space<hbm>> -> memref<128x128xf32, #tpu.memory_space<hbm>>
      %dma_start3A_89 = arith.constant 0 : i32
      %dma_start3A_90 = arith.constant 0 : i32
      %dma_start3A_91 = tpu.memref_slice %arg6[%dma_start3A_77, %dma_start3A_89, %dma_start3A_90] : memref<2x128x128xf32, #tpu.memory_space<vmem>> -> memref<1x128x128xf32, #tpu.memory_space<vmem>>
      %dma_start3A_92 = tpu.memref_squeeze %dma_start3A_91 : memref<1x128x128xf32, #tpu.memory_space<vmem>> -> memref<128x128xf32, #tpu.memory_space<vmem>>
      tpu.enqueue_dma source(%dma_start3A_92 : memref<128x128xf32, #tpu.memory_space<vmem>>) target(%dma_start3A_88 : memref<128x128xf32, #tpu.memory_space<hbm>>) target_semaphore(%dma_start3A_86 : memref<!tpu.dma_semaphore, #tpu.memory_space<semaphore_mem>>)
      %mul3A_93 = arith.constant 2 : i32
      %mul3A_94 = arith.muli %mul3A_93, %scan3A_53 : i32
      %add3A_95 = arith.constant 1 : i32
      %add3A_96 = arith.addi %mul3A_94, %add3A_95 : i32
      %lt3A_97 = arith.constant 19 : i32
      %lt3A_98 = arith.cmpi slt, %add3A_96, %lt3A_97 : i32
      %convert_element_type3A_99 = arith.extui %lt3A_98 : i1 to i32
      %cond3A_100 = arith.constant 0 : i32
      %cond3A_101 = arith.cmpi ne, %convert_element_type3A_99, %cond3A_100 : i32
      scf.if %cond3A_101 {
        %ge3A = arith.constant 1 : i32
        %ge3A_135 = arith.cmpi sge, %add3A_96, %ge3A : i32
        %convert_element_type3A_136 = arith.extui %ge3A_135 : i1 to i32
        %cond3A_137 = arith.constant 0 : i32
        %cond3A_138 = arith.cmpi ne, %convert_element_type3A_136, %cond3A_137 : i32
        scf.if %cond3A_138 {
          %dma_wait3A_155 = arith.constant 0 : i32
          %dma_wait3A_156 = arith.constant 0 : i32
          %dma_wait3A_157 = arith.constant 0 : i32
          %dma_wait3A_158 = arith.constant 0 : i32
          %dma_wait3A_159 = tpu.memref_slice %arg6[%dma_wait3A_155, %dma_wait3A_157, %dma_wait3A_158] : memref<2x128x128xf32, #tpu.memory_space<vmem>> -> memref<1x128x128xf32, #tpu.memory_space<vmem>>
          %dma_wait3A_160 = tpu.memref_squeeze %dma_wait3A_159 : memref<1x128x128xf32, #tpu.memory_space<vmem>> -> memref<128x128xf32, #tpu.memory_space<vmem>>
          %dma_wait3A_161 = arith.constant 0 : i32
          %dma_wait3A_162 = tpu.memref_slice %arg4[%mul3A_2, %dma_wait3A_161] : memref<81920x128xf32, #tpu.memory_space<hbm>> -> memref<128x128xf32, #tpu.memory_space<hbm>>
          %dma_wait3A_163 = tpu.memref_slice %arg8[%dma_wait3A_156] : memref<2x!tpu.dma_semaphore, #tpu.memory_space<semaphore_mem>> -> memref<1x!tpu.dma_semaphore, #tpu.memory_space<semaphore_mem>>
          %dma_wait3A_164 = tpu.memref_squeeze %dma_wait3A_163 : memref<1x!tpu.dma_semaphore, #tpu.memory_space<semaphore_mem>> -> memref<!tpu.dma_semaphore, #tpu.memory_space<semaphore_mem>>
          %dma_wait3A_165 = arith.constant 0 : i32
          %dma_wait3A_166 = tpu.memref_slice %arg4[%mul3A_2, %dma_wait3A_165] : memref<81920x128xf32, #tpu.memory_space<hbm>> -> memref<128x128xf32, #tpu.memory_space<hbm>>
          %dma_wait3A_167 = arith.constant 0 : i32
          %dma_wait3A_168 = arith.constant 0 : i32
          %dma_wait3A_169 = tpu.memref_slice %arg6[%dma_wait3A_155, %dma_wait3A_167, %dma_wait3A_168] : memref<2x128x128xf32, #tpu.memory_space<vmem>> -> memref<1x128x128xf32, #tpu.memory_space<vmem>>
          %dma_wait3A_170 = tpu.memref_squeeze %dma_wait3A_169 : memref<1x128x128xf32, #tpu.memory_space<vmem>> -> memref<128x128xf32, #tpu.memory_space<vmem>>
          tpu.wait_dma2 semaphore(%dma_wait3A_164 : memref<!tpu.dma_semaphore, #tpu.memory_space<semaphore_mem>>) src(%dma_wait3A_170 : memref<128x128xf32, #tpu.memory_space<vmem>>) dst(%dma_wait3A_166 : memref<128x128xf32, #tpu.memory_space<hbm>>)
        } else {
        }
        %add3A_139 = arith.constant 1 : i32
        %add3A_140 = arith.addi %add3A_96, %add3A_139 : i32
        %dma_start3A_141 = arith.constant 0 : i32
        %dma_start3A_142 = arith.constant 0 : i32
        %dma_start3A_143 = arith.constant 0 : i32
        %dma_start3A_144 = arith.constant 0 : i32
        %dma_start3A_145 = tpu.memref_slice %arg6[%dma_start3A_141, %dma_start3A_143, %dma_start3A_144] : memref<2x128x128xf32, #tpu.memory_space<vmem>> -> memref<1x128x128xf32, #tpu.memory_space<vmem>>
        %dma_start3A_146 = tpu.memref_squeeze %dma_start3A_145 : memref<1x128x128xf32, #tpu.memory_space<vmem>> -> memref<128x128xf32, #tpu.memory_space<vmem>>
        %dma_start3A_147 = arith.constant 0 : i32
        %dma_start3A_148 = tpu.memref_slice %arg5[%add3A_140, %dma_start3A_147] : memref<20x128xi32, #tpu.memory_space<vmem>> -> memref<1x128xi32, #tpu.memory_space<vmem>>
        %dma_start3A_149 = tpu.memref_squeeze %dma_start3A_148 : memref<1x128xi32, #tpu.memory_space<vmem>> -> memref<128xi32, #tpu.memory_space<vmem>>
        %dma_start3A_150 = arith.constant 0 : i32
        %dma_start3A_151 = arith.constant 0 : i32
        %dma_start3A_152 = tpu.memref_slice %arg2[%dma_start3A_150, %dma_start3A_151] : memref<10000x128xf32, #tpu.memory_space<hbm>> -> memref<10000x128xf32, #tpu.memory_space<hbm>>
        %dma_start3A_153 = tpu.memref_slice %arg7[%dma_start3A_142] : memref<2x!tpu.dma_semaphore, #tpu.memory_space<semaphore_mem>> -> memref<1x!tpu.dma_semaphore, #tpu.memory_space<semaphore_mem>>
        %dma_start3A_154 = tpu.memref_squeeze %dma_start3A_153 : memref<1x!tpu.dma_semaphore, #tpu.memory_space<semaphore_mem>> -> memref<!tpu.dma_semaphore, #tpu.memory_space<semaphore_mem>>
        tpu.enqueue_indirect_dma source(%dma_start3A_152 : memref<10000x128xf32, #tpu.memory_space<hbm>>) target(%dma_start3A_146 : memref<128x128xf32, #tpu.memory_space<vmem>>) offsets(%dma_start3A_149 : memref<128xi32, #tpu.memory_space<vmem>>) semaphore(%dma_start3A_154 : memref<!tpu.dma_semaphore, #tpu.memory_space<semaphore_mem>>)
      } else {
      }
      %dma_wait3A_102 = arith.constant 1 : i32
      %dma_wait3A_103 = arith.constant 1 : i32
      %dma_wait3A_104 = arith.constant 0 : i32
      %dma_wait3A_105 = arith.constant 0 : i32
      %dma_wait3A_106 = tpu.memref_slice %arg6[%dma_wait3A_102, %dma_wait3A_104, %dma_wait3A_105] : memref<2x128x128xf32, #tpu.memory_space<vmem>> -> memref<1x128x128xf32, #tpu.memory_space<vmem>>
      %dma_wait3A_107 = tpu.memref_squeeze %dma_wait3A_106 : memref<1x128x128xf32, #tpu.memory_space<vmem>> -> memref<128x128xf32, #tpu.memory_space<vmem>>
      %dma_wait3A_108 = arith.constant 0 : i32
      %dma_wait3A_109 = tpu.memref_slice %arg5[%add3A_96, %dma_wait3A_108] : memref<20x128xi32, #tpu.memory_space<vmem>> -> memref<1x128xi32, #tpu.memory_space<vmem>>
      %dma_wait3A_110 = tpu.memref_squeeze %dma_wait3A_109 : memref<1x128xi32, #tpu.memory_space<vmem>> -> memref<128xi32, #tpu.memory_space<vmem>>
      %dma_wait3A_111 = arith.constant 0 : i32
      %dma_wait3A_112 = arith.constant 0 : i32
      %dma_wait3A_113 = tpu.memref_slice %arg2[%dma_wait3A_111, %dma_wait3A_112] : memref<10000x128xf32, #tpu.memory_space<hbm>> -> memref<10000x128xf32, #tpu.memory_space<hbm>>
      %dma_wait3A_114 = tpu.memref_slice %arg7[%dma_wait3A_103] : memref<2x!tpu.dma_semaphore, #tpu.memory_space<semaphore_mem>> -> memref<1x!tpu.dma_semaphore, #tpu.memory_space<semaphore_mem>>
      %dma_wait3A_115 = tpu.memref_squeeze %dma_wait3A_114 : memref<1x!tpu.dma_semaphore, #tpu.memory_space<semaphore_mem>> -> memref<!tpu.dma_semaphore, #tpu.memory_space<semaphore_mem>>
      tpu.wait_indirect_dma semaphore(%dma_wait3A_115 : memref<!tpu.dma_semaphore, #tpu.memory_space<semaphore_mem>>) src(%dma_wait3A_113 : memref<10000x128xf32, #tpu.memory_space<hbm>>) dst(%dma_wait3A_107 : memref<128x128xf32, #tpu.memory_space<vmem>>)
      %mul3A_116 = arith.constant 128 : i32
      %mul3A_117 = arith.muli %add3A_96, %mul3A_116 : i32
      %add3A_118 = arith.addi %mul3A_2, %mul3A_117 : i32
      %dma_start3A_119 = arith.constant 1 : i32
      %dma_start3A_120 = arith.constant 1 : i32
      %dma_start3A_121 = arith.constant 0 : i32
      %dma_start3A_122 = arith.constant 0 : i32
      %dma_start3A_123 = tpu.memref_slice %arg6[%dma_start3A_119, %dma_start3A_121, %dma_start3A_122] : memref<2x128x128xf32, #tpu.memory_space<vmem>> -> memref<1x128x128xf32, #tpu.memory_space<vmem>>
      %dma_start3A_124 = tpu.memref_squeeze %dma_start3A_123 : memref<1x128x128xf32, #tpu.memory_space<vmem>> -> memref<128x128xf32, #tpu.memory_space<vmem>>
      %dma_start3A_125 = arith.constant 0 : i32
      %dma_start3A_126 = tpu.memref_slice %arg4[%add3A_118, %dma_start3A_125] : memref<81920x128xf32, #tpu.memory_space<hbm>> -> memref<128x128xf32, #tpu.memory_space<hbm>>
      %dma_start3A_127 = tpu.memref_slice %arg8[%dma_start3A_120] : memref<2x!tpu.dma_semaphore, #tpu.memory_space<semaphore_mem>> -> memref<1x!tpu.dma_semaphore, #tpu.memory_space<semaphore_mem>>
      %dma_start3A_128 = tpu.memref_squeeze %dma_start3A_127 : memref<1x!tpu.dma_semaphore, #tpu.memory_space<semaphore_mem>> -> memref<!tpu.dma_semaphore, #tpu.memory_space<semaphore_mem>>
      %dma_start3A_129 = arith.constant 0 : i32
      %dma_start3A_130 = tpu.memref_slice %arg4[%add3A_118, %dma_start3A_129] : memref<81920x128xf32, #tpu.memory_space<hbm>> -> memref<128x128xf32, #tpu.memory_space<hbm>>
      %dma_start3A_131 = arith.constant 0 : i32
      %dma_start3A_132 = arith.constant 0 : i32
      %dma_start3A_133 = tpu.memref_slice %arg6[%dma_start3A_119, %dma_start3A_131, %dma_start3A_132] : memref<2x128x128xf32, #tpu.memory_space<vmem>> -> memref<1x128x128xf32, #tpu.memory_space<vmem>>
      %dma_start3A_134 = tpu.memref_squeeze %dma_start3A_133 : memref<1x128x128xf32, #tpu.memory_space<vmem>> -> memref<128x128xf32, #tpu.memory_space<vmem>>
      tpu.enqueue_dma source(%dma_start3A_134 : memref<128x128xf32, #tpu.memory_space<vmem>>) target(%dma_start3A_130 : memref<128x128xf32, #tpu.memory_space<hbm>>) target_semaphore(%dma_start3A_128 : memref<!tpu.dma_semaphore, #tpu.memory_space<semaphore_mem>>)
    }
    %scan3A_21 = arith.constant 10 : i32
    %dma_wait3A = arith.constant 0 : i32
    %dma_wait3A_22 = arith.constant 0 : i32
    %dma_wait3A_23 = arith.constant 0 : i32
    %dma_wait3A_24 = arith.constant 0 : i32
    %dma_wait3A_25 = tpu.memref_slice %arg6[%dma_wait3A, %dma_wait3A_23, %dma_wait3A_24] : memref<2x128x128xf32, #tpu.memory_space<vmem>> -> memref<1x128x128xf32, #tpu.memory_space<vmem>>
    %dma_wait3A_26 = tpu.memref_squeeze %dma_wait3A_25 : memref<1x128x128xf32, #tpu.memory_space<vmem>> -> memref<128x128xf32, #tpu.memory_space<vmem>>
    %dma_wait3A_27 = arith.constant 0 : i32
    %dma_wait3A_28 = tpu.memref_slice %arg4[%mul3A_2, %dma_wait3A_27] : memref<81920x128xf32, #tpu.memory_space<hbm>> -> memref<128x128xf32, #tpu.memory_space<hbm>>
    %dma_wait3A_29 = tpu.memref_slice %arg8[%dma_wait3A_22] : memref<2x!tpu.dma_semaphore, #tpu.memory_space<semaphore_mem>> -> memref<1x!tpu.dma_semaphore, #tpu.memory_space<semaphore_mem>>
    %dma_wait3A_30 = tpu.memref_squeeze %dma_wait3A_29 : memref<1x!tpu.dma_semaphore, #tpu.memory_space<semaphore_mem>> -> memref<!tpu.dma_semaphore, #tpu.memory_space<semaphore_mem>>
    %dma_wait3A_31 = arith.constant 0 : i32
    %dma_wait3A_32 = tpu.memref_slice %arg4[%mul3A_2, %dma_wait3A_31] : memref<81920x128xf32, #tpu.memory_space<hbm>> -> memref<128x128xf32, #tpu.memory_space<hbm>>
    %dma_wait3A_33 = arith.constant 0 : i32
    %dma_wait3A_34 = arith.constant 0 : i32
    %dma_wait3A_35 = tpu.memref_slice %arg6[%dma_wait3A, %dma_wait3A_33, %dma_wait3A_34] : memref<2x128x128xf32, #tpu.memory_space<vmem>> -> memref<1x128x128xf32, #tpu.memory_space<vmem>>
    %dma_wait3A_36 = tpu.memref_squeeze %dma_wait3A_35 : memref<1x128x128xf32, #tpu.memory_space<vmem>> -> memref<128x128xf32, #tpu.memory_space<vmem>>
    tpu.wait_dma2 semaphore(%dma_wait3A_30 : memref<!tpu.dma_semaphore, #tpu.memory_space<semaphore_mem>>) src(%dma_wait3A_36 : memref<128x128xf32, #tpu.memory_space<vmem>>) dst(%dma_wait3A_32 : memref<128x128xf32, #tpu.memory_space<hbm>>)
    %dma_wait3A_37 = arith.constant 1 : i32
    %dma_wait3A_38 = arith.constant 1 : i32
    %dma_wait3A_39 = arith.constant 0 : i32
    %dma_wait3A_40 = arith.constant 0 : i32
    %dma_wait3A_41 = tpu.memref_slice %arg6[%dma_wait3A_37, %dma_wait3A_39, %dma_wait3A_40] : memref<2x128x128xf32, #tpu.memory_space<vmem>> -> memref<1x128x128xf32, #tpu.memory_space<vmem>>
    %dma_wait3A_42 = tpu.memref_squeeze %dma_wait3A_41 : memref<1x128x128xf32, #tpu.memory_space<vmem>> -> memref<128x128xf32, #tpu.memory_space<vmem>>
    %dma_wait3A_43 = arith.constant 0 : i32
    %dma_wait3A_44 = tpu.memref_slice %arg4[%mul3A_2, %dma_wait3A_43] : memref<81920x128xf32, #tpu.memory_space<hbm>> -> memref<128x128xf32, #tpu.memory_space<hbm>>
    %dma_wait3A_45 = tpu.memref_slice %arg8[%dma_wait3A_38] : memref<2x!tpu.dma_semaphore, #tpu.memory_space<semaphore_mem>> -> memref<1x!tpu.dma_semaphore, #tpu.memory_space<semaphore_mem>>
    %dma_wait3A_46 = tpu.memref_squeeze %dma_wait3A_45 : memref<1x!tpu.dma_semaphore, #tpu.memory_space<semaphore_mem>> -> memref<!tpu.dma_semaphore, #tpu.memory_space<semaphore_mem>>
    %dma_wait3A_47 = arith.constant 0 : i32
    %dma_wait3A_48 = tpu.memref_slice %arg4[%mul3A_2, %dma_wait3A_47] : memref<81920x128xf32, #tpu.memory_space<hbm>> -> memref<128x128xf32, #tpu.memory_space<hbm>>
    %dma_wait3A_49 = arith.constant 0 : i32
    %dma_wait3A_50 = arith.constant 0 : i32
    %dma_wait3A_51 = tpu.memref_slice %arg6[%dma_wait3A_37, %dma_wait3A_49, %dma_wait3A_50] : memref<2x128x128xf32, #tpu.memory_space<vmem>> -> memref<1x128x128xf32, #tpu.memory_space<vmem>>
    %dma_wait3A_52 = tpu.memref_squeeze %dma_wait3A_51 : memref<1x128x128xf32, #tpu.memory_space<vmem>> -> memref<128x128xf32, #tpu.memory_space<vmem>>
    tpu.wait_dma2 semaphore(%dma_wait3A_46 : memref<!tpu.dma_semaphore, #tpu.memory_space<semaphore_mem>>) src(%dma_wait3A_52 : memref<128x128xf32, #tpu.memory_space<vmem>>) dst(%dma_wait3A_48 : memref<128x128xf32, #tpu.memory_space<hbm>>)
    return
  }
}

#map = affine_map<(d0, d1) -> (0, 0)>
#map1 = affine_map<(d0, d1) -> (0, 0, 0)>
module attributes {stable_mosaic.version = 14 : i64} {
  func.func @gather(%arg0: i32, %arg1: i32, %arg2: memref<10000x128xf32, #tpu.memory_space<hbm>>, %arg3: memref<32x20x128xi32, #tpu.memory_space<hbm>>, %arg4: memref<81920x128xf32, #tpu.memory_space<hbm>>, %arg5: memref<20x128xi32, #tpu.memory_space<vmem>>, %arg6: memref<2x128x128xf32, #tpu.memory_space<vmem>>, %arg7: memref<2x!tpu.dma_semaphore, #tpu.memory_space<semaphore_mem>>, %arg8: memref<2x!tpu.dma_semaphore, #tpu.memory_space<semaphore_mem>>) attributes {dimension_semantics = [#tpu.dimension_semantics<core_parallel>, #tpu.dimension_semantics<subcore_parallel>], iteration_bounds = array<i64: 2, 16>, scalar_prefetch = 0 : i64, scratch_operands = 4 : i64, tpu.core_type = #tpu.core_type<sc_vector_subcore>, window_params = [{transform_indices = #map}, {transform_indices = #map1}, {transform_indices = #map}]} {
    %mul3A = arith.constant 2 : i32
    %mul3A_0 = arith.muli %arg1, %mul3A : i32
    %add3A = arith.addi %mul3A_0, %arg0 : i32
    %mul3A_1 = arith.constant 2560 : i32
    %mul3A_2 = arith.muli %add3A, %mul3A_1 : i32
    "tpu.region"() ({
      %run_scoped3A = tpu.sem_alloc : memref<!tpu.dma_semaphore, #tpu.memory_space<semaphore_mem>>
      %dma_start3A_53 = arith.constant 0 : i32
      %dma_start3A_54 = arith.constant 0 : i32
      %dma_start3A_55 = tpu.memref_slice %arg3[%add3A, %dma_start3A_53, %dma_start3A_54] : memref<32x20x128xi32, #tpu.memory_space<hbm>> -> memref<1x20x128xi32, #tpu.memory_space<hbm>>
      %dma_start3A_56 = tpu.memref_squeeze %dma_start3A_55 : memref<1x20x128xi32, #tpu.memory_space<hbm>> -> memref<20x128xi32, #tpu.memory_space<hbm>>
      %dma_start3A_57 = arith.constant 0 : i32
      %dma_start3A_58 = arith.constant 0 : i32
      %dma_start3A_59 = tpu.memref_slice %arg3[%add3A, %dma_start3A_57, %dma_start3A_58] : memref<32x20x128xi32, #tpu.memory_space<hbm>> -> memref<1x20x128xi32, #tpu.memory_space<hbm>>
      %dma_start3A_60 = tpu.memref_squeeze %dma_start3A_59 : memref<1x20x128xi32, #tpu.memory_space<hbm>> -> memref<20x128xi32, #tpu.memory_space<hbm>>
      tpu.enqueue_dma source(%dma_start3A_60 : memref<20x128xi32, #tpu.memory_space<hbm>>) target(%arg5 : memref<20x128xi32, #tpu.memory_space<vmem>>) target_semaphore(%run_scoped3A : memref<!tpu.dma_semaphore, #tpu.memory_space<semaphore_mem>>)
      %dma_wait3A_61 = arith.constant 0 : i32
      %dma_wait3A_62 = arith.constant 0 : i32
      %dma_wait3A_63 = tpu.memref_slice %arg3[%add3A, %dma_wait3A_61, %dma_wait3A_62] : memref<32x20x128xi32, #tpu.memory_space<hbm>> -> memref<1x20x128xi32, #tpu.memory_space<hbm>>
      %dma_wait3A_64 = tpu.memref_squeeze %dma_wait3A_63 : memref<1x20x128xi32, #tpu.memory_space<hbm>> -> memref<20x128xi32, #tpu.memory_space<hbm>>
      %dma_wait3A_65 = arith.constant 0 : i32
      %dma_wait3A_66 = arith.constant 0 : i32
      %dma_wait3A_67 = tpu.memref_slice %arg3[%add3A, %dma_wait3A_65, %dma_wait3A_66] : memref<32x20x128xi32, #tpu.memory_space<hbm>> -> memref<1x20x128xi32, #tpu.memory_space<hbm>>
      %dma_wait3A_68 = tpu.memref_squeeze %dma_wait3A_67 : memref<1x20x128xi32, #tpu.memory_space<hbm>> -> memref<20x128xi32, #tpu.memory_space<hbm>>
      tpu.wait_dma2 semaphore(%run_scoped3A : memref<!tpu.dma_semaphore, #tpu.memory_space<semaphore_mem>>) src(%dma_wait3A_68 : memref<20x128xi32, #tpu.memory_space<hbm>>) dst(%arg5 : memref<20x128xi32, #tpu.memory_space<vmem>>)
      tpu.yield
    }) : () -> ()
    %dma_start3A = arith.constant 0 : i32
    %dma_start3A_3 = arith.constant 0 : i32
    %dma_start3A_4 = arith.constant 0 : i32
    %dma_start3A_5 = arith.constant 0 : i32
    %dma_start3A_6 = arith.constant 0 : i32
    %dma_start3A_7 = tpu.memref_slice %arg6[%dma_start3A_3, %dma_start3A_5, %dma_start3A_6] : memref<2x128x128xf32, #tpu.memory_space<vmem>> -> memref<1x128x128xf32, #tpu.memory_space<vmem>>
    %dma_start3A_8 = tpu.memref_squeeze %dma_start3A_7 : memref<1x128x128xf32, #tpu.memory_space<vmem>> -> memref<128x128xf32, #tpu.memory_space<vmem>>
    %dma_start3A_9 = arith.constant 0 : i32
    %dma_start3A_10 = tpu.memref_slice %arg5[%dma_start3A, %dma_start3A_9] : memref<20x128xi32, #tpu.memory_space<vmem>> -> memref<1x128xi32, #tpu.memory_space<vmem>>
    %dma_start3A_11 = tpu.memref_squeeze %dma_start3A_10 : memref<1x128xi32, #tpu.memory_space<vmem>> -> memref<128xi32, #tpu.memory_space<vmem>>
    %dma_start3A_12 = arith.constant 0 : i32
    %dma_start3A_13 = arith.constant 0 : i32
    %dma_start3A_14 = tpu.memref_slice %arg2[%dma_start3A_12, %dma_start3A_13] : memref<10000x128xf32, #tpu.memory_space<hbm>> -> memref<10000x128xf32, #tpu.memory_space<hbm>>
    %dma_start3A_15 = tpu.memref_slice %arg7[%dma_start3A_4] : memref<2x!tpu.dma_semaphore, #tpu.memory_space<semaphore_mem>> -> memref<1x!tpu.dma_semaphore, #tpu.memory_space<semaphore_mem>>
    %dma_start3A_16 = tpu.memref_squeeze %dma_start3A_15 : memref<1x!tpu.dma_semaphore, #tpu.memory_space<semaphore_mem>> -> memref<!tpu.dma_semaphore, #tpu.memory_space<semaphore_mem>>
    tpu.enqueue_indirect_dma source(%dma_start3A_14 : memref<10000x128xf32, #tpu.memory_space<hbm>>) target(%dma_start3A_8 : memref<128x128xf32, #tpu.memory_space<vmem>>) offsets(%dma_start3A_11 : memref<128xi32, #tpu.memory_space<vmem>>) semaphore(%dma_start3A_16 : memref<!tpu.dma_semaphore, #tpu.memory_space<semaphore_mem>>)
    %scan3A = arith.constant 0 : i32
    %scan3A_17 = arith.constant 0 : i32
    %scan3A_18 = arith.constant 10 : i32
    %scan3A_19 = arith.addi %scan3A_17, %scan3A_18 : i32
    %scan3A_20 = arith.constant 1 : i32
    scf.for %scan3A_53 = %scan3A_17 to %scan3A_19 step %scan3A_20  : i32 {
      %mul3A_54 = arith.constant 2 : i32
      %mul3A_55 = arith.muli %mul3A_54, %scan3A_53 : i32
      %add3A_56 = arith.constant 0 : i32
      %add3A_57 = arith.addi %mul3A_55, %add3A_56 : i32
      %lt3A = arith.constant 19 : i32
      %lt3A_58 = arith.cmpi slt, %add3A_57, %lt3A : i32
      %convert_element_type3A = arith.extui %lt3A_58 : i1 to i32
      %cond3A = arith.constant 0 : i32
      %cond3A_59 = arith.cmpi ne, %convert_element_type3A, %cond3A : i32
      scf.if %cond3A_59 {
        %ge3A = arith.constant 1 : i32
        %ge3A_135 = arith.cmpi sge, %add3A_57, %ge3A : i32
        %convert_element_type3A_136 = arith.extui %ge3A_135 : i1 to i32
        %cond3A_137 = arith.constant 0 : i32
        %cond3A_138 = arith.cmpi ne, %convert_element_type3A_136, %cond3A_137 : i32
        scf.if %cond3A_138 {
          %dma_wait3A_155 = arith.constant 1 : i32
          %dma_wait3A_156 = arith.constant 1 : i32
          %dma_wait3A_157 = arith.constant 0 : i32
          %dma_wait3A_158 = arith.constant 0 : i32
          %dma_wait3A_159 = tpu.memref_slice %arg6[%dma_wait3A_155, %dma_wait3A_157, %dma_wait3A_158] : memref<2x128x128xf32, #tpu.memory_space<vmem>> -> memref<1x128x128xf32, #tpu.memory_space<vmem>>
          %dma_wait3A_160 = tpu.memref_squeeze %dma_wait3A_159 : memref<1x128x128xf32, #tpu.memory_space<vmem>> -> memref<128x128xf32, #tpu.memory_space<vmem>>
          %dma_wait3A_161 = arith.constant 0 : i32
          %dma_wait3A_162 = tpu.memref_slice %arg4[%mul3A_2, %dma_wait3A_161] : memref<81920x128xf32, #tpu.memory_space<hbm>> -> memref<128x128xf32, #tpu.memory_space<hbm>>
          %dma_wait3A_163 = tpu.memref_slice %arg8[%dma_wait3A_156] : memref<2x!tpu.dma_semaphore, #tpu.memory_space<semaphore_mem>> -> memref<1x!tpu.dma_semaphore, #tpu.memory_space<semaphore_mem>>
          %dma_wait3A_164 = tpu.memref_squeeze %dma_wait3A_163 : memref<1x!tpu.dma_semaphore, #tpu.memory_space<semaphore_mem>> -> memref<!tpu.dma_semaphore, #tpu.memory_space<semaphore_mem>>
          %dma_wait3A_165 = arith.constant 0 : i32
          %dma_wait3A_166 = tpu.memref_slice %arg4[%mul3A_2, %dma_wait3A_165] : memref<81920x128xf32, #tpu.memory_space<hbm>> -> memref<128x128xf32, #tpu.memory_space<hbm>>
          %dma_wait3A_167 = arith.constant 0 : i32
          %dma_wait3A_168 = arith.constant 0 : i32
          %dma_wait3A_169 = tpu.memref_slice %arg6[%dma_wait3A_155, %dma_wait3A_167, %dma_wait3A_168] : memref<2x128x128xf32, #tpu.memory_space<vmem>> -> memref<1x128x128xf32, #tpu.memory_space<vmem>>
          %dma_wait3A_170 = tpu.memref_squeeze %dma_wait3A_169 : memref<1x128x128xf32, #tpu.memory_space<vmem>> -> memref<128x128xf32, #tpu.memory_space<vmem>>
          tpu.wait_dma2 semaphore(%dma_wait3A_164 : memref<!tpu.dma_semaphore, #tpu.memory_space<semaphore_mem>>) src(%dma_wait3A_170 : memref<128x128xf32, #tpu.memory_space<vmem>>) dst(%dma_wait3A_166 : memref<128x128xf32, #tpu.memory_space<hbm>>)
        } else {
        }
        %add3A_139 = arith.constant 1 : i32
        %add3A_140 = arith.addi %add3A_57, %add3A_139 : i32
        %dma_start3A_141 = arith.constant 1 : i32
        %dma_start3A_142 = arith.constant 1 : i32
        %dma_start3A_143 = arith.constant 0 : i32
        %dma_start3A_144 = arith.constant 0 : i32
        %dma_start3A_145 = tpu.memref_slice %arg6[%dma_start3A_141, %dma_start3A_143, %dma_start3A_144] : memref<2x128x128xf32, #tpu.memory_space<vmem>> -> memref<1x128x128xf32, #tpu.memory_space<vmem>>
        %dma_start3A_146 = tpu.memref_squeeze %dma_start3A_145 : memref<1x128x128xf32, #tpu.memory_space<vmem>> -> memref<128x128xf32, #tpu.memory_space<vmem>>
        %dma_start3A_147 = arith.constant 0 : i32
        %dma_start3A_148 = tpu.memref_slice %arg5[%add3A_140, %dma_start3A_147] : memref<20x128xi32, #tpu.memory_space<vmem>> -> memref<1x128xi32, #tpu.memory_space<vmem>>
        %dma_start3A_149 = tpu.memref_squeeze %dma_start3A_148 : memref<1x128xi32, #tpu.memory_space<vmem>> -> memref<128xi32, #tpu.memory_space<vmem>>
        %dma_start3A_150 = arith.constant 0 : i32
        %dma_start3A_151 = arith.constant 0 : i32
        %dma_start3A_152 = tpu.memref_slice %arg2[%dma_start3A_150, %dma_start3A_151] : memref<10000x128xf32, #tpu.memory_space<hbm>> -> memref<10000x128xf32, #tpu.memory_space<hbm>>
        %dma_start3A_153 = tpu.memref_slice %arg7[%dma_start3A_142] : memref<2x!tpu.dma_semaphore, #tpu.memory_space<semaphore_mem>> -> memref<1x!tpu.dma_semaphore, #tpu.memory_space<semaphore_mem>>
        %dma_start3A_154 = tpu.memref_squeeze %dma_start3A_153 : memref<1x!tpu.dma_semaphore, #tpu.memory_space<semaphore_mem>> -> memref<!tpu.dma_semaphore, #tpu.memory_space<semaphore_mem>>
        tpu.enqueue_indirect_dma source(%dma_start3A_152 : memref<10000x128xf32, #tpu.memory_space<hbm>>) target(%dma_start3A_146 : memref<128x128xf32, #tpu.memory_space<vmem>>) offsets(%dma_start3A_149 : memref<128xi32, #tpu.memory_space<vmem>>) semaphore(%dma_start3A_154 : memref<!tpu.dma_semaphore, #tpu.memory_space<semaphore_mem>>)
      } else {
      }
      %dma_wait3A_60 = arith.constant 0 : i32
      %dma_wait3A_61 = arith.constant 0 : i32
      %dma_wait3A_62 = arith.constant 0 : i32
      %dma_wait3A_63 = arith.constant 0 : i32
      %dma_wait3A_64 = tpu.memref_slice %arg6[%dma_wait3A_60, %dma_wait3A_62, %dma_wait3A_63] : memref<2x128x128xf32, #tpu.memory_space<vmem>> -> memref<1x128x128xf32, #tpu.memory_space<vmem>>
      %dma_wait3A_65 = tpu.memref_squeeze %dma_wait3A_64 : memref<1x128x128xf32, #tpu.memory_space<vmem>> -> memref<128x128xf32, #tpu.memory_space<vmem>>
      %dma_wait3A_66 = arith.constant 0 : i32
      %dma_wait3A_67 = tpu.memref_slice %arg5[%add3A_57, %dma_wait3A_66] : memref<20x128xi32, #tpu.memory_space<vmem>> -> memref<1x128xi32, #tpu.memory_space<vmem>>
      %dma_wait3A_68 = tpu.memref_squeeze %dma_wait3A_67 : memref<1x128xi32, #tpu.memory_space<vmem>> -> memref<128xi32, #tpu.memory_space<vmem>>
      %dma_wait3A_69 = arith.constant 0 : i32
      %dma_wait3A_70 = arith.constant 0 : i32
      %dma_wait3A_71 = tpu.memref_slice %arg2[%dma_wait3A_69, %dma_wait3A_70] : memref<10000x128xf32, #tpu.memory_space<hbm>> -> memref<10000x128xf32, #tpu.memory_space<hbm>>
      %dma_wait3A_72 = tpu.memref_slice %arg7[%dma_wait3A_61] : memref<2x!tpu.dma_semaphore, #tpu.memory_space<semaphore_mem>> -> memref<1x!tpu.dma_semaphore, #tpu.memory_space<semaphore_mem>>
      %dma_wait3A_73 = tpu.memref_squeeze %dma_wait3A_72 : memref<1x!tpu.dma_semaphore, #tpu.memory_space<semaphore_mem>> -> memref<!tpu.dma_semaphore, #tpu.memory_space<semaphore_mem>>
      tpu.wait_indirect_dma semaphore(%dma_wait3A_73 : memref<!tpu.dma_semaphore, #tpu.memory_space<semaphore_mem>>) src(%dma_wait3A_71 : memref<10000x128xf32, #tpu.memory_space<hbm>>) dst(%dma_wait3A_65 : memref<128x128xf32, #tpu.memory_space<vmem>>)
      %mul3A_74 = arith.constant 128 : i32
      %mul3A_75 = arith.muli %add3A_57, %mul3A_74 : i32
      %add3A_76 = arith.addi %mul3A_2, %mul3A_75 : i32
      %dma_start3A_77 = arith.constant 0 : i32
      %dma_start3A_78 = arith.constant 0 : i32
      %dma_start3A_79 = arith.constant 0 : i32
      %dma_start3A_80 = arith.constant 0 : i32
      %dma_start3A_81 = tpu.memref_slice %arg6[%dma_start3A_77, %dma_start3A_79, %dma_start3A_80] : memref<2x128x128xf32, #tpu.memory_space<vmem>> -> memref<1x128x128xf32, #tpu.memory_space<vmem>>
      %dma_start3A_82 = tpu.memref_squeeze %dma_start3A_81 : memref<1x128x128xf32, #tpu.memory_space<vmem>> -> memref<128x128xf32, #tpu.memory_space<vmem>>
      %dma_start3A_83 = arith.constant 0 : i32
      %dma_start3A_84 = tpu.memref_slice %arg4[%add3A_76, %dma_start3A_83] : memref<81920x128xf32, #tpu.memory_space<hbm>> -> memref<128x128xf32, #tpu.memory_space<hbm>>
      %dma_start3A_85 = tpu.memref_slice %arg8[%dma_start3A_78] : memref<2x!tpu.dma_semaphore, #tpu.memory_space<semaphore_mem>> -> memref<1x!tpu.dma_semaphore, #tpu.memory_space<semaphore_mem>>
      %dma_start3A_86 = tpu.memref_squeeze %dma_start3A_85 : memref<1x!tpu.dma_semaphore, #tpu.memory_space<semaphore_mem>> -> memref<!tpu.dma_semaphore, #tpu.memory_space<semaphore_mem>>
      %dma_start3A_87 = arith.constant 0 : i32
      %dma_start3A_88 = tpu.memref_slice %arg4[%add3A_76, %dma_start3A_87] : memref<81920x128xf32, #tpu.memory_space<hbm>> -> memref<128x128xf32, #tpu.memory_space<hbm>>
      %dma_start3A_89 = arith.constant 0 : i32
      %dma_start3A_90 = arith.constant 0 : i32
      %dma_start3A_91 = tpu.memref_slice %arg6[%dma_start3A_77, %dma_start3A_89, %dma_start3A_90] : memref<2x128x128xf32, #tpu.memory_space<vmem>> -> memref<1x128x128xf32, #tpu.memory_space<vmem>>
      %dma_start3A_92 = tpu.memref_squeeze %dma_start3A_91 : memref<1x128x128xf32, #tpu.memory_space<vmem>> -> memref<128x128xf32, #tpu.memory_space<vmem>>
      tpu.enqueue_dma source(%dma_start3A_92 : memref<128x128xf32, #tpu.memory_space<vmem>>) target(%dma_start3A_88 : memref<128x128xf32, #tpu.memory_space<hbm>>) target_semaphore(%dma_start3A_86 : memref<!tpu.dma_semaphore, #tpu.memory_space<semaphore_mem>>)
      %mul3A_93 = arith.constant 2 : i32
      %mul3A_94 = arith.muli %mul3A_93, %scan3A_53 : i32
      %add3A_95 = arith.constant 1 : i32
      %add3A_96 = arith.addi %mul3A_94, %add3A_95 : i32
      %lt3A_97 = arith.constant 19 : i32
      %lt3A_98 = arith.cmpi slt, %add3A_96, %lt3A_97 : i32
      %convert_element_type3A_99 = arith.extui %lt3A_98 : i1 to i32
      %cond3A_100 = arith.constant 0 : i32
      %cond3A_101 = arith.cmpi ne, %convert_element_type3A_99, %cond3A_100 : i32
      scf.if %cond3A_101 {
        %ge3A = arith.constant 1 : i32
        %ge3A_135 = arith.cmpi sge, %add3A_96, %ge3A : i32
        %convert_element_type3A_136 = arith.extui %ge3A_135 : i1 to i32
        %cond3A_137 = arith.constant 0 : i32
        %cond3A_138 = arith.cmpi ne, %convert_element_type3A_136, %cond3A_137 : i32
        scf.if %cond3A_138 {
          %dma_wait3A_155 = arith.constant 0 : i32
          %dma_wait3A_156 = arith.constant 0 : i32
          %dma_wait3A_157 = arith.constant 0 : i32
          %dma_wait3A_158 = arith.constant 0 : i32
          %dma_wait3A_159 = tpu.memref_slice %arg6[%dma_wait3A_155, %dma_wait3A_157, %dma_wait3A_158] : memref<2x128x128xf32, #tpu.memory_space<vmem>> -> memref<1x128x128xf32, #tpu.memory_space<vmem>>
          %dma_wait3A_160 = tpu.memref_squeeze %dma_wait3A_159 : memref<1x128x128xf32, #tpu.memory_space<vmem>> -> memref<128x128xf32, #tpu.memory_space<vmem>>
          %dma_wait3A_161 = arith.constant 0 : i32
          %dma_wait3A_162 = tpu.memref_slice %arg4[%mul3A_2, %dma_wait3A_161] : memref<81920x128xf32, #tpu.memory_space<hbm>> -> memref<128x128xf32, #tpu.memory_space<hbm>>
          %dma_wait3A_163 = tpu.memref_slice %arg8[%dma_wait3A_156] : memref<2x!tpu.dma_semaphore, #tpu.memory_space<semaphore_mem>> -> memref<1x!tpu.dma_semaphore, #tpu.memory_space<semaphore_mem>>
          %dma_wait3A_164 = tpu.memref_squeeze %dma_wait3A_163 : memref<1x!tpu.dma_semaphore, #tpu.memory_space<semaphore_mem>> -> memref<!tpu.dma_semaphore, #tpu.memory_space<semaphore_mem>>
          %dma_wait3A_165 = arith.constant 0 : i32
          %dma_wait3A_166 = tpu.memref_slice %arg4[%mul3A_2, %dma_wait3A_165] : memref<81920x128xf32, #tpu.memory_space<hbm>> -> memref<128x128xf32, #tpu.memory_space<hbm>>
          %dma_wait3A_167 = arith.constant 0 : i32
          %dma_wait3A_168 = arith.constant 0 : i32
          %dma_wait3A_169 = tpu.memref_slice %arg6[%dma_wait3A_155, %dma_wait3A_167, %dma_wait3A_168] : memref<2x128x128xf32, #tpu.memory_space<vmem>> -> memref<1x128x128xf32, #tpu.memory_space<vmem>>
          %dma_wait3A_170 = tpu.memref_squeeze %dma_wait3A_169 : memref<1x128x128xf32, #tpu.memory_space<vmem>> -> memref<128x128xf32, #tpu.memory_space<vmem>>
          tpu.wait_dma2 semaphore(%dma_wait3A_164 : memref<!tpu.dma_semaphore, #tpu.memory_space<semaphore_mem>>) src(%dma_wait3A_170 : memref<128x128xf32, #tpu.memory_space<vmem>>) dst(%dma_wait3A_166 : memref<128x128xf32, #tpu.memory_space<hbm>>)
        } else {
        }
        %add3A_139 = arith.constant 1 : i32
        %add3A_140 = arith.addi %add3A_96, %add3A_139 : i32
        %dma_start3A_141 = arith.constant 0 : i32
        %dma_start3A_142 = arith.constant 0 : i32
        %dma_start3A_143 = arith.constant 0 : i32
        %dma_start3A_144 = arith.constant 0 : i32
        %dma_start3A_145 = tpu.memref_slice %arg6[%dma_start3A_141, %dma_start3A_143, %dma_start3A_144] : memref<2x128x128xf32, #tpu.memory_space<vmem>> -> memref<1x128x128xf32, #tpu.memory_space<vmem>>
        %dma_start3A_146 = tpu.memref_squeeze %dma_start3A_145 : memref<1x128x128xf32, #tpu.memory_space<vmem>> -> memref<128x128xf32, #tpu.memory_space<vmem>>
        %dma_start3A_147 = arith.constant 0 : i32
        %dma_start3A_148 = tpu.memref_slice %arg5[%add3A_140, %dma_start3A_147] : memref<20x128xi32, #tpu.memory_space<vmem>> -> memref<1x128xi32, #tpu.memory_space<vmem>>
        %dma_start3A_149 = tpu.memref_squeeze %dma_start3A_148 : memref<1x128xi32, #tpu.memory_space<vmem>> -> memref<128xi32, #tpu.memory_space<vmem>>
        %dma_start3A_150 = arith.constant 0 : i32
        %dma_start3A_151 = arith.constant 0 : i32
        %dma_start3A_152 = tpu.memref_slice %arg2[%dma_start3A_150, %dma_start3A_151] : memref<10000x128xf32, #tpu.memory_space<hbm>> -> memref<10000x128xf32, #tpu.memory_space<hbm>>
        %dma_start3A_153 = tpu.memref_slice %arg7[%dma_start3A_142] : memref<2x!tpu.dma_semaphore, #tpu.memory_space<semaphore_mem>> -> memref<1x!tpu.dma_semaphore, #tpu.memory_space<semaphore_mem>>
        %dma_start3A_154 = tpu.memref_squeeze %dma_start3A_153 : memref<1x!tpu.dma_semaphore, #tpu.memory_space<semaphore_mem>> -> memref<!tpu.dma_semaphore, #tpu.memory_space<semaphore_mem>>
        tpu.enqueue_indirect_dma source(%dma_start3A_152 : memref<10000x128xf32, #tpu.memory_space<hbm>>) target(%dma_start3A_146 : memref<128x128xf32, #tpu.memory_space<vmem>>) offsets(%dma_start3A_149 : memref<128xi32, #tpu.memory_space<vmem>>) semaphore(%dma_start3A_154 : memref<!tpu.dma_semaphore, #tpu.memory_space<semaphore_mem>>)
      } else {
      }
      %dma_wait3A_102 = arith.constant 1 : i32
      %dma_wait3A_103 = arith.constant 1 : i32
      %dma_wait3A_104 = arith.constant 0 : i32
      %dma_wait3A_105 = arith.constant 0 : i32
      %dma_wait3A_106 = tpu.memref_slice %arg6[%dma_wait3A_102, %dma_wait3A_104, %dma_wait3A_105] : memref<2x128x128xf32, #tpu.memory_space<vmem>> -> memref<1x128x128xf32, #tpu.memory_space<vmem>>
      %dma_wait3A_107 = tpu.memref_squeeze %dma_wait3A_106 : memref<1x128x128xf32, #tpu.memory_space<vmem>> -> memref<128x128xf32, #tpu.memory_space<vmem>>
      %dma_wait3A_108 = arith.constant 0 : i32
      %dma_wait3A_109 = tpu.memref_slice %arg5[%add3A_96, %dma_wait3A_108] : memref<20x128xi32, #tpu.memory_space<vmem>> -> memref<1x128xi32, #tpu.memory_space<vmem>>
      %dma_wait3A_110 = tpu.memref_squeeze %dma_wait3A_109 : memref<1x128xi32, #tpu.memory_space<vmem>> -> memref<128xi32, #tpu.memory_space<vmem>>
      %dma_wait3A_111 = arith.constant 0 : i32
      %dma_wait3A_112 = arith.constant 0 : i32
      %dma_wait3A_113 = tpu.memref_slice %arg2[%dma_wait3A_111, %dma_wait3A_112] : memref<10000x128xf32, #tpu.memory_space<hbm>> -> memref<10000x128xf32, #tpu.memory_space<hbm>>
      %dma_wait3A_114 = tpu.memref_slice %arg7[%dma_wait3A_103] : memref<2x!tpu.dma_semaphore, #tpu.memory_space<semaphore_mem>> -> memref<1x!tpu.dma_semaphore, #tpu.memory_space<semaphore_mem>>
      %dma_wait3A_115 = tpu.memref_squeeze %dma_wait3A_114 : memref<1x!tpu.dma_semaphore, #tpu.memory_space<semaphore_mem>> -> memref<!tpu.dma_semaphore, #tpu.memory_space<semaphore_mem>>
      tpu.wait_indirect_dma semaphore(%dma_wait3A_115 : memref<!tpu.dma_semaphore, #tpu.memory_space<semaphore_mem>>) src(%dma_wait3A_113 : memref<10000x128xf32, #tpu.memory_space<hbm>>) dst(%dma_wait3A_107 : memref<128x128xf32, #tpu.memory_space<vmem>>)
      %mul3A_116 = arith.constant 128 : i32
      %mul3A_117 = arith.muli %add3A_96, %mul3A_116 : i32
      %add3A_118 = arith.addi %mul3A_2, %mul3A_117 : i32
      %dma_start3A_119 = arith.constant 1 : i32
      %dma_start3A_120 = arith.constant 1 : i32
      %dma_start3A_121 = arith.constant 0 : i32
      %dma_start3A_122 = arith.constant 0 : i32
      %dma_start3A_123 = tpu.memref_slice %arg6[%dma_start3A_119, %dma_start3A_121, %dma_start3A_122] : memref<2x128x128xf32, #tpu.memory_space<vmem>> -> memref<1x128x128xf32, #tpu.memory_space<vmem>>
      %dma_start3A_124 = tpu.memref_squeeze %dma_start3A_123 : memref<1x128x128xf32, #tpu.memory_space<vmem>> -> memref<128x128xf32, #tpu.memory_space<vmem>>
      %dma_start3A_125 = arith.constant 0 : i32
      %dma_start3A_126 = tpu.memref_slice %arg4[%add3A_118, %dma_start3A_125] : memref<81920x128xf32, #tpu.memory_space<hbm>> -> memref<128x128xf32, #tpu.memory_space<hbm>>
      %dma_start3A_127 = tpu.memref_slice %arg8[%dma_start3A_120] : memref<2x!tpu.dma_semaphore, #tpu.memory_space<semaphore_mem>> -> memref<1x!tpu.dma_semaphore, #tpu.memory_space<semaphore_mem>>
      %dma_start3A_128 = tpu.memref_squeeze %dma_start3A_127 : memref<1x!tpu.dma_semaphore, #tpu.memory_space<semaphore_mem>> -> memref<!tpu.dma_semaphore, #tpu.memory_space<semaphore_mem>>
      %dma_start3A_129 = arith.constant 0 : i32
      %dma_start3A_130 = tpu.memref_slice %arg4[%add3A_118, %dma_start3A_129] : memref<81920x128xf32, #tpu.memory_space<hbm>> -> memref<128x128xf32, #tpu.memory_space<hbm>>
      %dma_start3A_131 = arith.constant 0 : i32
      %dma_start3A_132 = arith.constant 0 : i32
      %dma_start3A_133 = tpu.memref_slice %arg6[%dma_start3A_119, %dma_start3A_131, %dma_start3A_132] : memref<2x128x128xf32, #tpu.memory_space<vmem>> -> memref<1x128x128xf32, #tpu.memory_space<vmem>>
      %dma_start3A_134 = tpu.memref_squeeze %dma_start3A_133 : memref<1x128x128xf32, #tpu.memory_space<vmem>> -> memref<128x128xf32, #tpu.memory_space<vmem>>
      tpu.enqueue_dma source(%dma_start3A_134 : memref<128x128xf32, #tpu.memory_space<vmem>>) target(%dma_start3A_130 : memref<128x128xf32, #tpu.memory_space<hbm>>) target_semaphore(%dma_start3A_128 : memref<!tpu.dma_semaphore, #tpu.memory_space<semaphore_mem>>)
    }
    %scan3A_21 = arith.constant 10 : i32
    %dma_wait3A = arith.constant 0 : i32
    %dma_wait3A_22 = arith.constant 0 : i32
    %dma_wait3A_23 = arith.constant 0 : i32
    %dma_wait3A_24 = arith.constant 0 : i32
    %dma_wait3A_25 = tpu.memref_slice %arg6[%dma_wait3A, %dma_wait3A_23, %dma_wait3A_24] : memref<2x128x128xf32, #tpu.memory_space<vmem>> -> memref<1x128x128xf32, #tpu.memory_space<vmem>>
    %dma_wait3A_26 = tpu.memref_squeeze %dma_wait3A_25 : memref<1x128x128xf32, #tpu.memory_space<vmem>> -> memref<128x128xf32, #tpu.memory_space<vmem>>
    %dma_wait3A_27 = arith.constant 0 : i32
    %dma_wait3A_28 = tpu.memref_slice %arg4[%mul3A_2, %dma_wait3A_27] : memref<81920x128xf32, #tpu.memory_space<hbm>> -> memref<128x128xf32, #tpu.memory_space<hbm>>
    %dma_wait3A_29 = tpu.memref_slice %arg8[%dma_wait3A_22] : memref<2x!tpu.dma_semaphore, #tpu.memory_space<semaphore_mem>> -> memref<1x!tpu.dma_semaphore, #tpu.memory_space<semaphore_mem>>
    %dma_wait3A_30 = tpu.memref_squeeze %dma_wait3A_29 : memref<1x!tpu.dma_semaphore, #tpu.memory_space<semaphore_mem>> -> memref<!tpu.dma_semaphore, #tpu.memory_space<semaphore_mem>>
    %dma_wait3A_31 = arith.constant 0 : i32
    %dma_wait3A_32 = tpu.memref_slice %arg4[%mul3A_2, %dma_wait3A_31] : memref<81920x128xf32, #tpu.memory_space<hbm>> -> memref<128x128xf32, #tpu.memory_space<hbm>>
    %dma_wait3A_33 = arith.constant 0 : i32
    %dma_wait3A_34 = arith.constant 0 : i32
    %dma_wait3A_35 = tpu.memref_slice %arg6[%dma_wait3A, %dma_wait3A_33, %dma_wait3A_34] : memref<2x128x128xf32, #tpu.memory_space<vmem>> -> memref<1x128x128xf32, #tpu.memory_space<vmem>>
    %dma_wait3A_36 = tpu.memref_squeeze %dma_wait3A_35 : memref<1x128x128xf32, #tpu.memory_space<vmem>> -> memref<128x128xf32, #tpu.memory_space<vmem>>
    tpu.wait_dma2 semaphore(%dma_wait3A_30 : memref<!tpu.dma_semaphore, #tpu.memory_space<semaphore_mem>>) src(%dma_wait3A_36 : memref<128x128xf32, #tpu.memory_space<vmem>>) dst(%dma_wait3A_32 : memref<128x128xf32, #tpu.memory_space<hbm>>)
    %dma_wait3A_37 = arith.constant 1 : i32
    %dma_wait3A_38 = arith.constant 1 : i32
    %dma_wait3A_39 = arith.constant 0 : i32
    %dma_wait3A_40 = arith.constant 0 : i32
    %dma_wait3A_41 = tpu.memref_slice %arg6[%dma_wait3A_37, %dma_wait3A_39, %dma_wait3A_40] : memref<2x128x128xf32, #tpu.memory_space<vmem>> -> memref<1x128x128xf32, #tpu.memory_space<vmem>>
    %dma_wait3A_42 = tpu.memref_squeeze %dma_wait3A_41 : memref<1x128x128xf32, #tpu.memory_space<vmem>> -> memref<128x128xf32, #tpu.memory_space<vmem>>
    %dma_wait3A_43 = arith.constant 0 : i32
    %dma_wait3A_44 = tpu.memref_slice %arg4[%mul3A_2, %dma_wait3A_43] : memref<81920x128xf32, #tpu.memory_space<hbm>> -> memref<128x128xf32, #tpu.memory_space<hbm>>
    %dma_wait3A_45 = tpu.memref_slice %arg8[%dma_wait3A_38] : memref<2x!tpu.dma_semaphore, #tpu.memory_space<semaphore_mem>> -> memref<1x!tpu.dma_semaphore, #tpu.memory_space<semaphore_mem>>
    %dma_wait3A_46 = tpu.memref_squeeze %dma_wait3A_45 : memref<1x!tpu.dma_semaphore, #tpu.memory_space<semaphore_mem>> -> memref<!tpu.dma_semaphore, #tpu.memory_space<semaphore_mem>>
    %dma_wait3A_47 = arith.constant 0 : i32
    %dma_wait3A_48 = tpu.memref_slice %arg4[%mul3A_2, %dma_wait3A_47] : memref<81920x128xf32, #tpu.memory_space<hbm>> -> memref<128x128xf32, #tpu.memory_space<hbm>>
    %dma_wait3A_49 = arith.constant 0 : i32
    %dma_wait3A_50 = arith.constant 0 : i32
    %dma_wait3A_51 = tpu.memref_slice %arg6[%dma_wait3A_37, %dma_wait3A_49, %dma_wait3A_50] : memref<2x128x128xf32, #tpu.memory_space<vmem>> -> memref<1x128x128xf32, #tpu.memory_space<vmem>>
    %dma_wait3A_52 = tpu.memref_squeeze %dma_wait3A_51 : memref<1x128x128xf32, #tpu.memory_space<vmem>> -> memref<128x128xf32, #tpu.memory_space<vmem>>
    tpu.wait_dma2 semaphore(%dma_wait3A_46 : memref<!tpu.dma_semaphore, #tpu.memory_space<semaphore_mem>>) src(%dma_wait3A_52 : memref<128x128xf32, #tpu.memory_space<vmem>>) dst(%dma_wait3A_48 : memref<128x128xf32, #tpu.memory_space<hbm>>)
    return
  }
}

#map = affine_map<(d0, d1) -> (0, 0)>
#map1 = affine_map<(d0, d1) -> (0, 0, 0)>
module attributes {stable_mosaic.version = 14 : i64} {
  func.func @scatter(%arg0: i32, %arg1: i32, %arg2: memref<81920x128xf32, #tpu.memory_space<hbm>>, %arg3: memref<81920x128xf32, #tpu.memory_space<hbm>>, %arg4: memref<32x40x128xi32, #tpu.memory_space<hbm>>, %arg5: memref<5120x128xf32, #tpu.memory_space<hbm>>, %arg6: memref<2x5120x128xf32, #tpu.memory_space<hbm>>, %arg7: memref<5120x128xf32, #tpu.memory_space<vmem_shared>>, %arg8: memref<40x128xi32, #tpu.memory_space<vmem>>, %arg9: memref<2x128x128xf32, #tpu.memory_space<vmem>>, %arg10: memref<2x!tpu.dma_semaphore, #tpu.memory_space<semaphore_mem>>) attributes {dimension_semantics = [#tpu.dimension_semantics<core_parallel>, #tpu.dimension_semantics<subcore_parallel>], iteration_bounds = array<i64: 2, 16>, scalar_prefetch = 0 : i64, scratch_operands = 4 : i64, tpu.core_type = #tpu.core_type<sc_vector_subcore>, window_params = [{transform_indices = #map}, {transform_indices = #map}, {transform_indices = #map1}, {transform_indices = #map}, {transform_indices = #map1}]} {
    %mul3A = arith.constant 2 : i32
    %mul3A_0 = arith.muli %arg1, %mul3A : i32
    %add3A = arith.addi %mul3A_0, %arg0 : i32
    %mul3A_1 = arith.constant 320 : i32
    %mul3A_2 = arith.muli %arg1, %mul3A_1 : i32
    %scan3A = arith.constant 0 : i32
    %scan3A_3 = arith.constant 0 : i32
    %scan3A_4 = arith.constant 5 : i32
    %scan3A_5 = arith.addi %scan3A_3, %scan3A_4 : i32
    %scan3A_6 = arith.constant 1 : i32
    scf.for %scan3A_21 = %scan3A_3 to %scan3A_5 step %scan3A_6  : i32 {
      %mul3A_22 = arith.constant 64 : i32
      %mul3A_23 = arith.muli %scan3A_21, %mul3A_22 : i32
      %add3A_24 = arith.addi %mul3A_2, %mul3A_23 : i32
      %run_scoped3A = arith.constant 0 : i32
      "tpu.region"() ({
        %run_scoped3A_26 = tpu.sem_alloc : memref<!tpu.dma_semaphore, #tpu.memory_space<semaphore_mem>>
        %dma_start3A = arith.constant 0 : i32
        %dma_start3A_27 = arith.constant 0 : i32
        %dma_start3A_28 = tpu.memref_slice %arg9[%run_scoped3A, %dma_start3A, %dma_start3A_27] : memref<2x128x128xf32, #tpu.memory_space<vmem>> -> memref<1x64x128xf32, #tpu.memory_space<vmem>>
        %dma_start3A_29 = tpu.memref_squeeze %dma_start3A_28 : memref<1x64x128xf32, #tpu.memory_space<vmem>> -> memref<64x128xf32, #tpu.memory_space<vmem>>
        %dma_start3A_30 = arith.constant 0 : i32
        %dma_start3A_31 = tpu.memref_slice %arg5[%add3A_24, %dma_start3A_30] : memref<5120x128xf32, #tpu.memory_space<hbm>> -> memref<64x128xf32, #tpu.memory_space<hbm>>
        %dma_start3A_32 = arith.constant 0 : i32
        %dma_start3A_33 = arith.constant 0 : i32
        %dma_start3A_34 = tpu.memref_slice %arg9[%run_scoped3A, %dma_start3A_32, %dma_start3A_33] : memref<2x128x128xf32, #tpu.memory_space<vmem>> -> memref<1x64x128xf32, #tpu.memory_space<vmem>>
        %dma_start3A_35 = tpu.memref_squeeze %dma_start3A_34 : memref<1x64x128xf32, #tpu.memory_space<vmem>> -> memref<64x128xf32, #tpu.memory_space<vmem>>
        %dma_start3A_36 = arith.constant 0 : i32
        %dma_start3A_37 = tpu.memref_slice %arg5[%add3A_24, %dma_start3A_36] : memref<5120x128xf32, #tpu.memory_space<hbm>> -> memref<64x128xf32, #tpu.memory_space<hbm>>
        tpu.enqueue_dma source(%dma_start3A_37 : memref<64x128xf32, #tpu.memory_space<hbm>>) target(%dma_start3A_35 : memref<64x128xf32, #tpu.memory_space<vmem>>) target_semaphore(%run_scoped3A_26 : memref<!tpu.dma_semaphore, #tpu.memory_space<semaphore_mem>>)
        %dma_wait3A = arith.constant 0 : i32
        %dma_wait3A_38 = arith.constant 0 : i32
        %dma_wait3A_39 = tpu.memref_slice %arg9[%run_scoped3A, %dma_wait3A, %dma_wait3A_38] : memref<2x128x128xf32, #tpu.memory_space<vmem>> -> memref<1x64x128xf32, #tpu.memory_space<vmem>>
        %dma_wait3A_40 = tpu.memref_squeeze %dma_wait3A_39 : memref<1x64x128xf32, #tpu.memory_space<vmem>> -> memref<64x128xf32, #tpu.memory_space<vmem>>
        %dma_wait3A_41 = arith.constant 0 : i32
        %dma_wait3A_42 = tpu.memref_slice %arg5[%add3A_24, %dma_wait3A_41] : memref<5120x128xf32, #tpu.memory_space<hbm>> -> memref<64x128xf32, #tpu.memory_space<hbm>>
        %dma_wait3A_43 = arith.constant 0 : i32
        %dma_wait3A_44 = arith.constant 0 : i32
        %dma_wait3A_45 = tpu.memref_slice %arg9[%run_scoped3A, %dma_wait3A_43, %dma_wait3A_44] : memref<2x128x128xf32, #tpu.memory_space<vmem>> -> memref<1x64x128xf32, #tpu.memory_space<vmem>>
        %dma_wait3A_46 = tpu.memref_squeeze %dma_wait3A_45 : memref<1x64x128xf32, #tpu.memory_space<vmem>> -> memref<64x128xf32, #tpu.memory_space<vmem>>
        %dma_wait3A_47 = arith.constant 0 : i32
        %dma_wait3A_48 = tpu.memref_slice %arg5[%add3A_24, %dma_wait3A_47] : memref<5120x128xf32, #tpu.memory_space<hbm>> -> memref<64x128xf32, #tpu.memory_space<hbm>>
        tpu.wait_dma2 semaphore(%run_scoped3A_26 : memref<!tpu.dma_semaphore, #tpu.memory_space<semaphore_mem>>) src(%dma_wait3A_48 : memref<64x128xf32, #tpu.memory_space<hbm>>) dst(%dma_wait3A_46 : memref<64x128xf32, #tpu.memory_space<vmem>>)
        tpu.yield
      }) : () -> ()
      %run_scoped3A_25 = arith.constant 0 : i32
      "tpu.region"() ({
        %run_scoped3A_26 = tpu.sem_alloc : memref<!tpu.dma_semaphore, #tpu.memory_space<semaphore_mem>>
        %dma_start3A = arith.constant 0 : i32
        %dma_start3A_27 = arith.constant 0 : i32
        %dma_start3A_28 = tpu.memref_slice %arg9[%run_scoped3A_25, %dma_start3A, %dma_start3A_27] : memref<2x128x128xf32, #tpu.memory_space<vmem>> -> memref<1x64x128xf32, #tpu.memory_space<vmem>>
        %dma_start3A_29 = tpu.memref_squeeze %dma_start3A_28 : memref<1x64x128xf32, #tpu.memory_space<vmem>> -> memref<64x128xf32, #tpu.memory_space<vmem>>
        %dma_start3A_30 = arith.constant 0 : i32
        %dma_start3A_31 = tpu.memref_slice %arg7[%add3A_24, %dma_start3A_30] : memref<5120x128xf32, #tpu.memory_space<vmem_shared>> -> memref<64x128xf32, #tpu.memory_space<vmem_shared>>
        %dma_start3A_32 = arith.constant 0 : i32
        %dma_start3A_33 = tpu.memref_slice %arg7[%add3A_24, %dma_start3A_32] : memref<5120x128xf32, #tpu.memory_space<vmem_shared>> -> memref<64x128xf32, #tpu.memory_space<vmem_shared>>
        %dma_start3A_34 = arith.constant 0 : i32
        %dma_start3A_35 = arith.constant 0 : i32
        %dma_start3A_36 = tpu.memref_slice %arg9[%run_scoped3A_25, %dma_start3A_34, %dma_start3A_35] : memref<2x128x128xf32, #tpu.memory_space<vmem>> -> memref<1x64x128xf32, #tpu.memory_space<vmem>>
        %dma_start3A_37 = tpu.memref_squeeze %dma_start3A_36 : memref<1x64x128xf32, #tpu.memory_space<vmem>> -> memref<64x128xf32, #tpu.memory_space<vmem>>
        tpu.enqueue_dma source(%dma_start3A_37 : memref<64x128xf32, #tpu.memory_space<vmem>>) target(%dma_start3A_33 : memref<64x128xf32, #tpu.memory_space<vmem_shared>>) target_semaphore(%run_scoped3A_26 : memref<!tpu.dma_semaphore, #tpu.memory_space<semaphore_mem>>)
        %dma_wait3A = arith.constant 0 : i32
        %dma_wait3A_38 = arith.constant 0 : i32
        %dma_wait3A_39 = tpu.memref_slice %arg9[%run_scoped3A_25, %dma_wait3A, %dma_wait3A_38] : memref<2x128x128xf32, #tpu.memory_space<vmem>> -> memref<1x64x128xf32, #tpu.memory_space<vmem>>
        %dma_wait3A_40 = tpu.memref_squeeze %dma_wait3A_39 : memref<1x64x128xf32, #tpu.memory_space<vmem>> -> memref<64x128xf32, #tpu.memory_space<vmem>>
        %dma_wait3A_41 = arith.constant 0 : i32
        %dma_wait3A_42 = tpu.memref_slice %arg7[%add3A_24, %dma_wait3A_41] : memref<5120x128xf32, #tpu.memory_space<vmem_shared>> -> memref<64x128xf32, #tpu.memory_space<vmem_shared>>
        %dma_wait3A_43 = arith.constant 0 : i32
        %dma_wait3A_44 = tpu.memref_slice %arg7[%add3A_24, %dma_wait3A_43] : memref<5120x128xf32, #tpu.memory_space<vmem_shared>> -> memref<64x128xf32, #tpu.memory_space<vmem_shared>>
        %dma_wait3A_45 = arith.constant 0 : i32
        %dma_wait3A_46 = arith.constant 0 : i32
        %dma_wait3A_47 = tpu.memref_slice %arg9[%run_scoped3A_25, %dma_wait3A_45, %dma_wait3A_46] : memref<2x128x128xf32, #tpu.memory_space<vmem>> -> memref<1x64x128xf32, #tpu.memory_space<vmem>>
        %dma_wait3A_48 = tpu.memref_squeeze %dma_wait3A_47 : memref<1x64x128xf32, #tpu.memory_space<vmem>> -> memref<64x128xf32, #tpu.memory_space<vmem>>
        tpu.wait_dma2 semaphore(%run_scoped3A_26 : memref<!tpu.dma_semaphore, #tpu.memory_space<semaphore_mem>>) src(%dma_wait3A_48 : memref<64x128xf32, #tpu.memory_space<vmem>>) dst(%dma_wait3A_44 : memref<64x128xf32, #tpu.memory_space<vmem_shared>>)
        tpu.yield
      }) : () -> ()
    }
    %scan3A_7 = arith.constant 5 : i32
    "tpu.region"() ({
      %run_scoped3A = tpu.sem_alloc : memref<!tpu.dma_semaphore, #tpu.memory_space<semaphore_mem>>
      %dma_start3A = arith.constant 0 : i32
      %dma_start3A_21 = arith.constant 0 : i32
      %dma_start3A_22 = tpu.memref_slice %arg4[%add3A, %dma_start3A, %dma_start3A_21] : memref<32x40x128xi32, #tpu.memory_space<hbm>> -> memref<1x40x128xi32, #tpu.memory_space<hbm>>
      %dma_start3A_23 = tpu.memref_squeeze %dma_start3A_22 : memref<1x40x128xi32, #tpu.memory_space<hbm>> -> memref<40x128xi32, #tpu.memory_space<hbm>>
      %dma_start3A_24 = arith.constant 0 : i32
      %dma_start3A_25 = arith.constant 0 : i32
      %dma_start3A_26 = tpu.memref_slice %arg4[%add3A, %dma_start3A_24, %dma_start3A_25] : memref<32x40x128xi32, #tpu.memory_space<hbm>> -> memref<1x40x128xi32, #tpu.memory_space<hbm>>
      %dma_start3A_27 = tpu.memref_squeeze %dma_start3A_26 : memref<1x40x128xi32, #tpu.memory_space<hbm>> -> memref<40x128xi32, #tpu.memory_space<hbm>>
      tpu.enqueue_dma source(%dma_start3A_27 : memref<40x128xi32, #tpu.memory_space<hbm>>) target(%arg8 : memref<40x128xi32, #tpu.memory_space<vmem>>) target_semaphore(%run_scoped3A : memref<!tpu.dma_semaphore, #tpu.memory_space<semaphore_mem>>)
      %dma_wait3A = arith.constant 0 : i32
      %dma_wait3A_28 = arith.constant 0 : i32
      %dma_wait3A_29 = tpu.memref_slice %arg4[%add3A, %dma_wait3A, %dma_wait3A_28] : memref<32x40x128xi32, #tpu.memory_space<hbm>> -> memref<1x40x128xi32, #tpu.memory_space<hbm>>
      %dma_wait3A_30 = tpu.memref_squeeze %dma_wait3A_29 : memref<1x40x128xi32, #tpu.memory_space<hbm>> -> memref<40x128xi32, #tpu.memory_space<hbm>>
      %dma_wait3A_31 = arith.constant 0 : i32
      %dma_wait3A_32 = arith.constant 0 : i32
      %dma_wait3A_33 = tpu.memref_slice %arg4[%add3A, %dma_wait3A_31, %dma_wait3A_32] : memref<32x40x128xi32, #tpu.memory_space<hbm>> -> memref<1x40x128xi32, #tpu.memory_space<hbm>>
      %dma_wait3A_34 = tpu.memref_squeeze %dma_wait3A_33 : memref<1x40x128xi32, #tpu.memory_space<hbm>> -> memref<40x128xi32, #tpu.memory_space<hbm>>
      tpu.wait_dma2 semaphore(%run_scoped3A : memref<!tpu.dma_semaphore, #tpu.memory_space<semaphore_mem>>) src(%dma_wait3A_34 : memref<40x128xi32, #tpu.memory_space<hbm>>) dst(%arg8 : memref<40x128xi32, #tpu.memory_space<vmem>>)
      tpu.yield
    }) : () -> ()
    %barrier3A = arith.constant 0 : index
    tpu.barrier barrier_id(%barrier3A)
    %lt3A = arith.constant 8 : i32
    %lt3A_8 = arith.cmpi slt, %arg1, %lt3A : i32
    %convert_element_type3A = arith.extui %lt3A_8 : i1 to i32
    %cond3A = arith.constant 0 : i32
    %cond3A_9 = arith.cmpi ne, %convert_element_type3A, %cond3A : i32
    scf.if %cond3A_9 {
      %mul3A_21 = arith.constant 5120 : i32
      %mul3A_22 = arith.muli %add3A, %mul3A_21 : i32
      %dma_start3A = arith.constant 0 : i32
      %dma_start3A_23 = arith.constant 0 : i32
      %dma_start3A_24 = arith.constant 0 : i32
      %dma_start3A_25 = arith.constant 0 : i32
      %dma_start3A_26 = tpu.memref_slice %arg9[%dma_start3A, %dma_start3A_24, %dma_start3A_25] : memref<2x128x128xf32, #tpu.memory_space<vmem>> -> memref<1x128x128xf32, #tpu.memory_space<vmem>>
      %dma_start3A_27 = tpu.memref_squeeze %dma_start3A_26 : memref<1x128x128xf32, #tpu.memory_space<vmem>> -> memref<128x128xf32, #tpu.memory_space<vmem>>
      %dma_start3A_28 = arith.constant 0 : i32
      %dma_start3A_29 = tpu.memref_slice %arg2[%mul3A_22, %dma_start3A_28] : memref<81920x128xf32, #tpu.memory_space<hbm>> -> memref<128x128xf32, #tpu.memory_space<hbm>>
      %dma_start3A_30 = tpu.memref_slice %arg10[%dma_start3A_23] : memref<2x!tpu.dma_semaphore, #tpu.memory_space<semaphore_mem>> -> memref<1x!tpu.dma_semaphore, #tpu.memory_space<semaphore_mem>>
      %dma_start3A_31 = tpu.memref_squeeze %dma_start3A_30 : memref<1x!tpu.dma_semaphore, #tpu.memory_space<semaphore_mem>> -> memref<!tpu.dma_semaphore, #tpu.memory_space<semaphore_mem>>
      %dma_start3A_32 = arith.constant 0 : i32
      %dma_start3A_33 = arith.constant 0 : i32
      %dma_start3A_34 = tpu.memref_slice %arg9[%dma_start3A, %dma_start3A_32, %dma_start3A_33] : memref<2x128x128xf32, #tpu.memory_space<vmem>> -> memref<1x128x128xf32, #tpu.memory_space<vmem>>
      %dma_start3A_35 = tpu.memref_squeeze %dma_start3A_34 : memref<1x128x128xf32, #tpu.memory_space<vmem>> -> memref<128x128xf32, #tpu.memory_space<vmem>>
      %dma_start3A_36 = arith.constant 0 : i32
      %dma_start3A_37 = tpu.memref_slice %arg2[%mul3A_22, %dma_start3A_36] : memref<81920x128xf32, #tpu.memory_space<hbm>> -> memref<128x128xf32, #tpu.memory_space<hbm>>
      tpu.enqueue_dma source(%dma_start3A_37 : memref<128x128xf32, #tpu.memory_space<hbm>>) target(%dma_start3A_35 : memref<128x128xf32, #tpu.memory_space<vmem>>) target_semaphore(%dma_start3A_31 : memref<!tpu.dma_semaphore, #tpu.memory_space<semaphore_mem>>)
      %scan3A_38 = arith.constant 0 : i32
      %scan3A_39 = arith.constant 0 : i32
      %scan3A_40 = arith.constant 20 : i32
      %scan3A_41 = arith.addi %scan3A_39, %scan3A_40 : i32
      %scan3A_42 = arith.constant 1 : i32
      scf.for %scan3A_44 = %scan3A_39 to %scan3A_41 step %scan3A_42  : i32 {
        %mul3A_45 = arith.constant 2 : i32
        %mul3A_46 = arith.muli %mul3A_45, %scan3A_44 : i32
        %add3A_47 = arith.constant 0 : i32
        %add3A_48 = arith.addi %mul3A_46, %add3A_47 : i32
        %lt3A_49 = arith.constant 39 : i32
        %lt3A_50 = arith.cmpi slt, %add3A_48, %lt3A_49 : i32
        %convert_element_type3A_51 = arith.extui %lt3A_50 : i1 to i32
        %cond3A_52 = arith.constant 0 : i32
        %cond3A_53 = arith.cmpi ne, %convert_element_type3A_51, %cond3A_52 : i32
        scf.if %cond3A_53 {
          %add3A_95 = arith.constant 1 : i32
          %add3A_96 = arith.addi %add3A_48, %add3A_95 : i32
          %mul3A_97 = arith.constant 128 : i32
          %mul3A_98 = arith.muli %add3A_96, %mul3A_97 : i32
          %add3A_99 = arith.addi %mul3A_22, %mul3A_98 : i32
          %dma_start3A_100 = arith.constant 1 : i32
          %dma_start3A_101 = arith.constant 1 : i32
          %dma_start3A_102 = arith.constant 0 : i32
          %dma_start3A_103 = arith.constant 0 : i32
          %dma_start3A_104 = tpu.memref_slice %arg9[%dma_start3A_100, %dma_start3A_102, %dma_start3A_103] : memref<2x128x128xf32, #tpu.memory_space<vmem>> -> memref<1x128x128xf32, #tpu.memory_space<vmem>>
          %dma_start3A_105 = tpu.memref_squeeze %dma_start3A_104 : memref<1x128x128xf32, #tpu.memory_space<vmem>> -> memref<128x128xf32, #tpu.memory_space<vmem>>
          %dma_start3A_106 = arith.constant 0 : i32
          %dma_start3A_107 = tpu.memref_slice %arg2[%add3A_99, %dma_start3A_106] : memref<81920x128xf32, #tpu.memory_space<hbm>> -> memref<128x128xf32, #tpu.memory_space<hbm>>
          %dma_start3A_108 = tpu.memref_slice %arg10[%dma_start3A_101] : memref<2x!tpu.dma_semaphore, #tpu.memory_space<semaphore_mem>> -> memref<1x!tpu.dma_semaphore, #tpu.memory_space<semaphore_mem>>
          %dma_start3A_109 = tpu.memref_squeeze %dma_start3A_108 : memref<1x!tpu.dma_semaphore, #tpu.memory_space<semaphore_mem>> -> memref<!tpu.dma_semaphore, #tpu.memory_space<semaphore_mem>>
          %dma_start3A_110 = arith.constant 0 : i32
          %dma_start3A_111 = arith.constant 0 : i32
          %dma_start3A_112 = tpu.memref_slice %arg9[%dma_start3A_100, %dma_start3A_110, %dma_start3A_111] : memref<2x128x128xf32, #tpu.memory_space<vmem>> -> memref<1x128x128xf32, #tpu.memory_space<vmem>>
          %dma_start3A_113 = tpu.memref_squeeze %dma_start3A_112 : memref<1x128x128xf32, #tpu.memory_space<vmem>> -> memref<128x128xf32, #tpu.memory_space<vmem>>
          %dma_start3A_114 = arith.constant 0 : i32
          %dma_start3A_115 = tpu.memref_slice %arg2[%add3A_99, %dma_start3A_114] : memref<81920x128xf32, #tpu.memory_space<hbm>> -> memref<128x128xf32, #tpu.memory_space<hbm>>
          tpu.enqueue_dma source(%dma_start3A_115 : memref<128x128xf32, #tpu.memory_space<hbm>>) target(%dma_start3A_113 : memref<128x128xf32, #tpu.memory_space<vmem>>) target_semaphore(%dma_start3A_109 : memref<!tpu.dma_semaphore, #tpu.memory_space<semaphore_mem>>)
        } else {
        }
        %dma_wait3A = arith.constant 0 : i32
        %dma_wait3A_54 = arith.constant 0 : i32
        %dma_wait3A_55 = arith.constant 0 : i32
        %dma_wait3A_56 = arith.constant 0 : i32
        %dma_wait3A_57 = tpu.memref_slice %arg9[%dma_wait3A, %dma_wait3A_55, %dma_wait3A_56] : memref<2x128x128xf32, #tpu.memory_space<vmem>> -> memref<1x128x128xf32, #tpu.memory_space<vmem>>
        %dma_wait3A_58 = tpu.memref_squeeze %dma_wait3A_57 : memref<1x128x128xf32, #tpu.memory_space<vmem>> -> memref<128x128xf32, #tpu.memory_space<vmem>>
        %dma_wait3A_59 = arith.constant 0 : i32
        %dma_wait3A_60 = tpu.memref_slice %arg2[%mul3A_22, %dma_wait3A_59] : memref<81920x128xf32, #tpu.memory_space<hbm>> -> memref<128x128xf32, #tpu.memory_space<hbm>>
        %dma_wait3A_61 = tpu.memref_slice %arg10[%dma_wait3A_54] : memref<2x!tpu.dma_semaphore, #tpu.memory_space<semaphore_mem>> -> memref<1x!tpu.dma_semaphore, #tpu.memory_space<semaphore_mem>>
        %dma_wait3A_62 = tpu.memref_squeeze %dma_wait3A_61 : memref<1x!tpu.dma_semaphore, #tpu.memory_space<semaphore_mem>> -> memref<!tpu.dma_semaphore, #tpu.memory_space<semaphore_mem>>
        %dma_wait3A_63 = arith.constant 0 : i32
        %dma_wait3A_64 = arith.constant 0 : i32
        %dma_wait3A_65 = tpu.memref_slice %arg9[%dma_wait3A, %dma_wait3A_63, %dma_wait3A_64] : memref<2x128x128xf32, #tpu.memory_space<vmem>> -> memref<1x128x128xf32, #tpu.memory_space<vmem>>
        %dma_wait3A_66 = tpu.memref_squeeze %dma_wait3A_65 : memref<1x128x128xf32, #tpu.memory_space<vmem>> -> memref<128x128xf32, #tpu.memory_space<vmem>>
        %dma_wait3A_67 = arith.constant 0 : i32
        %dma_wait3A_68 = tpu.memref_slice %arg2[%mul3A_22, %dma_wait3A_67] : memref<81920x128xf32, #tpu.memory_space<hbm>> -> memref<128x128xf32, #tpu.memory_space<hbm>>
        tpu.wait_dma2 semaphore(%dma_wait3A_62 : memref<!tpu.dma_semaphore, #tpu.memory_space<semaphore_mem>>) src(%dma_wait3A_68 : memref<128x128xf32, #tpu.memory_space<hbm>>) dst(%dma_wait3A_66 : memref<128x128xf32, #tpu.memory_space<vmem>>)
        %run_scoped3A = arith.constant 0 : i32
        "tpu.region"() ({
          %run_scoped3A_95 = tpu.sem_alloc : memref<!tpu.dma_semaphore, #tpu.memory_space<semaphore_mem>>
          %dma_start3A_96 = arith.constant 0 : i32
          %dma_start3A_97 = arith.constant 0 : i32
          %dma_start3A_98 = tpu.memref_slice %arg9[%run_scoped3A, %dma_start3A_96, %dma_start3A_97] : memref<2x128x128xf32, #tpu.memory_space<vmem>> -> memref<1x128x128xf32, #tpu.memory_space<vmem>>
          %dma_start3A_99 = tpu.memref_squeeze %dma_start3A_98 : memref<1x128x128xf32, #tpu.memory_space<vmem>> -> memref<128x128xf32, #tpu.memory_space<vmem>>
          %dma_start3A_100 = arith.constant 0 : i32
          %dma_start3A_101 = tpu.memref_slice %arg8[%add3A_48, %dma_start3A_100] : memref<40x128xi32, #tpu.memory_space<vmem>> -> memref<1x128xi32, #tpu.memory_space<vmem>>
          %dma_start3A_102 = tpu.memref_squeeze %dma_start3A_101 : memref<1x128xi32, #tpu.memory_space<vmem>> -> memref<128xi32, #tpu.memory_space<vmem>>
          %dma_start3A_103 = arith.constant 0 : i32
          %dma_start3A_104 = arith.constant 0 : i32
          %dma_start3A_105 = tpu.memref_slice %arg7[%dma_start3A_103, %dma_start3A_104] : memref<5120x128xf32, #tpu.memory_space<vmem_shared>> -> memref<5120x128xf32, #tpu.memory_space<vmem_shared>>
          tpu.enqueue_indirect_dma source(%dma_start3A_99 : memref<128x128xf32, #tpu.memory_space<vmem>>) target(%dma_start3A_105 : memref<5120x128xf32, #tpu.memory_space<vmem_shared>>) offsets(%dma_start3A_102 : memref<128xi32, #tpu.memory_space<vmem>>) semaphore(%run_scoped3A_95 : memref<!tpu.dma_semaphore, #tpu.memory_space<semaphore_mem>>) {add = true}
          %dma_wait3A_106 = arith.constant 0 : i32
          %dma_wait3A_107 = arith.constant 0 : i32
          %dma_wait3A_108 = tpu.memref_slice %arg9[%run_scoped3A, %dma_wait3A_106, %dma_wait3A_107] : memref<2x128x128xf32, #tpu.memory_space<vmem>> -> memref<1x128x128xf32, #tpu.memory_space<vmem>>
          %dma_wait3A_109 = tpu.memref_squeeze %dma_wait3A_108 : memref<1x128x128xf32, #tpu.memory_space<vmem>> -> memref<128x128xf32, #tpu.memory_space<vmem>>
          %dma_wait3A_110 = arith.constant 0 : i32
          %dma_wait3A_111 = tpu.memref_slice %arg8[%add3A_48, %dma_wait3A_110] : memref<40x128xi32, #tpu.memory_space<vmem>> -> memref<1x128xi32, #tpu.memory_space<vmem>>
          %dma_wait3A_112 = tpu.memref_squeeze %dma_wait3A_111 : memref<1x128xi32, #tpu.memory_space<vmem>> -> memref<128xi32, #tpu.memory_space<vmem>>
          %dma_wait3A_113 = arith.constant 0 : i32
          %dma_wait3A_114 = arith.constant 0 : i32
          %dma_wait3A_115 = tpu.memref_slice %arg7[%dma_wait3A_113, %dma_wait3A_114] : memref<5120x128xf32, #tpu.memory_space<vmem_shared>> -> memref<5120x128xf32, #tpu.memory_space<vmem_shared>>
          tpu.wait_indirect_dma semaphore(%run_scoped3A_95 : memref<!tpu.dma_semaphore, #tpu.memory_space<semaphore_mem>>) src(%dma_wait3A_109 : memref<128x128xf32, #tpu.memory_space<vmem>>) dst(%dma_wait3A_115 : memref<5120x128xf32, #tpu.memory_space<vmem_shared>>)
          tpu.yield
        }) : () -> ()
        %mul3A_69 = arith.constant 2 : i32
        %mul3A_70 = arith.muli %mul3A_69, %scan3A_44 : i32
        %add3A_71 = arith.constant 1 : i32
        %add3A_72 = arith.addi %mul3A_70, %add3A_71 : i32
        %lt3A_73 = arith.constant 39 : i32
        %lt3A_74 = arith.cmpi slt, %add3A_72, %lt3A_73 : i32
        %convert_element_type3A_75 = arith.extui %lt3A_74 : i1 to i32
        %cond3A_76 = arith.constant 0 : i32
        %cond3A_77 = arith.cmpi ne, %convert_element_type3A_75, %cond3A_76 : i32
        scf.if %cond3A_77 {
          %add3A_95 = arith.constant 1 : i32
          %add3A_96 = arith.addi %add3A_72, %add3A_95 : i32
          %mul3A_97 = arith.constant 128 : i32
          %mul3A_98 = arith.muli %add3A_96, %mul3A_97 : i32
          %add3A_99 = arith.addi %mul3A_22, %mul3A_98 : i32
          %dma_start3A_100 = arith.constant 0 : i32
          %dma_start3A_101 = arith.constant 0 : i32
          %dma_start3A_102 = arith.constant 0 : i32
          %dma_start3A_103 = arith.constant 0 : i32
          %dma_start3A_104 = tpu.memref_slice %arg9[%dma_start3A_100, %dma_start3A_102, %dma_start3A_103] : memref<2x128x128xf32, #tpu.memory_space<vmem>> -> memref<1x128x128xf32, #tpu.memory_space<vmem>>
          %dma_start3A_105 = tpu.memref_squeeze %dma_start3A_104 : memref<1x128x128xf32, #tpu.memory_space<vmem>> -> memref<128x128xf32, #tpu.memory_space<vmem>>
          %dma_start3A_106 = arith.constant 0 : i32
          %dma_start3A_107 = tpu.memref_slice %arg2[%add3A_99, %dma_start3A_106] : memref<81920x128xf32, #tpu.memory_space<hbm>> -> memref<128x128xf32, #tpu.memory_space<hbm>>
          %dma_start3A_108 = tpu.memref_slice %arg10[%dma_start3A_101] : memref<2x!tpu.dma_semaphore, #tpu.memory_space<semaphore_mem>> -> memref<1x!tpu.dma_semaphore, #tpu.memory_space<semaphore_mem>>
          %dma_start3A_109 = tpu.memref_squeeze %dma_start3A_108 : memref<1x!tpu.dma_semaphore, #tpu.memory_space<semaphore_mem>> -> memref<!tpu.dma_semaphore, #tpu.memory_space<semaphore_mem>>
          %dma_start3A_110 = arith.constant 0 : i32
          %dma_start3A_111 = arith.constant 0 : i32
          %dma_start3A_112 = tpu.memref_slice %arg9[%dma_start3A_100, %dma_start3A_110, %dma_start3A_111] : memref<2x128x128xf32, #tpu.memory_space<vmem>> -> memref<1x128x128xf32, #tpu.memory_space<vmem>>
          %dma_start3A_113 = tpu.memref_squeeze %dma_start3A_112 : memref<1x128x128xf32, #tpu.memory_space<vmem>> -> memref<128x128xf32, #tpu.memory_space<vmem>>
          %dma_start3A_114 = arith.constant 0 : i32
          %dma_start3A_115 = tpu.memref_slice %arg2[%add3A_99, %dma_start3A_114] : memref<81920x128xf32, #tpu.memory_space<hbm>> -> memref<128x128xf32, #tpu.memory_space<hbm>>
          tpu.enqueue_dma source(%dma_start3A_115 : memref<128x128xf32, #tpu.memory_space<hbm>>) target(%dma_start3A_113 : memref<128x128xf32, #tpu.memory_space<vmem>>) target_semaphore(%dma_start3A_109 : memref<!tpu.dma_semaphore, #tpu.memory_space<semaphore_mem>>)
        } else {
        }
        %dma_wait3A_78 = arith.constant 1 : i32
        %dma_wait3A_79 = arith.constant 1 : i32
        %dma_wait3A_80 = arith.constant 0 : i32
        %dma_wait3A_81 = arith.constant 0 : i32
        %dma_wait3A_82 = tpu.memref_slice %arg9[%dma_wait3A_78, %dma_wait3A_80, %dma_wait3A_81] : memref<2x128x128xf32, #tpu.memory_space<vmem>> -> memref<1x128x128xf32, #tpu.memory_space<vmem>>
        %dma_wait3A_83 = tpu.memref_squeeze %dma_wait3A_82 : memref<1x128x128xf32, #tpu.memory_space<vmem>> -> memref<128x128xf32, #tpu.memory_space<vmem>>
        %dma_wait3A_84 = arith.constant 0 : i32
        %dma_wait3A_85 = tpu.memref_slice %arg2[%mul3A_22, %dma_wait3A_84] : memref<81920x128xf32, #tpu.memory_space<hbm>> -> memref<128x128xf32, #tpu.memory_space<hbm>>
        %dma_wait3A_86 = tpu.memref_slice %arg10[%dma_wait3A_79] : memref<2x!tpu.dma_semaphore, #tpu.memory_space<semaphore_mem>> -> memref<1x!tpu.dma_semaphore, #tpu.memory_space<semaphore_mem>>
        %dma_wait3A_87 = tpu.memref_squeeze %dma_wait3A_86 : memref<1x!tpu.dma_semaphore, #tpu.memory_space<semaphore_mem>> -> memref<!tpu.dma_semaphore, #tpu.memory_space<semaphore_mem>>
        %dma_wait3A_88 = arith.constant 0 : i32
        %dma_wait3A_89 = arith.constant 0 : i32
        %dma_wait3A_90 = tpu.memref_slice %arg9[%dma_wait3A_78, %dma_wait3A_88, %dma_wait3A_89] : memref<2x128x128xf32, #tpu.memory_space<vmem>> -> memref<1x128x128xf32, #tpu.memory_space<vmem>>
        %dma_wait3A_91 = tpu.memref_squeeze %dma_wait3A_90 : memref<1x128x128xf32, #tpu.memory_space<vmem>> -> memref<128x128xf32, #tpu.memory_space<vmem>>
        %dma_wait3A_92 = arith.constant 0 : i32
        %dma_wait3A_93 = tpu.memref_slice %arg2[%mul3A_22, %dma_wait3A_92] : memref<81920x128xf32, #tpu.memory_space<hbm>> -> memref<128x128xf32, #tpu.memory_space<hbm>>
        tpu.wait_dma2 semaphore(%dma_wait3A_87 : memref<!tpu.dma_semaphore, #tpu.memory_space<semaphore_mem>>) src(%dma_wait3A_93 : memref<128x128xf32, #tpu.memory_space<hbm>>) dst(%dma_wait3A_91 : memref<128x128xf32, #tpu.memory_space<vmem>>)
        %run_scoped3A_94 = arith.constant 1 : i32
        "tpu.region"() ({
          %run_scoped3A_95 = tpu.sem_alloc : memref<!tpu.dma_semaphore, #tpu.memory_space<semaphore_mem>>
          %dma_start3A_96 = arith.constant 0 : i32
          %dma_start3A_97 = arith.constant 0 : i32
          %dma_start3A_98 = tpu.memref_slice %arg9[%run_scoped3A_94, %dma_start3A_96, %dma_start3A_97] : memref<2x128x128xf32, #tpu.memory_space<vmem>> -> memref<1x128x128xf32, #tpu.memory_space<vmem>>
          %dma_start3A_99 = tpu.memref_squeeze %dma_start3A_98 : memref<1x128x128xf32, #tpu.memory_space<vmem>> -> memref<128x128xf32, #tpu.memory_space<vmem>>
          %dma_start3A_100 = arith.constant 0 : i32
          %dma_start3A_101 = tpu.memref_slice %arg8[%add3A_72, %dma_start3A_100] : memref<40x128xi32, #tpu.memory_space<vmem>> -> memref<1x128xi32, #tpu.memory_space<vmem>>
          %dma_start3A_102 = tpu.memref_squeeze %dma_start3A_101 : memref<1x128xi32, #tpu.memory_space<vmem>> -> memref<128xi32, #tpu.memory_space<vmem>>
          %dma_start3A_103 = arith.constant 0 : i32
          %dma_start3A_104 = arith.constant 0 : i32
          %dma_start3A_105 = tpu.memref_slice %arg7[%dma_start3A_103, %dma_start3A_104] : memref<5120x128xf32, #tpu.memory_space<vmem_shared>> -> memref<5120x128xf32, #tpu.memory_space<vmem_shared>>
          tpu.enqueue_indirect_dma source(%dma_start3A_99 : memref<128x128xf32, #tpu.memory_space<vmem>>) target(%dma_start3A_105 : memref<5120x128xf32, #tpu.memory_space<vmem_shared>>) offsets(%dma_start3A_102 : memref<128xi32, #tpu.memory_space<vmem>>) semaphore(%run_scoped3A_95 : memref<!tpu.dma_semaphore, #tpu.memory_space<semaphore_mem>>) {add = true}
          %dma_wait3A_106 = arith.constant 0 : i32
          %dma_wait3A_107 = arith.constant 0 : i32
          %dma_wait3A_108 = tpu.memref_slice %arg9[%run_scoped3A_94, %dma_wait3A_106, %dma_wait3A_107] : memref<2x128x128xf32, #tpu.memory_space<vmem>> -> memref<1x128x128xf32, #tpu.memory_space<vmem>>
          %dma_wait3A_109 = tpu.memref_squeeze %dma_wait3A_108 : memref<1x128x128xf32, #tpu.memory_space<vmem>> -> memref<128x128xf32, #tpu.memory_space<vmem>>
          %dma_wait3A_110 = arith.constant 0 : i32
          %dma_wait3A_111 = tpu.memref_slice %arg8[%add3A_72, %dma_wait3A_110] : memref<40x128xi32, #tpu.memory_space<vmem>> -> memref<1x128xi32, #tpu.memory_space<vmem>>
          %dma_wait3A_112 = tpu.memref_squeeze %dma_wait3A_111 : memref<1x128xi32, #tpu.memory_space<vmem>> -> memref<128xi32, #tpu.memory_space<vmem>>
          %dma_wait3A_113 = arith.constant 0 : i32
          %dma_wait3A_114 = arith.constant 0 : i32
          %dma_wait3A_115 = tpu.memref_slice %arg7[%dma_wait3A_113, %dma_wait3A_114] : memref<5120x128xf32, #tpu.memory_space<vmem_shared>> -> memref<5120x128xf32, #tpu.memory_space<vmem_shared>>
          tpu.wait_indirect_dma semaphore(%run_scoped3A_95 : memref<!tpu.dma_semaphore, #tpu.memory_space<semaphore_mem>>) src(%dma_wait3A_109 : memref<128x128xf32, #tpu.memory_space<vmem>>) dst(%dma_wait3A_115 : memref<5120x128xf32, #tpu.memory_space<vmem_shared>>)
          tpu.yield
        }) : () -> ()
      }
      %scan3A_43 = arith.constant 20 : i32
    } else {
    }
    %ge3A = arith.constant 8 : i32
    %ge3A_10 = arith.cmpi sge, %arg1, %ge3A : i32
    %convert_element_type3A_11 = arith.extui %ge3A_10 : i1 to i32
    %cond3A_12 = arith.constant 0 : i32
    %cond3A_13 = arith.cmpi ne, %convert_element_type3A_11, %cond3A_12 : i32
    scf.if %cond3A_13 {
      %mul3A_21 = arith.constant 5120 : i32
      %mul3A_22 = arith.muli %add3A, %mul3A_21 : i32
      %sub3A = arith.constant 81920 : i32
      %sub3A_23 = arith.subi %mul3A_22, %sub3A : i32
      %dma_start3A = arith.constant 0 : i32
      %dma_start3A_24 = arith.constant 0 : i32
      %dma_start3A_25 = arith.constant 0 : i32
      %dma_start3A_26 = arith.constant 0 : i32
      %dma_start3A_27 = tpu.memref_slice %arg9[%dma_start3A, %dma_start3A_25, %dma_start3A_26] : memref<2x128x128xf32, #tpu.memory_space<vmem>> -> memref<1x128x128xf32, #tpu.memory_space<vmem>>
      %dma_start3A_28 = tpu.memref_squeeze %dma_start3A_27 : memref<1x128x128xf32, #tpu.memory_space<vmem>> -> memref<128x128xf32, #tpu.memory_space<vmem>>
      %dma_start3A_29 = arith.constant 0 : i32
      %dma_start3A_30 = tpu.memref_slice %arg3[%sub3A_23, %dma_start3A_29] : memref<81920x128xf32, #tpu.memory_space<hbm>> -> memref<128x128xf32, #tpu.memory_space<hbm>>
      %dma_start3A_31 = tpu.memref_slice %arg10[%dma_start3A_24] : memref<2x!tpu.dma_semaphore, #tpu.memory_space<semaphore_mem>> -> memref<1x!tpu.dma_semaphore, #tpu.memory_space<semaphore_mem>>
      %dma_start3A_32 = tpu.memref_squeeze %dma_start3A_31 : memref<1x!tpu.dma_semaphore, #tpu.memory_space<semaphore_mem>> -> memref<!tpu.dma_semaphore, #tpu.memory_space<semaphore_mem>>
      %dma_start3A_33 = arith.constant 0 : i32
      %dma_start3A_34 = arith.constant 0 : i32
      %dma_start3A_35 = tpu.memref_slice %arg9[%dma_start3A, %dma_start3A_33, %dma_start3A_34] : memref<2x128x128xf32, #tpu.memory_space<vmem>> -> memref<1x128x128xf32, #tpu.memory_space<vmem>>
      %dma_start3A_36 = tpu.memref_squeeze %dma_start3A_35 : memref<1x128x128xf32, #tpu.memory_space<vmem>> -> memref<128x128xf32, #tpu.memory_space<vmem>>
      %dma_start3A_37 = arith.constant 0 : i32
      %dma_start3A_38 = tpu.memref_slice %arg3[%sub3A_23, %dma_start3A_37] : memref<81920x128xf32, #tpu.memory_space<hbm>> -> memref<128x128xf32, #tpu.memory_space<hbm>>
      tpu.enqueue_dma source(%dma_start3A_38 : memref<128x128xf32, #tpu.memory_space<hbm>>) target(%dma_start3A_36 : memref<128x128xf32, #tpu.memory_space<vmem>>) target_semaphore(%dma_start3A_32 : memref<!tpu.dma_semaphore, #tpu.memory_space<semaphore_mem>>)
      %scan3A_39 = arith.constant 0 : i32
      %scan3A_40 = arith.constant 0 : i32
      %scan3A_41 = arith.constant 20 : i32
      %scan3A_42 = arith.addi %scan3A_40, %scan3A_41 : i32
      %scan3A_43 = arith.constant 1 : i32
      scf.for %scan3A_45 = %scan3A_40 to %scan3A_42 step %scan3A_43  : i32 {
        %mul3A_46 = arith.constant 2 : i32
        %mul3A_47 = arith.muli %mul3A_46, %scan3A_45 : i32
        %add3A_48 = arith.constant 0 : i32
        %add3A_49 = arith.addi %mul3A_47, %add3A_48 : i32
        %lt3A_50 = arith.constant 39 : i32
        %lt3A_51 = arith.cmpi slt, %add3A_49, %lt3A_50 : i32
        %convert_element_type3A_52 = arith.extui %lt3A_51 : i1 to i32
        %cond3A_53 = arith.constant 0 : i32
        %cond3A_54 = arith.cmpi ne, %convert_element_type3A_52, %cond3A_53 : i32
        scf.if %cond3A_54 {
          %add3A_96 = arith.constant 1 : i32
          %add3A_97 = arith.addi %add3A_49, %add3A_96 : i32
          %mul3A_98 = arith.constant 128 : i32
          %mul3A_99 = arith.muli %add3A_97, %mul3A_98 : i32
          %add3A_100 = arith.addi %sub3A_23, %mul3A_99 : i32
          %dma_start3A_101 = arith.constant 1 : i32
          %dma_start3A_102 = arith.constant 1 : i32
          %dma_start3A_103 = arith.constant 0 : i32
          %dma_start3A_104 = arith.constant 0 : i32
          %dma_start3A_105 = tpu.memref_slice %arg9[%dma_start3A_101, %dma_start3A_103, %dma_start3A_104] : memref<2x128x128xf32, #tpu.memory_space<vmem>> -> memref<1x128x128xf32, #tpu.memory_space<vmem>>
          %dma_start3A_106 = tpu.memref_squeeze %dma_start3A_105 : memref<1x128x128xf32, #tpu.memory_space<vmem>> -> memref<128x128xf32, #tpu.memory_space<vmem>>
          %dma_start3A_107 = arith.constant 0 : i32
          %dma_start3A_108 = tpu.memref_slice %arg3[%add3A_100, %dma_start3A_107] : memref<81920x128xf32, #tpu.memory_space<hbm>> -> memref<128x128xf32, #tpu.memory_space<hbm>>
          %dma_start3A_109 = tpu.memref_slice %arg10[%dma_start3A_102] : memref<2x!tpu.dma_semaphore, #tpu.memory_space<semaphore_mem>> -> memref<1x!tpu.dma_semaphore, #tpu.memory_space<semaphore_mem>>
          %dma_start3A_110 = tpu.memref_squeeze %dma_start3A_109 : memref<1x!tpu.dma_semaphore, #tpu.memory_space<semaphore_mem>> -> memref<!tpu.dma_semaphore, #tpu.memory_space<semaphore_mem>>
          %dma_start3A_111 = arith.constant 0 : i32
          %dma_start3A_112 = arith.constant 0 : i32
          %dma_start3A_113 = tpu.memref_slice %arg9[%dma_start3A_101, %dma_start3A_111, %dma_start3A_112] : memref<2x128x128xf32, #tpu.memory_space<vmem>> -> memref<1x128x128xf32, #tpu.memory_space<vmem>>
          %dma_start3A_114 = tpu.memref_squeeze %dma_start3A_113 : memref<1x128x128xf32, #tpu.memory_space<vmem>> -> memref<128x128xf32, #tpu.memory_space<vmem>>
          %dma_start3A_115 = arith.constant 0 : i32
          %dma_start3A_116 = tpu.memref_slice %arg3[%add3A_100, %dma_start3A_115] : memref<81920x128xf32, #tpu.memory_space<hbm>> -> memref<128x128xf32, #tpu.memory_space<hbm>>
          tpu.enqueue_dma source(%dma_start3A_116 : memref<128x128xf32, #tpu.memory_space<hbm>>) target(%dma_start3A_114 : memref<128x128xf32, #tpu.memory_space<vmem>>) target_semaphore(%dma_start3A_110 : memref<!tpu.dma_semaphore, #tpu.memory_space<semaphore_mem>>)
        } else {
        }
        %dma_wait3A = arith.constant 0 : i32
        %dma_wait3A_55 = arith.constant 0 : i32
        %dma_wait3A_56 = arith.constant 0 : i32
        %dma_wait3A_57 = arith.constant 0 : i32
        %dma_wait3A_58 = tpu.memref_slice %arg9[%dma_wait3A, %dma_wait3A_56, %dma_wait3A_57] : memref<2x128x128xf32, #tpu.memory_space<vmem>> -> memref<1x128x128xf32, #tpu.memory_space<vmem>>
        %dma_wait3A_59 = tpu.memref_squeeze %dma_wait3A_58 : memref<1x128x128xf32, #tpu.memory_space<vmem>> -> memref<128x128xf32, #tpu.memory_space<vmem>>
        %dma_wait3A_60 = arith.constant 0 : i32
        %dma_wait3A_61 = tpu.memref_slice %arg3[%sub3A_23, %dma_wait3A_60] : memref<81920x128xf32, #tpu.memory_space<hbm>> -> memref<128x128xf32, #tpu.memory_space<hbm>>
        %dma_wait3A_62 = tpu.memref_slice %arg10[%dma_wait3A_55] : memref<2x!tpu.dma_semaphore, #tpu.memory_space<semaphore_mem>> -> memref<1x!tpu.dma_semaphore, #tpu.memory_space<semaphore_mem>>
        %dma_wait3A_63 = tpu.memref_squeeze %dma_wait3A_62 : memref<1x!tpu.dma_semaphore, #tpu.memory_space<semaphore_mem>> -> memref<!tpu.dma_semaphore, #tpu.memory_space<semaphore_mem>>
        %dma_wait3A_64 = arith.constant 0 : i32
        %dma_wait3A_65 = arith.constant 0 : i32
        %dma_wait3A_66 = tpu.memref_slice %arg9[%dma_wait3A, %dma_wait3A_64, %dma_wait3A_65] : memref<2x128x128xf32, #tpu.memory_space<vmem>> -> memref<1x128x128xf32, #tpu.memory_space<vmem>>
        %dma_wait3A_67 = tpu.memref_squeeze %dma_wait3A_66 : memref<1x128x128xf32, #tpu.memory_space<vmem>> -> memref<128x128xf32, #tpu.memory_space<vmem>>
        %dma_wait3A_68 = arith.constant 0 : i32
        %dma_wait3A_69 = tpu.memref_slice %arg3[%sub3A_23, %dma_wait3A_68] : memref<81920x128xf32, #tpu.memory_space<hbm>> -> memref<128x128xf32, #tpu.memory_space<hbm>>
        tpu.wait_dma2 semaphore(%dma_wait3A_63 : memref<!tpu.dma_semaphore, #tpu.memory_space<semaphore_mem>>) src(%dma_wait3A_69 : memref<128x128xf32, #tpu.memory_space<hbm>>) dst(%dma_wait3A_67 : memref<128x128xf32, #tpu.memory_space<vmem>>)
        %run_scoped3A = arith.constant 0 : i32
        "tpu.region"() ({
          %run_scoped3A_96 = tpu.sem_alloc : memref<!tpu.dma_semaphore, #tpu.memory_space<semaphore_mem>>
          %dma_start3A_97 = arith.constant 0 : i32
          %dma_start3A_98 = arith.constant 0 : i32
          %dma_start3A_99 = tpu.memref_slice %arg9[%run_scoped3A, %dma_start3A_97, %dma_start3A_98] : memref<2x128x128xf32, #tpu.memory_space<vmem>> -> memref<1x128x128xf32, #tpu.memory_space<vmem>>
          %dma_start3A_100 = tpu.memref_squeeze %dma_start3A_99 : memref<1x128x128xf32, #tpu.memory_space<vmem>> -> memref<128x128xf32, #tpu.memory_space<vmem>>
          %dma_start3A_101 = arith.constant 0 : i32
          %dma_start3A_102 = tpu.memref_slice %arg8[%add3A_49, %dma_start3A_101] : memref<40x128xi32, #tpu.memory_space<vmem>> -> memref<1x128xi32, #tpu.memory_space<vmem>>
          %dma_start3A_103 = tpu.memref_squeeze %dma_start3A_102 : memref<1x128xi32, #tpu.memory_space<vmem>> -> memref<128xi32, #tpu.memory_space<vmem>>
          %dma_start3A_104 = arith.constant 0 : i32
          %dma_start3A_105 = arith.constant 0 : i32
          %dma_start3A_106 = tpu.memref_slice %arg7[%dma_start3A_104, %dma_start3A_105] : memref<5120x128xf32, #tpu.memory_space<vmem_shared>> -> memref<5120x128xf32, #tpu.memory_space<vmem_shared>>
          tpu.enqueue_indirect_dma source(%dma_start3A_100 : memref<128x128xf32, #tpu.memory_space<vmem>>) target(%dma_start3A_106 : memref<5120x128xf32, #tpu.memory_space<vmem_shared>>) offsets(%dma_start3A_103 : memref<128xi32, #tpu.memory_space<vmem>>) semaphore(%run_scoped3A_96 : memref<!tpu.dma_semaphore, #tpu.memory_space<semaphore_mem>>) {add = true}
          %dma_wait3A_107 = arith.constant 0 : i32
          %dma_wait3A_108 = arith.constant 0 : i32
          %dma_wait3A_109 = tpu.memref_slice %arg9[%run_scoped3A, %dma_wait3A_107, %dma_wait3A_108] : memref<2x128x128xf32, #tpu.memory_space<vmem>> -> memref<1x128x128xf32, #tpu.memory_space<vmem>>
          %dma_wait3A_110 = tpu.memref_squeeze %dma_wait3A_109 : memref<1x128x128xf32, #tpu.memory_space<vmem>> -> memref<128x128xf32, #tpu.memory_space<vmem>>
          %dma_wait3A_111 = arith.constant 0 : i32
          %dma_wait3A_112 = tpu.memref_slice %arg8[%add3A_49, %dma_wait3A_111] : memref<40x128xi32, #tpu.memory_space<vmem>> -> memref<1x128xi32, #tpu.memory_space<vmem>>
          %dma_wait3A_113 = tpu.memref_squeeze %dma_wait3A_112 : memref<1x128xi32, #tpu.memory_space<vmem>> -> memref<128xi32, #tpu.memory_space<vmem>>
          %dma_wait3A_114 = arith.constant 0 : i32
          %dma_wait3A_115 = arith.constant 0 : i32
          %dma_wait3A_116 = tpu.memref_slice %arg7[%dma_wait3A_114, %dma_wait3A_115] : memref<5120x128xf32, #tpu.memory_space<vmem_shared>> -> memref<5120x128xf32, #tpu.memory_space<vmem_shared>>
          tpu.wait_indirect_dma semaphore(%run_scoped3A_96 : memref<!tpu.dma_semaphore, #tpu.memory_space<semaphore_mem>>) src(%dma_wait3A_110 : memref<128x128xf32, #tpu.memory_space<vmem>>) dst(%dma_wait3A_116 : memref<5120x128xf32, #tpu.memory_space<vmem_shared>>)
          tpu.yield
        }) : () -> ()
        %mul3A_70 = arith.constant 2 : i32
        %mul3A_71 = arith.muli %mul3A_70, %scan3A_45 : i32
        %add3A_72 = arith.constant 1 : i32
        %add3A_73 = arith.addi %mul3A_71, %add3A_72 : i32
        %lt3A_74 = arith.constant 39 : i32
        %lt3A_75 = arith.cmpi slt, %add3A_73, %lt3A_74 : i32
        %convert_element_type3A_76 = arith.extui %lt3A_75 : i1 to i32
        %cond3A_77 = arith.constant 0 : i32
        %cond3A_78 = arith.cmpi ne, %convert_element_type3A_76, %cond3A_77 : i32
        scf.if %cond3A_78 {
          %add3A_96 = arith.constant 1 : i32
          %add3A_97 = arith.addi %add3A_73, %add3A_96 : i32
          %mul3A_98 = arith.constant 128 : i32
          %mul3A_99 = arith.muli %add3A_97, %mul3A_98 : i32
          %add3A_100 = arith.addi %sub3A_23, %mul3A_99 : i32
          %dma_start3A_101 = arith.constant 0 : i32
          %dma_start3A_102 = arith.constant 0 : i32
          %dma_start3A_103 = arith.constant 0 : i32
          %dma_start3A_104 = arith.constant 0 : i32
          %dma_start3A_105 = tpu.memref_slice %arg9[%dma_start3A_101, %dma_start3A_103, %dma_start3A_104] : memref<2x128x128xf32, #tpu.memory_space<vmem>> -> memref<1x128x128xf32, #tpu.memory_space<vmem>>
          %dma_start3A_106 = tpu.memref_squeeze %dma_start3A_105 : memref<1x128x128xf32, #tpu.memory_space<vmem>> -> memref<128x128xf32, #tpu.memory_space<vmem>>
          %dma_start3A_107 = arith.constant 0 : i32
          %dma_start3A_108 = tpu.memref_slice %arg3[%add3A_100, %dma_start3A_107] : memref<81920x128xf32, #tpu.memory_space<hbm>> -> memref<128x128xf32, #tpu.memory_space<hbm>>
          %dma_start3A_109 = tpu.memref_slice %arg10[%dma_start3A_102] : memref<2x!tpu.dma_semaphore, #tpu.memory_space<semaphore_mem>> -> memref<1x!tpu.dma_semaphore, #tpu.memory_space<semaphore_mem>>
          %dma_start3A_110 = tpu.memref_squeeze %dma_start3A_109 : memref<1x!tpu.dma_semaphore, #tpu.memory_space<semaphore_mem>> -> memref<!tpu.dma_semaphore, #tpu.memory_space<semaphore_mem>>
          %dma_start3A_111 = arith.constant 0 : i32
          %dma_start3A_112 = arith.constant 0 : i32
          %dma_start3A_113 = tpu.memref_slice %arg9[%dma_start3A_101, %dma_start3A_111, %dma_start3A_112] : memref<2x128x128xf32, #tpu.memory_space<vmem>> -> memref<1x128x128xf32, #tpu.memory_space<vmem>>
          %dma_start3A_114 = tpu.memref_squeeze %dma_start3A_113 : memref<1x128x128xf32, #tpu.memory_space<vmem>> -> memref<128x128xf32, #tpu.memory_space<vmem>>
          %dma_start3A_115 = arith.constant 0 : i32
          %dma_start3A_116 = tpu.memref_slice %arg3[%add3A_100, %dma_start3A_115] : memref<81920x128xf32, #tpu.memory_space<hbm>> -> memref<128x128xf32, #tpu.memory_space<hbm>>
          tpu.enqueue_dma source(%dma_start3A_116 : memref<128x128xf32, #tpu.memory_space<hbm>>) target(%dma_start3A_114 : memref<128x128xf32, #tpu.memory_space<vmem>>) target_semaphore(%dma_start3A_110 : memref<!tpu.dma_semaphore, #tpu.memory_space<semaphore_mem>>)
        } else {
        }
        %dma_wait3A_79 = arith.constant 1 : i32
        %dma_wait3A_80 = arith.constant 1 : i32
        %dma_wait3A_81 = arith.constant 0 : i32
        %dma_wait3A_82 = arith.constant 0 : i32
        %dma_wait3A_83 = tpu.memref_slice %arg9[%dma_wait3A_79, %dma_wait3A_81, %dma_wait3A_82] : memref<2x128x128xf32, #tpu.memory_space<vmem>> -> memref<1x128x128xf32, #tpu.memory_space<vmem>>
        %dma_wait3A_84 = tpu.memref_squeeze %dma_wait3A_83 : memref<1x128x128xf32, #tpu.memory_space<vmem>> -> memref<128x128xf32, #tpu.memory_space<vmem>>
        %dma_wait3A_85 = arith.constant 0 : i32
        %dma_wait3A_86 = tpu.memref_slice %arg3[%sub3A_23, %dma_wait3A_85] : memref<81920x128xf32, #tpu.memory_space<hbm>> -> memref<128x128xf32, #tpu.memory_space<hbm>>
        %dma_wait3A_87 = tpu.memref_slice %arg10[%dma_wait3A_80] : memref<2x!tpu.dma_semaphore, #tpu.memory_space<semaphore_mem>> -> memref<1x!tpu.dma_semaphore, #tpu.memory_space<semaphore_mem>>
        %dma_wait3A_88 = tpu.memref_squeeze %dma_wait3A_87 : memref<1x!tpu.dma_semaphore, #tpu.memory_space<semaphore_mem>> -> memref<!tpu.dma_semaphore, #tpu.memory_space<semaphore_mem>>
        %dma_wait3A_89 = arith.constant 0 : i32
        %dma_wait3A_90 = arith.constant 0 : i32
        %dma_wait3A_91 = tpu.memref_slice %arg9[%dma_wait3A_79, %dma_wait3A_89, %dma_wait3A_90] : memref<2x128x128xf32, #tpu.memory_space<vmem>> -> memref<1x128x128xf32, #tpu.memory_space<vmem>>
        %dma_wait3A_92 = tpu.memref_squeeze %dma_wait3A_91 : memref<1x128x128xf32, #tpu.memory_space<vmem>> -> memref<128x128xf32, #tpu.memory_space<vmem>>
        %dma_wait3A_93 = arith.constant 0 : i32
        %dma_wait3A_94 = tpu.memref_slice %arg3[%sub3A_23, %dma_wait3A_93] : memref<81920x128xf32, #tpu.memory_space<hbm>> -> memref<128x128xf32, #tpu.memory_space<hbm>>
        tpu.wait_dma2 semaphore(%dma_wait3A_88 : memref<!tpu.dma_semaphore, #tpu.memory_space<semaphore_mem>>) src(%dma_wait3A_94 : memref<128x128xf32, #tpu.memory_space<hbm>>) dst(%dma_wait3A_92 : memref<128x128xf32, #tpu.memory_space<vmem>>)
        %run_scoped3A_95 = arith.constant 1 : i32
        "tpu.region"() ({
          %run_scoped3A_96 = tpu.sem_alloc : memref<!tpu.dma_semaphore, #tpu.memory_space<semaphore_mem>>
          %dma_start3A_97 = arith.constant 0 : i32
          %dma_start3A_98 = arith.constant 0 : i32
          %dma_start3A_99 = tpu.memref_slice %arg9[%run_scoped3A_95, %dma_start3A_97, %dma_start3A_98] : memref<2x128x128xf32, #tpu.memory_space<vmem>> -> memref<1x128x128xf32, #tpu.memory_space<vmem>>
          %dma_start3A_100 = tpu.memref_squeeze %dma_start3A_99 : memref<1x128x128xf32, #tpu.memory_space<vmem>> -> memref<128x128xf32, #tpu.memory_space<vmem>>
          %dma_start3A_101 = arith.constant 0 : i32
          %dma_start3A_102 = tpu.memref_slice %arg8[%add3A_73, %dma_start3A_101] : memref<40x128xi32, #tpu.memory_space<vmem>> -> memref<1x128xi32, #tpu.memory_space<vmem>>
          %dma_start3A_103 = tpu.memref_squeeze %dma_start3A_102 : memref<1x128xi32, #tpu.memory_space<vmem>> -> memref<128xi32, #tpu.memory_space<vmem>>
          %dma_start3A_104 = arith.constant 0 : i32
          %dma_start3A_105 = arith.constant 0 : i32
          %dma_start3A_106 = tpu.memref_slice %arg7[%dma_start3A_104, %dma_start3A_105] : memref<5120x128xf32, #tpu.memory_space<vmem_shared>> -> memref<5120x128xf32, #tpu.memory_space<vmem_shared>>
          tpu.enqueue_indirect_dma source(%dma_start3A_100 : memref<128x128xf32, #tpu.memory_space<vmem>>) target(%dma_start3A_106 : memref<5120x128xf32, #tpu.memory_space<vmem_shared>>) offsets(%dma_start3A_103 : memref<128xi32, #tpu.memory_space<vmem>>) semaphore(%run_scoped3A_96 : memref<!tpu.dma_semaphore, #tpu.memory_space<semaphore_mem>>) {add = true}
          %dma_wait3A_107 = arith.constant 0 : i32
          %dma_wait3A_108 = arith.constant 0 : i32
          %dma_wait3A_109 = tpu.memref_slice %arg9[%run_scoped3A_95, %dma_wait3A_107, %dma_wait3A_108] : memref<2x128x128xf32, #tpu.memory_space<vmem>> -> memref<1x128x128xf32, #tpu.memory_space<vmem>>
          %dma_wait3A_110 = tpu.memref_squeeze %dma_wait3A_109 : memref<1x128x128xf32, #tpu.memory_space<vmem>> -> memref<128x128xf32, #tpu.memory_space<vmem>>
          %dma_wait3A_111 = arith.constant 0 : i32
          %dma_wait3A_112 = tpu.memref_slice %arg8[%add3A_73, %dma_wait3A_111] : memref<40x128xi32, #tpu.memory_space<vmem>> -> memref<1x128xi32, #tpu.memory_space<vmem>>
          %dma_wait3A_113 = tpu.memref_squeeze %dma_wait3A_112 : memref<1x128xi32, #tpu.memory_space<vmem>> -> memref<128xi32, #tpu.memory_space<vmem>>
          %dma_wait3A_114 = arith.constant 0 : i32
          %dma_wait3A_115 = arith.constant 0 : i32
          %dma_wait3A_116 = tpu.memref_slice %arg7[%dma_wait3A_114, %dma_wait3A_115] : memref<5120x128xf32, #tpu.memory_space<vmem_shared>> -> memref<5120x128xf32, #tpu.memory_space<vmem_shared>>
          tpu.wait_indirect_dma semaphore(%run_scoped3A_96 : memref<!tpu.dma_semaphore, #tpu.memory_space<semaphore_mem>>) src(%dma_wait3A_110 : memref<128x128xf32, #tpu.memory_space<vmem>>) dst(%dma_wait3A_116 : memref<5120x128xf32, #tpu.memory_space<vmem_shared>>)
          tpu.yield
        }) : () -> ()
      }
      %scan3A_44 = arith.constant 20 : i32
    } else {
    }
    %barrier3A_14 = arith.constant 0 : index
    tpu.barrier barrier_id(%barrier3A_14)
    %scan3A_15 = arith.constant 0 : i32
    %scan3A_16 = arith.constant 0 : i32
    %scan3A_17 = arith.constant 5 : i32
    %scan3A_18 = arith.addi %scan3A_16, %scan3A_17 : i32
    %scan3A_19 = arith.constant 1 : i32
    scf.for %scan3A_21 = %scan3A_16 to %scan3A_18 step %scan3A_19  : i32 {
      %mul3A_22 = arith.constant 64 : i32
      %mul3A_23 = arith.muli %scan3A_21, %mul3A_22 : i32
      %add3A_24 = arith.addi %mul3A_2, %mul3A_23 : i32
      %run_scoped3A = arith.constant 0 : i32
      "tpu.region"() ({
        %run_scoped3A_26 = tpu.sem_alloc : memref<!tpu.dma_semaphore, #tpu.memory_space<semaphore_mem>>
        %dma_start3A = arith.constant 0 : i32
        %dma_start3A_27 = arith.constant 0 : i32
        %dma_start3A_28 = tpu.memref_slice %arg9[%run_scoped3A, %dma_start3A, %dma_start3A_27] : memref<2x128x128xf32, #tpu.memory_space<vmem>> -> memref<1x64x128xf32, #tpu.memory_space<vmem>>
        %dma_start3A_29 = tpu.memref_squeeze %dma_start3A_28 : memref<1x64x128xf32, #tpu.memory_space<vmem>> -> memref<64x128xf32, #tpu.memory_space<vmem>>
        %dma_start3A_30 = arith.constant 0 : i32
        %dma_start3A_31 = tpu.memref_slice %arg7[%add3A_24, %dma_start3A_30] : memref<5120x128xf32, #tpu.memory_space<vmem_shared>> -> memref<64x128xf32, #tpu.memory_space<vmem_shared>>
        %dma_start3A_32 = arith.constant 0 : i32
        %dma_start3A_33 = arith.constant 0 : i32
        %dma_start3A_34 = tpu.memref_slice %arg9[%run_scoped3A, %dma_start3A_32, %dma_start3A_33] : memref<2x128x128xf32, #tpu.memory_space<vmem>> -> memref<1x64x128xf32, #tpu.memory_space<vmem>>
        %dma_start3A_35 = tpu.memref_squeeze %dma_start3A_34 : memref<1x64x128xf32, #tpu.memory_space<vmem>> -> memref<64x128xf32, #tpu.memory_space<vmem>>
        %dma_start3A_36 = arith.constant 0 : i32
        %dma_start3A_37 = tpu.memref_slice %arg7[%add3A_24, %dma_start3A_36] : memref<5120x128xf32, #tpu.memory_space<vmem_shared>> -> memref<64x128xf32, #tpu.memory_space<vmem_shared>>
        tpu.enqueue_dma source(%dma_start3A_37 : memref<64x128xf32, #tpu.memory_space<vmem_shared>>) target(%dma_start3A_35 : memref<64x128xf32, #tpu.memory_space<vmem>>) target_semaphore(%run_scoped3A_26 : memref<!tpu.dma_semaphore, #tpu.memory_space<semaphore_mem>>)
        %dma_wait3A = arith.constant 0 : i32
        %dma_wait3A_38 = arith.constant 0 : i32
        %dma_wait3A_39 = tpu.memref_slice %arg9[%run_scoped3A, %dma_wait3A, %dma_wait3A_38] : memref<2x128x128xf32, #tpu.memory_space<vmem>> -> memref<1x64x128xf32, #tpu.memory_space<vmem>>
        %dma_wait3A_40 = tpu.memref_squeeze %dma_wait3A_39 : memref<1x64x128xf32, #tpu.memory_space<vmem>> -> memref<64x128xf32, #tpu.memory_space<vmem>>
        %dma_wait3A_41 = arith.constant 0 : i32
        %dma_wait3A_42 = tpu.memref_slice %arg7[%add3A_24, %dma_wait3A_41] : memref<5120x128xf32, #tpu.memory_space<vmem_shared>> -> memref<64x128xf32, #tpu.memory_space<vmem_shared>>
        %dma_wait3A_43 = arith.constant 0 : i32
        %dma_wait3A_44 = arith.constant 0 : i32
        %dma_wait3A_45 = tpu.memref_slice %arg9[%run_scoped3A, %dma_wait3A_43, %dma_wait3A_44] : memref<2x128x128xf32, #tpu.memory_space<vmem>> -> memref<1x64x128xf32, #tpu.memory_space<vmem>>
        %dma_wait3A_46 = tpu.memref_squeeze %dma_wait3A_45 : memref<1x64x128xf32, #tpu.memory_space<vmem>> -> memref<64x128xf32, #tpu.memory_space<vmem>>
        %dma_wait3A_47 = arith.constant 0 : i32
        %dma_wait3A_48 = tpu.memref_slice %arg7[%add3A_24, %dma_wait3A_47] : memref<5120x128xf32, #tpu.memory_space<vmem_shared>> -> memref<64x128xf32, #tpu.memory_space<vmem_shared>>
        tpu.wait_dma2 semaphore(%run_scoped3A_26 : memref<!tpu.dma_semaphore, #tpu.memory_space<semaphore_mem>>) src(%dma_wait3A_48 : memref<64x128xf32, #tpu.memory_space<vmem_shared>>) dst(%dma_wait3A_46 : memref<64x128xf32, #tpu.memory_space<vmem>>)
        tpu.yield
      }) : () -> ()
      %run_scoped3A_25 = arith.constant 0 : i32
      "tpu.region"() ({
        %run_scoped3A_26 = tpu.sem_alloc : memref<!tpu.dma_semaphore, #tpu.memory_space<semaphore_mem>>
        %dma_start3A = arith.constant 0 : i32
        %dma_start3A_27 = arith.constant 0 : i32
        %dma_start3A_28 = tpu.memref_slice %arg9[%run_scoped3A_25, %dma_start3A, %dma_start3A_27] : memref<2x128x128xf32, #tpu.memory_space<vmem>> -> memref<1x64x128xf32, #tpu.memory_space<vmem>>
        %dma_start3A_29 = tpu.memref_squeeze %dma_start3A_28 : memref<1x64x128xf32, #tpu.memory_space<vmem>> -> memref<64x128xf32, #tpu.memory_space<vmem>>
        %dma_start3A_30 = arith.constant 0 : i32
        %dma_start3A_31 = tpu.memref_slice %arg6[%arg0, %add3A_24, %dma_start3A_30] : memref<2x5120x128xf32, #tpu.memory_space<hbm>> -> memref<1x64x128xf32, #tpu.memory_space<hbm>>
        %dma_start3A_32 = tpu.memref_squeeze %dma_start3A_31 : memref<1x64x128xf32, #tpu.memory_space<hbm>> -> memref<64x128xf32, #tpu.memory_space<hbm>>
        %dma_start3A_33 = arith.constant 0 : i32
        %dma_start3A_34 = tpu.memref_slice %arg6[%arg0, %add3A_24, %dma_start3A_33] : memref<2x5120x128xf32, #tpu.memory_space<hbm>> -> memref<1x64x128xf32, #tpu.memory_space<hbm>>
        %dma_start3A_35 = tpu.memref_squeeze %dma_start3A_34 : memref<1x64x128xf32, #tpu.memory_space<hbm>> -> memref<64x128xf32, #tpu.memory_space<hbm>>
        %dma_start3A_36 = arith.constant 0 : i32
        %dma_start3A_37 = arith.constant 0 : i32
        %dma_start3A_38 = tpu.memref_slice %arg9[%run_scoped3A_25, %dma_start3A_36, %dma_start3A_37] : memref<2x128x128xf32, #tpu.memory_space<vmem>> -> memref<1x64x128xf32, #tpu.memory_space<vmem>>
        %dma_start3A_39 = tpu.memref_squeeze %dma_start3A_38 : memref<1x64x128xf32, #tpu.memory_space<vmem>> -> memref<64x128xf32, #tpu.memory_space<vmem>>
        tpu.enqueue_dma source(%dma_start3A_39 : memref<64x128xf32, #tpu.memory_space<vmem>>) target(%dma_start3A_35 : memref<64x128xf32, #tpu.memory_space<hbm>>) target_semaphore(%run_scoped3A_26 : memref<!tpu.dma_semaphore, #tpu.memory_space<semaphore_mem>>)
        %dma_wait3A = arith.constant 0 : i32
        %dma_wait3A_40 = arith.constant 0 : i32
        %dma_wait3A_41 = tpu.memref_slice %arg9[%run_scoped3A_25, %dma_wait3A, %dma_wait3A_40] : memref<2x128x128xf32, #tpu.memory_space<vmem>> -> memref<1x64x128xf32, #tpu.memory_space<vmem>>
        %dma_wait3A_42 = tpu.memref_squeeze %dma_wait3A_41 : memref<1x64x128xf32, #tpu.memory_space<vmem>> -> memref<64x128xf32, #tpu.memory_space<vmem>>
        %dma_wait3A_43 = arith.constant 0 : i32
        %dma_wait3A_44 = tpu.memref_slice %arg6[%arg0, %add3A_24, %dma_wait3A_43] : memref<2x5120x128xf32, #tpu.memory_space<hbm>> -> memref<1x64x128xf32, #tpu.memory_space<hbm>>
        %dma_wait3A_45 = tpu.memref_squeeze %dma_wait3A_44 : memref<1x64x128xf32, #tpu.memory_space<hbm>> -> memref<64x128xf32, #tpu.memory_space<hbm>>
        %dma_wait3A_46 = arith.constant 0 : i32
        %dma_wait3A_47 = tpu.memref_slice %arg6[%arg0, %add3A_24, %dma_wait3A_46] : memref<2x5120x128xf32, #tpu.memory_space<hbm>> -> memref<1x64x128xf32, #tpu.memory_space<hbm>>
        %dma_wait3A_48 = tpu.memref_squeeze %dma_wait3A_47 : memref<1x64x128xf32, #tpu.memory_space<hbm>> -> memref<64x128xf32, #tpu.memory_space<hbm>>
        %dma_wait3A_49 = arith.constant 0 : i32
        %dma_wait3A_50 = arith.constant 0 : i32
        %dma_wait3A_51 = tpu.memref_slice %arg9[%run_scoped3A_25, %dma_wait3A_49, %dma_wait3A_50] : memref<2x128x128xf32, #tpu.memory_space<vmem>> -> memref<1x64x128xf32, #tpu.memory_space<vmem>>
        %dma_wait3A_52 = tpu.memref_squeeze %dma_wait3A_51 : memref<1x64x128xf32, #tpu.memory_space<vmem>> -> memref<64x128xf32, #tpu.memory_space<vmem>>
        tpu.wait_dma2 semaphore(%run_scoped3A_26 : memref<!tpu.dma_semaphore, #tpu.memory_space<semaphore_mem>>) src(%dma_wait3A_52 : memref<64x128xf32, #tpu.memory_space<vmem>>) dst(%dma_wait3A_48 : memref<64x128xf32, #tpu.memory_space<hbm>>)
        tpu.yield
      }) : () -> ()
    }
    %scan3A_20 = arith.constant 5 : i32
    return
  }
}

module attributes {stable_mosaic.version = 14 : i64} {
  func.func @_msg_body(%arg0: i32, %arg1: memref<512x128xf32, #tpu.memory_space<vmem>>, %arg2: memref<512x32xf32, #tpu.memory_space<vmem>>, %arg3: memref<128x1152xbf16, #tpu.memory_space<vmem>>, %arg4: memref<32x1280xf32, #tpu.memory_space<vmem>>, %arg5: memref<512x128xf32, #tpu.memory_space<vmem>>) attributes {dimension_semantics = [#tpu.dimension_semantics<arbitrary>], iteration_bounds = array<i64: 160>, scalar_prefetch = 0 : i64, scratch_operands = 0 : i64, tpu.core_type = #tpu.core_type<tc>, window_params = [{transform_indices = @transform_0, window_bounds = array<i64: 512, 128>}, {transform_indices = @transform_1, window_bounds = array<i64: 512, 32>}, {pipeline_mode = #tpu.pipeline_mode<synchronous>, transform_indices = @transform_2, window_bounds = array<i64: 128, 1152>}, {pipeline_mode = #tpu.pipeline_mode<synchronous>, transform_indices = @transform_3, window_bounds = array<i64: 32, 1280>}, {transform_indices = @transform_4, window_bounds = array<i64: 512, 128>}]} {
    %get3A = arith.constant 0 : index
    %get3A_0 = arith.constant 0 : index
    %get3A_1 = vector.load %arg1[%get3A, %get3A_0] : memref<512x128xf32, #tpu.memory_space<vmem>>, vector<512x128xf32>
    %convert_element_type3A = arith.truncf %get3A_1 : vector<512x128xf32> to vector<512x128xbf16>
    %get3A_2 = arith.constant 0 : index
    %get3A_3 = arith.constant 0 : index
    %get3A_4 = vector.load %arg3[%get3A_2, %get3A_3] : memref<128x1152xbf16, #tpu.memory_space<vmem>>, vector<128x1152xbf16>
    %dot_general3A = arith.constant dense<0.000000e+00> : vector<512x1152xf32>
    %dot_general3A_5 = tpu.matmul %convert_element_type3A, %get3A_4, %dot_general3A {dimension_numbers = #tpu.dot_dimension_numbers<[1], [0], [0], [1], [0, 0, 1, 1], [], []>, transpose_lhs_hint = false} : vector<512x128xbf16>, vector<128x1152xbf16>, vector<512x1152xf32> -> vector<512x1152xf32>
    %get3A_6 = arith.constant 0 : index
    %get3A_7 = arith.constant 0 : index
    %get3A_8 = vector.load %arg2[%get3A_6, %get3A_7] : memref<512x32xf32, #tpu.memory_space<vmem>>, vector<512x32xf32>
    %get3A_9 = arith.constant 0 : index
    %get3A_10 = arith.constant 0 : index
    %get3A_11 = vector.load %arg4[%get3A_9, %get3A_10] : memref<32x1280xf32, #tpu.memory_space<vmem>>, vector<32x1280xf32>
    %dot_general3A_12 = arith.constant dense<0.000000e+00> : vector<512x1280xf32>
    %dot_general3A_13 = tpu.matmul %get3A_8, %get3A_11, %dot_general3A_12 {dimension_numbers = #tpu.dot_dimension_numbers<[1], [0], [0], [1], [0, 0, 1, 1], [], []>, transpose_lhs_hint = false} : vector<512x32xf32>, vector<32x1280xf32>, vector<512x1280xf32> -> vector<512x1280xf32>
    %slice3A = vector.extract_strided_slice %dot_general3A_13 {offsets = [0, 0], sizes = [512, 128], strides = [1, 1]} : vector<512x1280xf32> to vector<512x128xf32>
    %slice3A_14 = vector.extract_strided_slice %dot_general3A_5 {offsets = [0, 0], sizes = [512, 128], strides = [1, 1]} : vector<512x1152xf32> to vector<512x128xf32>
    %mul3A = arith.mulf %slice3A, %slice3A_14 : vector<512x128xf32>
    %slice3A_15 = vector.extract_strided_slice %dot_general3A_13 {offsets = [0, 128], sizes = [512, 128], strides = [1, 1]} : vector<512x1280xf32> to vector<512x128xf32>
    %slice3A_16 = vector.extract_strided_slice %dot_general3A_5 {offsets = [0, 128], sizes = [512, 128], strides = [1, 1]} : vector<512x1152xf32> to vector<512x128xf32>
    %mul3A_17 = arith.mulf %slice3A_15, %slice3A_16 : vector<512x128xf32>
    %add3A = arith.addf %mul3A, %mul3A_17 : vector<512x128xf32>
    %slice3A_18 = vector.extract_strided_slice %dot_general3A_13 {offsets = [0, 256], sizes = [512, 128], strides = [1, 1]} : vector<512x1280xf32> to vector<512x128xf32>
    %slice3A_19 = vector.extract_strided_slice %dot_general3A_5 {offsets = [0, 256], sizes = [512, 128], strides = [1, 1]} : vector<512x1152xf32> to vector<512x128xf32>
    %mul3A_20 = arith.mulf %slice3A_18, %slice3A_19 : vector<512x128xf32>
    %add3A_21 = arith.addf %add3A, %mul3A_20 : vector<512x128xf32>
    %slice3A_22 = vector.extract_strided_slice %dot_general3A_13 {offsets = [0, 384], sizes = [512, 128], strides = [1, 1]} : vector<512x1280xf32> to vector<512x128xf32>
    %slice3A_23 = vector.extract_strided_slice %dot_general3A_5 {offsets = [0, 384], sizes = [512, 128], strides = [1, 1]} : vector<512x1152xf32> to vector<512x128xf32>
    %mul3A_24 = arith.mulf %slice3A_22, %slice3A_23 : vector<512x128xf32>
    %add3A_25 = arith.addf %add3A_21, %mul3A_24 : vector<512x128xf32>
    %slice3A_26 = vector.extract_strided_slice %dot_general3A_13 {offsets = [0, 512], sizes = [512, 128], strides = [1, 1]} : vector<512x1280xf32> to vector<512x128xf32>
    %slice3A_27 = vector.extract_strided_slice %dot_general3A_5 {offsets = [0, 512], sizes = [512, 128], strides = [1, 1]} : vector<512x1152xf32> to vector<512x128xf32>
    %mul3A_28 = arith.mulf %slice3A_26, %slice3A_27 : vector<512x128xf32>
    %add3A_29 = arith.addf %add3A_25, %mul3A_28 : vector<512x128xf32>
    %slice3A_30 = vector.extract_strided_slice %dot_general3A_13 {offsets = [0, 640], sizes = [512, 128], strides = [1, 1]} : vector<512x1280xf32> to vector<512x128xf32>
    %slice3A_31 = vector.extract_strided_slice %dot_general3A_5 {offsets = [0, 640], sizes = [512, 128], strides = [1, 1]} : vector<512x1152xf32> to vector<512x128xf32>
    %mul3A_32 = arith.mulf %slice3A_30, %slice3A_31 : vector<512x128xf32>
    %add3A_33 = arith.addf %add3A_29, %mul3A_32 : vector<512x128xf32>
    %slice3A_34 = vector.extract_strided_slice %dot_general3A_13 {offsets = [0, 768], sizes = [512, 128], strides = [1, 1]} : vector<512x1280xf32> to vector<512x128xf32>
    %slice3A_35 = vector.extract_strided_slice %dot_general3A_5 {offsets = [0, 768], sizes = [512, 128], strides = [1, 1]} : vector<512x1152xf32> to vector<512x128xf32>
    %mul3A_36 = arith.mulf %slice3A_34, %slice3A_35 : vector<512x128xf32>
    %add3A_37 = arith.addf %add3A_33, %mul3A_36 : vector<512x128xf32>
    %slice3A_38 = vector.extract_strided_slice %dot_general3A_13 {offsets = [0, 896], sizes = [512, 128], strides = [1, 1]} : vector<512x1280xf32> to vector<512x128xf32>
    %slice3A_39 = vector.extract_strided_slice %dot_general3A_5 {offsets = [0, 896], sizes = [512, 128], strides = [1, 1]} : vector<512x1152xf32> to vector<512x128xf32>
    %mul3A_40 = arith.mulf %slice3A_38, %slice3A_39 : vector<512x128xf32>
    %add3A_41 = arith.addf %add3A_37, %mul3A_40 : vector<512x128xf32>
    %slice3A_42 = vector.extract_strided_slice %dot_general3A_13 {offsets = [0, 1024], sizes = [512, 128], strides = [1, 1]} : vector<512x1280xf32> to vector<512x128xf32>
    %slice3A_43 = vector.extract_strided_slice %dot_general3A_5 {offsets = [0, 1024], sizes = [512, 128], strides = [1, 1]} : vector<512x1152xf32> to vector<512x128xf32>
    %mul3A_44 = arith.mulf %slice3A_42, %slice3A_43 : vector<512x128xf32>
    %add3A_45 = arith.addf %add3A_41, %mul3A_44 : vector<512x128xf32>
    %slice3A_46 = vector.extract_strided_slice %add3A_45 {offsets = [0, 64], sizes = [512, 64], strides = [1, 1]} : vector<512x128xf32> to vector<512x64xf32>
    %slice3A_47 = vector.extract_strided_slice %add3A_45 {offsets = [0, 0], sizes = [512, 64], strides = [1, 1]} : vector<512x128xf32> to vector<512x64xf32>
    %concatenate3A = tpu.concatenate %slice3A_46, %slice3A_47 in 1 : vector<512x64xf32>, vector<512x64xf32> -> vector<512x128xf32>
    %add3A_48 = arith.addf %add3A_45, %concatenate3A : vector<512x128xf32>
    %slice3A_49 = vector.extract_strided_slice %dot_general3A_13 {offsets = [0, 1152], sizes = [512, 128], strides = [1, 1]} : vector<512x1280xf32> to vector<512x128xf32>
    %mul3A_50 = arith.mulf %add3A_48, %slice3A_49 : vector<512x128xf32>
    %swap3A = arith.constant 0 : index
    %swap3A_51 = arith.constant 0 : index
    %swap3A_52 = vector.load %arg5[%swap3A, %swap3A_51] : memref<512x128xf32, #tpu.memory_space<vmem>>, vector<512x128xf32>
    tpu.vector_store %arg5[%swap3A, %swap3A_51], %mul3A_50 {strides = array<i32>} : memref<512x128xf32, #tpu.memory_space<vmem>>, vector<512x128xf32>,
    return
  }
  func.func @transform_0(%arg0: i32) -> (i32, i32) {
    %c0_i32 = arith.constant 0 : i32
    %c0_i32_0 = arith.constant 0 : i32
    return %arg0, %c0_i32 : i32, i32
  }
  func.func @transform_1(%arg0: i32) -> (i32, i32) {
    %c0_i32 = arith.constant 0 : i32
    %c0_i32_0 = arith.constant 0 : i32
    return %arg0, %c0_i32 : i32, i32
  }
  func.func @transform_2(%arg0: i32) -> (i32, i32) {
    %c0_i32 = arith.constant 0 : i32
    %c0_i32_0 = arith.constant 0 : i32
    %c0_i32_1 = arith.constant 0 : i32
    return %c0_i32, %c0_i32_0 : i32, i32
  }
  func.func @transform_3(%arg0: i32) -> (i32, i32) {
    %c0_i32 = arith.constant 0 : i32
    %c0_i32_0 = arith.constant 0 : i32
    %c0_i32_1 = arith.constant 0 : i32
    return %c0_i32, %c0_i32_0 : i32, i32
  }
  func.func @transform_4(%arg0: i32) -> (i32, i32) {
    %c0_i32 = arith.constant 0 : i32
    %c0_i32_0 = arith.constant 0 : i32
    return %arg0, %c0_i32 : i32, i32
  }
}

module attributes {stable_mosaic.version = 14 : i64} {
  func.func @_head_body(%arg0: memref<2x10000x64xf32, #tpu.memory_space<vmem>>, %arg1: memref<1x1xf32, #tpu.memory_space<smem>>, %arg2: memref<64x64xf32, #tpu.memory_space<vmem>>, %arg3: memref<1x64xf32, #tpu.memory_space<vmem>>, %arg4: memref<1x64xf32, #tpu.memory_space<vmem>>, %arg5: memref<1x64xf32, #tpu.memory_space<vmem>>, %arg6: memref<64x64xf32, #tpu.memory_space<vmem>>, %arg7: memref<1x64xf32, #tpu.memory_space<vmem>>, %arg8: memref<1x64xf32, #tpu.memory_space<vmem>>, %arg9: memref<1x64xf32, #tpu.memory_space<vmem>>, %arg10: memref<10000x64xf32, #tpu.memory_space<vmem>>) attributes {dimension_semantics = [], scalar_prefetch = 0 : i64, scratch_operands = 0 : i64, tpu.core_type = #tpu.core_type<tc>} {
    %get3A = arith.constant 0 : index
    %get3A_0 = arith.constant 0 : index
    %get3A_1 = memref.load %arg1[%get3A, %get3A_0] : memref<1x1xf32, #tpu.memory_space<smem>>
    %add3A = arith.constant 1.000000e+00 : f32
    %add3A_2 = arith.addf %add3A, %get3A_1 : f32
    %get3A_3 = arith.constant 0 : index
    %get3A_4 = arith.constant 0 : index
    %get3A_5 = arith.constant 0 : index
    %get3A_6 = vector.load %arg0[%get3A_3, %get3A_4, %get3A_5] : memref<2x10000x64xf32, #tpu.memory_space<vmem>>, vector<1x10000x64xf32>
    %get3A_7 = vector.shape_cast %get3A_6 : vector<1x10000x64xf32> to vector<10000x64xf32>
    %get3A_8 = arith.constant 1 : index
    %get3A_9 = arith.constant 0 : index
    %get3A_10 = arith.constant 0 : index
    %get3A_11 = vector.load %arg0[%get3A_8, %get3A_9, %get3A_10] : memref<2x10000x64xf32, #tpu.memory_space<vmem>>, vector<1x10000x64xf32>
    %get3A_12 = vector.shape_cast %get3A_11 : vector<1x10000x64xf32> to vector<10000x64xf32>
    %add3A_13 = arith.addf %get3A_7, %get3A_12 : vector<10000x64xf32>
    %mul3A = vector.broadcast %add3A_2 : f32 to vector<10000x64xf32>
    %mul3A_14 = arith.mulf %mul3A, %add3A_13 : vector<10000x64xf32>
    %get3A_15 = arith.constant 0 : index
    %get3A_16 = arith.constant 0 : index
    %get3A_17 = vector.load %arg2[%get3A_15, %get3A_16] : memref<64x64xf32, #tpu.memory_space<vmem>>, vector<64x64xf32>
    %dot_general3A = arith.constant dense<0.000000e+00> : vector<10000x64xf32>
    %dot_general3A_18 = tpu.matmul %mul3A_14, %get3A_17, %dot_general3A {dimension_numbers = #tpu.dot_dimension_numbers<[1], [0], [0], [1], [0, 0, 1, 1], [], []>, transpose_lhs_hint = false} : vector<10000x64xf32>, vector<64x64xf32>, vector<10000x64xf32> -> vector<10000x64xf32>
    %get3A_19 = arith.constant 0 : index
    %get3A_20 = arith.constant 0 : index
    %get3A_21 = vector.load %arg3[%get3A_19, %get3A_20] : memref<1x64xf32, #tpu.memory_space<vmem>>, vector<1x64xf32>
    %add3A_22 = vector.broadcast %get3A_21 : vector<1x64xf32> to vector<10000x64xf32>
    %add3A_23 = arith.addf %dot_general3A_18, %add3A_22 : vector<10000x64xf32>
    %reduce_sum3A = arith.constant dense<0.000000e+00> : vector<64xf32>
    %reduce_sum3A_24 = vector.multi_reduction <add>, %add3A_23, %reduce_sum3A [0] : vector<10000x64xf32> to vector<64xf32>
    %broadcast_in_dim3A = vector.shape_cast %reduce_sum3A_24 : vector<64xf32> to vector<1x64xf32>
    %div3A = arith.constant 1.000000e+04 : f32
    %div3A_25 = vector.broadcast %div3A : f32 to vector<1x64xf32>
    %div3A_26 = arith.divf %broadcast_in_dim3A, %div3A_25 : vector<1x64xf32>
    %sub3A = vector.broadcast %div3A_26 : vector<1x64xf32> to vector<10000x64xf32>
    %sub3A_27 = arith.subf %add3A_23, %sub3A : vector<10000x64xf32>
    %integer_pow3A = arith.mulf %sub3A_27, %sub3A_27 : vector<10000x64xf32>
    %reduce_sum3A_28 = arith.constant dense<0.000000e+00> : vector<64xf32>
    %reduce_sum3A_29 = vector.multi_reduction <add>, %integer_pow3A, %reduce_sum3A_28 [0] : vector<10000x64xf32> to vector<64xf32>
    %broadcast_in_dim3A_30 = vector.shape_cast %reduce_sum3A_29 : vector<64xf32> to vector<1x64xf32>
    %div3A_31 = arith.constant 1.000000e+04 : f32
    %div3A_32 = vector.broadcast %div3A_31 : f32 to vector<1x64xf32>
    %div3A_33 = arith.divf %broadcast_in_dim3A_30, %div3A_32 : vector<1x64xf32>
    %get3A_34 = arith.constant 0 : index
    %get3A_35 = arith.constant 0 : index
    %get3A_36 = vector.load %arg4[%get3A_34, %get3A_35] : memref<1x64xf32, #tpu.memory_space<vmem>>, vector<1x64xf32>
    %sub3A_37 = vector.broadcast %div3A_26 : vector<1x64xf32> to vector<10000x64xf32>
    %sub3A_38 = arith.subf %add3A_23, %sub3A_37 : vector<10000x64xf32>
    %mul3A_39 = vector.broadcast %get3A_36 : vector<1x64xf32> to vector<10000x64xf32>
    %mul3A_40 = arith.mulf %mul3A_39, %sub3A_38 : vector<10000x64xf32>
    %add3A_41 = arith.constant 9.99999974E-6 : f32
    %add3A_42 = vector.broadcast %add3A_41 : f32 to vector<1x64xf32>
    %add3A_43 = arith.addf %div3A_33, %add3A_42 : vector<1x64xf32>
    %rsqrt3A = math.rsqrt %add3A_43 : vector<1x64xf32>
    %mul3A_44 = vector.broadcast %rsqrt3A : vector<1x64xf32> to vector<10000x64xf32>
    %mul3A_45 = arith.mulf %mul3A_40, %mul3A_44 : vector<10000x64xf32>
    %get3A_46 = arith.constant 0 : index
    %get3A_47 = arith.constant 0 : index
    %get3A_48 = vector.load %arg5[%get3A_46, %get3A_47] : memref<1x64xf32, #tpu.memory_space<vmem>>, vector<1x64xf32>
    %add3A_49 = vector.broadcast %get3A_48 : vector<1x64xf32> to vector<10000x64xf32>
    %add3A_50 = arith.addf %mul3A_45, %add3A_49 : vector<10000x64xf32>
    %max3A = arith.constant 0.000000e+00 : f32
    %max3A_51 = vector.broadcast %max3A : f32 to vector<10000x64xf32>
    %max3A_52 = arith.maximumf %add3A_50, %max3A_51 : vector<10000x64xf32>
    %get3A_53 = arith.constant 0 : index
    %get3A_54 = arith.constant 0 : index
    %get3A_55 = vector.load %arg6[%get3A_53, %get3A_54] : memref<64x64xf32, #tpu.memory_space<vmem>>, vector<64x64xf32>
    %dot_general3A_56 = arith.constant dense<0.000000e+00> : vector<10000x64xf32>
    %dot_general3A_57 = tpu.matmul %max3A_52, %get3A_55, %dot_general3A_56 {dimension_numbers = #tpu.dot_dimension_numbers<[1], [0], [0], [1], [0, 0, 1, 1], [], []>, transpose_lhs_hint = false} : vector<10000x64xf32>, vector<64x64xf32>, vector<10000x64xf32> -> vector<10000x64xf32>
    %get3A_58 = arith.constant 0 : index
    %get3A_59 = arith.constant 0 : index
    %get3A_60 = vector.load %arg7[%get3A_58, %get3A_59] : memref<1x64xf32, #tpu.memory_space<vmem>>, vector<1x64xf32>
    %add3A_61 = vector.broadcast %get3A_60 : vector<1x64xf32> to vector<10000x64xf32>
    %add3A_62 = arith.addf %dot_general3A_57, %add3A_61 : vector<10000x64xf32>
    %reduce_sum3A_63 = arith.constant dense<0.000000e+00> : vector<64xf32>
    %reduce_sum3A_64 = vector.multi_reduction <add>, %add3A_62, %reduce_sum3A_63 [0] : vector<10000x64xf32> to vector<64xf32>
    %broadcast_in_dim3A_65 = vector.shape_cast %reduce_sum3A_64 : vector<64xf32> to vector<1x64xf32>
    %div3A_66 = arith.constant 1.000000e+04 : f32
    %div3A_67 = vector.broadcast %div3A_66 : f32 to vector<1x64xf32>
    %div3A_68 = arith.divf %broadcast_in_dim3A_65, %div3A_67 : vector<1x64xf32>
    %sub3A_69 = vector.broadcast %div3A_68 : vector<1x64xf32> to vector<10000x64xf32>
    %sub3A_70 = arith.subf %add3A_62, %sub3A_69 : vector<10000x64xf32>
    %integer_pow3A_71 = arith.mulf %sub3A_70, %sub3A_70 : vector<10000x64xf32>
    %reduce_sum3A_72 = arith.constant dense<0.000000e+00> : vector<64xf32>
    %reduce_sum3A_73 = vector.multi_reduction <add>, %integer_pow3A_71, %reduce_sum3A_72 [0] : vector<10000x64xf32> to vector<64xf32>
    %broadcast_in_dim3A_74 = vector.shape_cast %reduce_sum3A_73 : vector<64xf32> to vector<1x64xf32>
    %div3A_75 = arith.constant 1.000000e+04 : f32
    %div3A_76 = vector.broadcast %div3A_75 : f32 to vector<1x64xf32>
    %div3A_77 = arith.divf %broadcast_in_dim3A_74, %div3A_76 : vector<1x64xf32>
    %get3A_78 = arith.constant 0 : index
    %get3A_79 = arith.constant 0 : index
    %get3A_80 = vector.load %arg8[%get3A_78, %get3A_79] : memref<1x64xf32, #tpu.memory_space<vmem>>, vector<1x64xf32>
    %sub3A_81 = vector.broadcast %div3A_68 : vector<1x64xf32> to vector<10000x64xf32>
    %sub3A_82 = arith.subf %add3A_62, %sub3A_81 : vector<10000x64xf32>
    %mul3A_83 = vector.broadcast %get3A_80 : vector<1x64xf32> to vector<10000x64xf32>
    %mul3A_84 = arith.mulf %mul3A_83, %sub3A_82 : vector<10000x64xf32>
    %add3A_85 = arith.constant 9.99999974E-6 : f32
    %add3A_86 = vector.broadcast %add3A_85 : f32 to vector<1x64xf32>
    %add3A_87 = arith.addf %div3A_77, %add3A_86 : vector<1x64xf32>
    %rsqrt3A_88 = math.rsqrt %add3A_87 : vector<1x64xf32>
    %mul3A_89 = vector.broadcast %rsqrt3A_88 : vector<1x64xf32> to vector<10000x64xf32>
    %mul3A_90 = arith.mulf %mul3A_84, %mul3A_89 : vector<10000x64xf32>
    %get3A_91 = arith.constant 0 : index
    %get3A_92 = arith.constant 0 : index
    %get3A_93 = vector.load %arg9[%get3A_91, %get3A_92] : memref<1x64xf32, #tpu.memory_space<vmem>>, vector<1x64xf32>
    %add3A_94 = vector.broadcast %get3A_93 : vector<1x64xf32> to vector<10000x64xf32>
    %add3A_95 = arith.addf %mul3A_90, %add3A_94 : vector<10000x64xf32>
    %ge3A = arith.constant 0.000000e+00 : f32
    %ge3A_96 = vector.broadcast %ge3A : f32 to vector<10000x64xf32>
    %ge3A_97 = arith.cmpf oge, %add3A_95, %ge3A_96 : vector<10000x64xf32>
    %mul3A_98 = arith.constant 0.00999999977 : f32
    %mul3A_99 = vector.broadcast %mul3A_98 : f32 to vector<10000x64xf32>
    %mul3A_100 = arith.mulf %mul3A_99, %add3A_95 : vector<10000x64xf32>
    %select_n3A = arith.select %ge3A_97, %add3A_95, %mul3A_100 : vector<10000x64xi1>, vector<10000x64xf32>
    %swap3A = arith.constant 0 : index
    %swap3A_101 = arith.constant 0 : index
    %swap3A_102 = vector.load %arg10[%swap3A, %swap3A_101] : memref<10000x64xf32, #tpu.memory_space<vmem>>, vector<10000x64xf32>
    tpu.vector_store %arg10[%swap3A, %swap3A_101], %select_n3A {strides = array<i32>} : memref<10000x64xf32, #tpu.memory_space<vmem>>, vector<10000x64xf32>,
    return
  }
}

</mosaic_0001>

<sc_bundles>
// kernel: kernel.11.cloned.1.call-start
scs
__scs_entry_jumppad:
0x0: {  	(pc) =	sbr.rel $0x88, $3  }
0x1: {  	(tag) =	ssettag $0x0;
	lr =	simm.s32 $0x1  }
0x2: {  	[smem:$0x3F93] =	sst lr;
	_ =	strace $0xD0000000  }
0x3: {  	_ = 	snop  }
0x4: {  	_ = 	snop  }
0x5: {  	_ = 	snop  }
0x6: {  	_ = 	snop  }
0x7: {  	_ = 	snop  }
__scs_overlays_trampoline_lowered:
0x8: {  	[smem:$0x3FA2] =	sst s0  }
0x9: {  	[smem:$0x3FA3] =	sst s1  }
0xa: {  	[smem:$0x3FA4] =	sst s2  }
0xb: {  	[smem:$0x3FA5] =	sst s3  }
0xc: {  	[smem:$0x3FA6] =	sst s4  }
0xd: {  	[smem:$0x3FA7] =	sst s5  }
0xe: {  	[smem:$0x3FA8] =	sst s6  }
0xf: {  	[smem:$0x3FA9] =	sst s7  }
0x10: {  	[smem:$0x3FAA] =	sst s8  }
0x11: {  	[smem:$0x3FAB] =	sst s9;
	s0 =	simm.s32 @!p0 $0x0  }
0x12: {  	s1 =	sld [smem:$0x3F91];
	s0 =	simm.s32 @p0 $0x1  }
0x13: {  	[smem:$0x3FAC] =	sst s0;
	s0 =	simm.s32 @!p1 $0x0  }
0x14: {  	s2 =	sld [smem:$0x3F90];
	s0 =	simm.s32 @p1 $0x1  }
0x15: {  	[smem:$0x3FAD] =	sst s0;
	s0 =	simm.s32 @!p2 $0x0  }
0x16: {  	s3 =	sld [smem:$0x3FDB];
	s0 =	simm.s32 @p2 $0x1  }
0x17: {  	s4 =	simm.s32 $0x1BF5;
	[smem:$0x3FAF] =	sst s0  }
0x18: {  	s0 =	sld [smem:$0x3F92];
	_ =	swait.ge [sflag:s4], $0x0  }
0x19: {  	s7 =	sld [smem:$0x3F93]  }
0x1a: {  	s8 =	sadd.s32 $0xFFFFE003, lr  }
0x1b: {  	s9 =	sadd.s32 $0xFFFFFEF7, lr;
	s5 =	simm.s32 $0xFFFFFFFF;
	p2 =	slt.u32 s8, $0xFFFFF086  }
0x1c: {  	p1 =	slt.u32 s9, $0xF7A;
	s5 =	simm.s32 @!p2 $0x0  }
0x1d: {  	s5 =	simm.s32 @p1 $0x1;
	p0 =	seq.s32 s7, s2  }
0x1e: {  	s7 =	smul.u32 @!p0 $0xF7A, s2;
	p2 =	seq.s32 @!p0 s5, $0x0  }
0x1f: {  	s9 =	smul.u32 $0xF7A, s1;
	s8 =	simm.s32 @!p0 $0x1BF5;
	p2 =	por !p2, p0  }
0x20: {  	[sflag:s8] =	ssyncset.s32 @!p0 $0xFFFFF086;
	s6 =	sadd.s32 @!p0 s3, s7;
	s7 =	simm.s32 @!p0 $0x108  }
0x21: {  	s3 =	sadd.s32 s3, s9;
	s6 =	sadd.s32 @!p0 $0x88, s6;
	s7 =	simm.s32 @p2 $0x1082  }
0x22: {  	[simem:s7], [sflag:s8] =	dma.local @!p0 [hbm:s6], $0xF7A  }
0x23: {  	s9 =	sor.u32 $0xD0000000, s2;
	s6 =	simm.s32 $0x108;
	_ =	swait.ge @!p0 [sflag:s8], $0x0  }
0x24: {  	s3 =	sadd.s32 $0x88, s3;
	s6 =	simm.s32 @!p1 $0x1082;
	[sflag:s4] =	ssyncset.s32 $0xFFFFF086  }
0x25: {  	[simem:s6], [sflag:s4] =	dma.local [hbm:s3], $0xF7A  }
0x26: {  	[smem:$0x3F93] =	sst s1;
	(tag) =	ssettag s2;
	_ =	strace s9  }
0x27: {  	s1 =	sld [smem:$0x3FA3]  }
0x28: {  	s2 =	sld [smem:$0x3FA4]  }
0x29: {  	s4 =	sld [smem:$0x3FA6]  }
0x2a: {  	p0 =	seq.s32 s5, $0x0;
	s5 =	sld [smem:$0x3FA7]  }
0x2b: {  	s6 =	sld [smem:$0x3FA8]  }
0x2c: {  	s7 =	sld [smem:$0x3FA9]  }
0x2d: {  	s3 =	simm.s32 $0x108;
	s8 =	sld [smem:$0x3FAA]  }
0x2e: {  	s3 =	simm.s32 @!p0 $0x1082;
	s9 =	sld [smem:$0x3FAB]  }
0x2f: {  	lr =	sadd.s32 s0, s3;
	s0 =	sld [smem:$0x3FA2]  }
0x30: {  	s3 =	sld [smem:$0x3FA5]  }
0x31: {  	[smem:$0x3FAE] =	sst s10  }
0x32: {  	s10 =	sld [smem:$0x3FAC];
	_ =	sdelay $0x3  }
0x33: {  	p0 =	seq.s32 s10, $0x1;
	s10 =	sld [smem:$0x3FAE];
	_ =	sdelay $0x3  }
0x34: {  	[smem:$0x3FAE] =	sst s10  }
0x35: {  	s10 =	sld [smem:$0x3FAD];
	_ =	sdelay $0x3  }
0x36: {  	p1 =	seq.s32 s10, $0x1;
	s10 =	sld [smem:$0x3FAE];
	_ =	sdelay $0x3  }
0x37: {  	[smem:$0x3FAE] =	sst s10  }
0x38: {  	s10 =	sld [smem:$0x3FAF]  }
0x39: {  	_ = 	snop;
	(pc) =	sbr.ind lr, $3  }
0x3a: {  	_ = 	snop  }
0x3b: {  	_ = 	snop  }
0x3c: {  	p2 =	seq.s32 s10, $0x1;
	s10 =	sld [smem:$0x3FAE]  }
0x3d: {  	_ =	shalt  }
0x3e: {  	_ =	shalt  }
0x3f: {  	_ =	shalt  }
0x40: {  	_ =	shalt  }
0x41: {  	_ =	shalt  }
0x42: {  	_ =	shalt  }
0x43: {  	_ =	shalt  }
0x44: {  	_ =	shalt  }
0x45: {  	_ =	shalt  }
0x46: {  	_ =	shalt  }
0x47: {  	_ =	shalt  }
0x48: {  	_ =	shalt  }
0x49: {  	_ =	shalt  }
0x4a: {  	_ =	shalt  }
0x4b: {  	_ =	shalt  }
0x4c: {  	_ =	shalt  }
0x4d: {  	_ =	shalt  }
0x4e: {  	_ =	shalt  }
0x4f: {  	_ =	shalt  }
0x50: {  	_ =	shalt  }
0x51: {  	_ =	shalt  }
0x52: {  	_ =	shalt  }
0x53: {  	_ =	shalt  }
0x54: {  	_ =	shalt  }
0x55: {  	_ =	shalt  }
0x56: {  	_ =	shalt  }
0x57: {  	_ =	shalt  }
0x58: {  	_ =	shalt  }
0x59: {  	_ =	shalt  }
0x5a: {  	_ =	shalt  }
0x5b: {  	_ =	shalt  }
0x5c: {  	_ =	shalt  }
0x5d: {  	_ =	shalt  }
0x5e: {  	_ =	shalt  }
0x5f: {  	_ =	shalt  }
0x60: {  	_ =	shalt  }
0x61: {  	_ =	shalt  }
0x62: {  	_ =	shalt  }
0x63: {  	_ =	shalt  }
0x64: {  	_ =	shalt  }
0x65: {  	_ =	shalt  }
0x66: {  	_ =	shalt  }
0x67: {  	_ =	shalt  }
0x68: {  	_ =	shalt  }
0x69: {  	_ =	shalt  }
0x6a: {  	_ =	shalt  }
0x6b: {  	_ =	shalt  }
0x6c: {  	_ =	shalt  }
0x6d: {  	_ =	shalt  }
0x6e: {  	_ =	shalt  }
0x6f: {  	_ =	shalt  }
0x70: {  	_ =	shalt  }
0x71: {  	_ =	shalt  }
0x72: {  	_ =	shalt  }
0x73: {  	_ =	shalt  }
0x74: {  	_ =	shalt  }
0x75: {  	_ =	shalt  }
0x76: {  	_ =	shalt  }
0x77: {  	_ =	shalt  }
0x78: {  	_ =	shalt  }
0x79: {  	_ =	shalt  }
0x7a: {  	_ =	shalt  }
0x7b: {  	_ =	shalt  }
0x7c: {  	_ =	shalt  }
0x7d: {  	_ =	shalt  }
0x7e: {  	_ =	shalt  }
0x7f: {  	_ =	shalt  }
0x80: {  	_ =	shalt  }
0x81: {  	_ =	shalt  }
0x82: {  	_ =	shalt  }
0x83: {  	_ =	shalt  }
0x84: {  	_ =	shalt  }
0x85: {  	_ =	shalt  }
0x86: {  	_ =	shalt  }
0x87: {  	_ =	shalt  }
.Lfunc_end0:
.L_simem_size_0:
called_computation.1_lowered:
.L_overlay_start_0:
0x88: {  	s2 =	sld [smem:$0x3FD9]  }
0x89: {  	s3 =	sld [smem:$0x3FFE];
	_ =	sdelay $0x1  }
0x8a: {  	s1 =	srdreg.scid  }
0x8b: {  	s0 =	sand.u32 $0x1, s1  }
0x8c: {  	s17 =	sshll.u32 s0, $0xA;
	s2 =	sadd.s32 s3, s2  }
0x8d: {  	s2 =	sadd.s32 s2, s17  }
0x8e: {  	[smem:$0x3FBA] =	sst s2  }
0x8f: {  	_ = 	snop  }
0x90: {  	s2 =	sld [smem:$0x3FC9];
	(tm) =	ssettm $0x1  }
0x91: {  	s18 =	sld [smem:$0x3FFB];
	_ =	sdelay $0x3  }
0x92: {  	_ =	strace s18  }
0x93: {  	s3 =	sld [smem:$0x3FFC];
	_ =	sdelay $0x3  }
0x94: {  	_ =	strace s3  }
0x95: {  	s3 =	sld [smem:$0x3FFD];
	_ =	sdelay $0x3  }
0x96: {  	_ =	strace s3  }
0x97: {  	_ =	strace $0x8FFFFFFF  }
0x98: {  	s19 =	sld [smem:$0x3FDB];
	_ =	sdelay $0x1  }
0x99: {  	s4 =	simm.s32 $_scs_section_size  }
0x9a: {  	s5 =	simm.s32 $_size__tile_overlayer_lowered;
	s6 =	simm.s32 $_tile_overlayer_lowered  }
0x9b: {  	s22 =	simm.s32 $0x1BFF;
	s21 =	sshll.u32 s6, $0x1;
	s3 =	sadd.s32 s4, s19  }
0x9c: {  	s7 =	simm.s32 $0x0;
	s20 =	sshll.u32 s5, $0x1;
	s5 =	sadd.s32 s21, s3  }
0x9d: {  	[timem:s7], [sflag:s22] =	dma.local [hbm:s5], s20  }
0x9e: {  	_ =	swait.ge [sflag:s22], s20  }
0x9f: {  	s4 =	ssub.s32 $0x0, s20;
	[sflag:s22] =	ssyncset.done $0x0  }
0xa0: {  	[sflag:s22] =	ssyncadd.s32 s4;
	_ =	sdelay $0x1  }
0xa1: {  	s23 =	simm.s32 $0x1B8B  }
0xa2: {  	_ =	swait.ge [sflag:s23], $0x1  }
0xa3: {  	[sflag:s23] =	ssyncset.done $0x0  }
0xa4: {  	s25 =	simm.s32 $0x1B8E;
	s24 =	sld [smem:$0x3FFE];
	[sflag:s23] =	ssyncadd.s32 $0xFFFFFFFF  }
0xa5: {  	s26 =	simm.s32 $execute0_lowered;
	[smem:$0x3FD2] =	sst s25  }
0xa6: {  	s5 =	sshll.u32 s26, $0x1;
	_ =	strace $0x80000046;
	[dreg:$0x1] =	wrdreg $0xFFFFFFFF  }
0xa7: {  	s28 =	simm.s32 $_size_execute0_lowered;
	s3 =	sadd.s32 s3, s5;
	[dreg:$0x0] =	wrdreg $0x0  }
0xa8: {  	s5 =	sshll.u32 s28, $0x1;
	[dreg:$0x2] =	wrdreg s3  }
0xa9: {  	[dreg:$0x3] =	wrdreg s5  }
0xaa: {  	[dreg:$0x4] =	wrdreg $0xC0  }
0xab: {  	_ =	task [dreg:s7], $0x5FFFF  }
0xac: {  	[dreg:$0x1] =	wrdreg $0xFFFFFFFF  }
0xad: {  	[dreg:$0x0] =	wrdreg $0x60  }
0xae: {  	[dreg:$0x2] =	wrdreg s2  }
0xaf: {  	[dreg:$0x3] =	wrdreg s24  }
0xb0: {  	[dreg:$0x4] =	wrdreg $0xA  }
0xb1: {  	_ =	task.clear_ibuf [dreg:s7], $0x5FFFF;
	_ =	strace $0x90000046  }
0xb2: {  	s29 =	simm.s32 $0xA;
	_ =	strace $0x80000048  }
0xb3: {  	_ =	swait.ge [sflag:s29], $0x1  }
0xb4: {  	[sflag:s29] =	ssyncadd.s32 $0xFFFFFFFF  }
0xb5: {  	_ =	strace $0x90000048  }
0xb6: {  	_ =	sfence  }
0xb7: {  	s30 =	sld [smem:$0x0];
	_ =	sdelay $0x2  }
0xb8: {  	s31 =	sshll.u32 s1, $0xD;
	s1 =	sshrl.u32 s1, $0x2  }
0xb9: {  	s3 =	sand.u32 $0x4000, s31;
	s1 =	sadd.s32 s1, s30  }
0xba: {  	s0 =	sor.u32 s3, s0;
	s1 =	sshll.u32 s1, $0x11  }
0xbb: {  	s0 =	sor.u32 s1, s0  }
0xbc: {  	s0 =	sadd.s32 $0x8F2B, s0  }
0xbd: {  	[sflag:s0] =	ssyncadd.remote.s32 $0x1  }
0xbe: {  	_ =	sfence.sel $0xFFFF  }
0xbf: {  	[dreg:$0x0] =	wrdreg $0xFFFFFFFF;
	(pc) =	sbr.abs _section_cstart, $3  }
0xc0: {  	[dreg:$0x1] =	wrdreg $0xFFFFFFFF  }
0xc1: {  	_ =	task.clear_ibuf [dreg:s7], $0x2FFFF;
	_ =	strace $0x9FFFFFFF  }
0xc2: {  	(tm) =	ssettm $0x7FFFFFFF  }
0xc3: {  	_ =	shalt  }
tec
execute0_lowered:
.L_overlay_start_1:
0x0: {  	(tag) =	ssettag $0x1  }
0x1: {  	s1 =	srdreg.scid  }
0x2: {  	s0 =	stileid.u32;
	s2 =	rddreg [dreg:$0x0]  }
0x3: {  	s5 =	rddreg [dreg:$0x1];
	s3 =	simm.s32 $0x0;
	s13 =	simm.s32 $0x80  }
0x4: {  	s14 =	simm.s32 $0xC00;
	s15 =	simm.s32 $0x4C00;
	s16 =	simm.s32 $0x1  }
0x5: {  	s17 =	simm.s32 $0x3;
	s18 =	simm.s32 $0x100;
	s19 =	simm.s32 $0x2  }
0x6: {  	s20 =	simm.s32 $0x4;
	s21 =	simm.s32 $0x980;
	s22 =	simm.s32 $0x0  }
0x7: {  	s4 =	sand.u32 $0x1, s1;
	s29 =	sshll.u32 s0, $0x1;
	s9 =	smul.u32 $0xA0000, s0  }
0x8: {  	s1 =	rddreg [dreg:$0x2];
	s6 =	sor.u32 s4, s29;
	s11 =	smul.u32 $0x50000, s4  }
0x9: {  	[smem:$0x7FF] =	sst s3;
	s8 =	ssub.s32 $0x2, s4;
	s7 =	smul.u32 $0x180, s6  }
0xa: {  	s12 =	sadd.s32 $0x5600, s5;
	s6 =	smul.u32 $0x50000, s6;
	s10 =	sshrl.u32 s8, $0x1  }
0xb: {  	_ =	strace $0x80000047;
	s8 =	ssub.s32 s8, s10;
	s9 =	sadd.s32 s11, s9  }
0xc: {  	s7 =	sadd.s32 s7, s5;
	s30 =	sshrl.u32 s6, $0x3;
	s6 =	smax.u32 s8, $0x1  }
0xd: {  	s31 =	sor.u32 $0x8000, s9;
	s11 =	sor.u32 $0xC000, s9;
	s4 =	sadd.s32 $0x2600, s7  }
0xe: {  	s5 =	sadd.s32 s12, s30;
	s10 =	sshrl.u32 s31, $0x3;
	s11 =	sshrl.u32 s11, $0x3  }
0xf: {  	s7 =	sadd.s32 $0x800, s5;
	s8 =	sadd.s32 $0x9000, s5;
	s9 =	sadd.s32 $0x9800, s5  }
0x10: {  	s10 =	sadd.s32 s10, s12;
	s11 =	sadd.s32 s11, s12;
	s12 =	simm.s32 $0x5  }
.LBB2_1:
0x11: {  	[tilespmem:s3], [sflag:$0x5] =	stream.linear.gather [hbm4b:s4+s3], $0xA00, $0x38;
	[tilespmem:$0x8C00] =	vst v63  }
0x12: {  	_ =	swait.ge [sflag:s12], $0xA00  }
0x13: {  	[sflag:s12] =	ssyncset.done $0x0  }
0x14: {  	[sflag:s12] =	ssyncadd.s32 $0xFFFFF600  }
0x15: {  	[tilespmem:s14], [sflag:$0x1] =	stream.indirect.gather [hbm4b:s2+s13], $0x80, s3, s13, $0xb8;
	[tilespmem:$0x8C00] =	vst v63  }
0x16: {  	_ = 	snop  }
0x17: {  	[tilespmem:s15], [sflag:$0x2] =	stream.indirect.gather [hbm4b:s2+s13], $0x80, s13, s13, $0xb8;
	[tilespmem:$0x8C00] =	vst v63  }
0x18: {  	_ =	swait.ge [sflag:s16], $0x4000  }
0x19: {  	[sflag:s16] =	ssyncset.done $0x0  }
0x1a: {  	[sflag:s16] =	ssyncadd.s32 $0xFFFFC000  }
0x1b: {  	[hbm4b:s5+s3] =	stream.linear.scatter [tilespmem:s14], [sflag:$0x3], $0x4000, $0x38;
	[tilespmem:$0x8C00] =	vst v63  }
0x1c: {  	_ =	swait.ge [sflag:s17], $0x4000  }
0x1d: {  	[sflag:s17] =	ssyncset.done $0x0  }
0x1e: {  	[sflag:s17] =	ssyncadd.s32 $0xFFFFC000  }
0x1f: {  	[tilespmem:s14], [sflag:$0x1] =	stream.indirect.gather [hbm4b:s2+s13], $0x80, s18, s13, $0xb8;
	[tilespmem:$0x8C00] =	vst v63  }
0x20: {  	_ =	swait.ge [sflag:s19], $0x4000  }
0x21: {  	[sflag:s19] =	ssyncset.done $0x0  }
0x22: {  	[sflag:s19] =	ssyncadd.s32 $0xFFFFC000  }
0x23: {  	[hbm4b:s7+s3] =	stream.linear.scatter [tilespmem:s15], [sflag:$0x4], $0x4000, $0x38;
	[tilespmem:$0x8C00] =	vst v63  }
0x24: {  	_ =	swait.ge [sflag:s20], $0x4000  }
0x25: {  	[sflag:s20] =	ssyncset.done $0x0  }
0x26: {  	s23 =	simm.s32 $0x180;
	[sflag:s20] =	ssyncadd.s32 $0xFFFFC000  }
0x27: {  	[tilespmem:s15], [sflag:$0x2] =	stream.indirect.gather [hbm4b:s2+s13], $0x80, s23, s13, $0xb8;
	[tilespmem:$0x8C00] =	vst v63  }
0x28: {  	_ =	swait.ge [sflag:s16], $0x4000  }
0x29: {  	[sflag:s16] =	ssyncset.done $0x0  }
0x2a: {  	s30 =	sadd.s32 $0x0, s10;
	[sflag:s16] =	ssyncadd.s32 $0xFFFFC000  }
0x2b: {  	[hbm4b:s30+s3] =	stream.linear.scatter [tilespmem:s14], [sflag:$0x3], $0x4000, $0x38;
	[tilespmem:$0x8C00] =	vst v63  }
0x2c: {  	_ =	swait.ge [sflag:s17], $0x4000  }
0x2d: {  	[sflag:s17] =	ssyncset.done $0x0  }
0x2e: {  	s31 =	simm.s32 $0x200;
	[sflag:s17] =	ssyncadd.s32 $0xFFFFC000  }
0x2f: {  	[tilespmem:s14], [sflag:$0x1] =	stream.indirect.gather [hbm4b:s2+s13], $0x80, s31, s13, $0xb8;
	[tilespmem:$0x8C00] =	vst v63  }
0x30: {  	_ =	swait.ge [sflag:s19], $0x4000  }
0x31: {  	s25 =	sadd.s32 $0x0, s11;
	[sflag:s19] =	ssyncset.done $0x0  }
0x32: {  	s24 =	simm.s32 $0x300;
	s23 =	simm.s32 $0x1000;
	[sflag:s19] =	ssyncadd.s32 $0xFFFFC000  }
.LBB2_2:
0x33: {  	[hbm4b:s25+s3] =	stream.linear.scatter [tilespmem:s15], [sflag:$0x4], $0x4000, $0x38;
	[tilespmem:$0x8C00] =	vst v63  }
0x34: {  	s25 =	smov.u32 s23  }
0x35: {  	p0 =	sne.s32 s23, $0x7000;
	s23 =	sadd.s32 $0x1000, s23;
	_ =	swait.ge [sflag:s20], $0x4000  }
0x36: {  	[sflag:s20] =	ssyncset.done $0x0  }
0x37: {  	s26 =	sadd.s32 $0xFFFFFF80, s24;
	[sflag:s20] =	ssyncadd.s32 $0xFFFFC000  }
0x38: {  	[tilespmem:s15], [sflag:$0x2] =	stream.indirect.gather [hbm4b:s2+s13], $0x80, s26, s13, $0xb8;
	[tilespmem:$0x8C00] =	vst v63  }
0x39: {  	_ =	swait.ge [sflag:s16], $0x4000  }
0x3a: {  	[sflag:s16] =	ssyncset.done $0x0  }
0x3b: {  	s26 =	sadd.s32 s25, s10;
	[sflag:s16] =	ssyncadd.s32 $0xFFFFC000  }
0x3c: {  	[hbm4b:s26+s3] =	stream.linear.scatter [tilespmem:s14], [sflag:$0x3], $0x4000, $0x38;
	[tilespmem:$0x8C00] =	vst v63  }
0x3d: {  	_ =	swait.ge [sflag:s17], $0x4000  }
0x3e: {  	[sflag:s17] =	ssyncset.done $0x0  }
.Ltmp0:
0x3f: {  	[sflag:s17] =	ssyncadd.s32 $0xFFFFC000;
	(pc) =	sbr.rel @p0 .LBB2_2-.Ltmp0, $4  }
0x40: {  	[tilespmem:s14], [sflag:$0x1] =	stream.indirect.gather [hbm4b:s2+s13], $0x80, s24, s13, $0xb8;
	[tilespmem:$0x8C00] =	vst v63  }
0x41: {  	_ =	swait.ge [sflag:s19], $0x4000  }
0x42: {  	[sflag:s19] =	ssyncset.done $0x0  }
0x43: {  	s25 =	sadd.s32 s25, s11;
	s24 =	sadd.s32 $0x100, s24;
	[sflag:s19] =	ssyncadd.s32 $0xFFFFC000  }
0x44: {  	[hbm4b:s25+s3] =	stream.linear.scatter [tilespmem:s15], [sflag:$0x4], $0x4000, $0x38;
	[tilespmem:$0x8C00] =	vst v63  }
0x45: {  	_ =	swait.ge [sflag:s20], $0x4000  }
0x46: {  	[sflag:s20] =	ssyncset.done $0x0  }
0x47: {  	[sflag:s20] =	ssyncadd.s32 $0xFFFFC000  }
0x48: {  	[tilespmem:s15], [sflag:$0x2] =	stream.indirect.gather [hbm4b:s2+s13], $0x80, s21, s13, $0xb8;
	[tilespmem:$0x8C00] =	vst v63  }
0x49: {  	_ =	swait.ge [sflag:s16], $0x4000  }
0x4a: {  	[sflag:s16] =	ssyncset.done $0x0  }
0x4b: {  	[sflag:s16] =	ssyncadd.s32 $0xFFFFC000  }
0x4c: {  	[hbm4b:s8+s3] =	stream.linear.scatter [tilespmem:s14], [sflag:$0x3], $0x4000, $0x38;
	[tilespmem:$0x8C00] =	vst v63  }
0x4d: {  	_ =	swait.ge [sflag:s19], $0x4000  }
0x4e: {  	[sflag:s19] =	ssyncset.done $0x0  }
0x4f: {  	s22 =	sadd.s32 $0x1, s22;
	[sflag:s19] =	ssyncadd.s32 $0xFFFFC000  }
0x50: {  	[hbm4b:s9+s3] =	stream.linear.scatter [tilespmem:s15], [sflag:$0x4], $0x4000, $0x38;
	[tilespmem:$0x8C00] =	vst v63  }
0x51: {  	p0 =	sne.s32 s22, s6;
	_ =	swait.ge [sflag:s17], $0x4000  }
.Ltmp1:
0x52: {  	[sflag:s17] =	ssyncset.done $0x0;
	(pc) =	sbr.rel @p0 .LBB2_1-.Ltmp1, $4  }
0x53: {  	[sflag:s17] =	ssyncadd.s32 $0xFFFFC000  }
0x54: {  	_ =	swait.ge [sflag:s20], $0x4000  }
0x55: {  	[sflag:s20] =	ssyncset.done $0x0  }
0x56: {  	[sflag:s20] =	ssyncadd.s32 $0xFFFFC000  }
0x57: {  	_ =	sfence.sel $0x180000  }
0x58: {  	[bflag:$0x0] =	sbarrier.arrive $0xFFFF  }
0x59: {  	p0 =	sne.s32 s0, $0x0;
	_ =	strace $0x90000047  }
0x5a: {  	s0 =	sadd.s32 @!p0 $0x100000, s1;
	[bflag:$0x2] =	sbarrier.arrive $0xFFFF  }
0x5b: {  	[sflag:s0] =	ssyncadd.tile.s32 @!p0 $0x1;
	_ =	shalt  }
.Lfunc_end2:
_tile_overlayer_lowered:
.L_overlay_start_2:
0x5c: {  	(tag) =	ssettag $0x2  }
0x5d: {  	s0 =	rddreg [dreg:$0x0];
	s2 =	stileid.u32  }
0x5e: {  	s1 =	rddreg [dreg:$0x1];
	p0 =	sne.s32 s2, $0x0  }
0x5f: {  	s3 =	rddreg [dreg:$0x2];
	[bflag:$0x3] =	sbarrier.arrive $0xFFFF;
	s2 =	simm.s32 @!p0 $0x1C05  }
0x60: {  	[timem:s3], [sflag:s2] =	dma.local @!p0 [hbm:s0], s1  }
0x61: {  	s0 =	simm.s32 @!p0 $0x5  }
0x62: {  	_ =	swait.ge @!p0 [sflag:s0], s1  }
0x63: {  	s1 =	ssub.s32 @!p0 $0x0, s1;
	[sflag:s0] =	ssyncset.done @!p0 $0x0  }
0x64: {  	[sflag:s0] =	ssyncadd.s32 @!p0 s1  }
0x65: {  	[bflag:$0x3] =	sbarrier.arrive $0xFFFF  }
0x66: {  	_ =	shalt  }

// kernel: kernel.14.cloned.1.call-start
scs
__scs_entry_jumppad:
0x0: {  	(pc) =	sbr.rel $0x88, $3  }
0x1: {  	(tag) =	ssettag $0x0;
	lr =	simm.s32 $0x1  }
0x2: {  	[smem:$0x3F93] =	sst lr;
	_ =	strace $0xD0000000  }
0x3: {  	_ = 	snop  }
0x4: {  	_ = 	snop  }
0x5: {  	_ = 	snop  }
0x6: {  	_ = 	snop  }
0x7: {  	_ = 	snop  }
__scs_overlays_trampoline_lowered:
0x8: {  	[smem:$0x3FA2] =	sst s0  }
0x9: {  	[smem:$0x3FA3] =	sst s1  }
0xa: {  	[smem:$0x3FA4] =	sst s2  }
0xb: {  	[smem:$0x3FA5] =	sst s3  }
0xc: {  	[smem:$0x3FA6] =	sst s4  }
0xd: {  	[smem:$0x3FA7] =	sst s5  }
0xe: {  	[smem:$0x3FA8] =	sst s6  }
0xf: {  	[smem:$0x3FA9] =	sst s7  }
0x10: {  	[smem:$0x3FAA] =	sst s8  }
0x11: {  	[smem:$0x3FAB] =	sst s9;
	s0 =	simm.s32 @!p0 $0x0  }
0x12: {  	s1 =	sld [smem:$0x3F91];
	s0 =	simm.s32 @p0 $0x1  }
0x13: {  	[smem:$0x3FAC] =	sst s0;
	s0 =	simm.s32 @!p1 $0x0  }
0x14: {  	s2 =	sld [smem:$0x3F90];
	s0 =	simm.s32 @p1 $0x1  }
0x15: {  	[smem:$0x3FAD] =	sst s0;
	s0 =	simm.s32 @!p2 $0x0  }
0x16: {  	s3 =	sld [smem:$0x3FDB];
	s0 =	simm.s32 @p2 $0x1  }
0x17: {  	s4 =	simm.s32 $0x1BF5;
	[smem:$0x3FAF] =	sst s0  }
0x18: {  	s0 =	sld [smem:$0x3F92];
	_ =	swait.ge [sflag:s4], $0x0  }
0x19: {  	s7 =	sld [smem:$0x3F93]  }
0x1a: {  	s8 =	sadd.s32 $0xFFFFE003, lr  }
0x1b: {  	s9 =	sadd.s32 $0xFFFFFEF7, lr;
	s5 =	simm.s32 $0xFFFFFFFF;
	p2 =	slt.u32 s8, $0xFFFFF086  }
0x1c: {  	p1 =	slt.u32 s9, $0xF7A;
	s5 =	simm.s32 @!p2 $0x0  }
0x1d: {  	s5 =	simm.s32 @p1 $0x1;
	p0 =	seq.s32 s7, s2  }
0x1e: {  	s7 =	smul.u32 @!p0 $0xF7A, s2;
	p2 =	seq.s32 @!p0 s5, $0x0  }
0x1f: {  	s9 =	smul.u32 $0xF7A, s1;
	s8 =	simm.s32 @!p0 $0x1BF5;
	p2 =	por !p2, p0  }
0x20: {  	[sflag:s8] =	ssyncset.s32 @!p0 $0xFFFFF086;
	s6 =	sadd.s32 @!p0 s3, s7;
	s7 =	simm.s32 @!p0 $0x108  }
0x21: {  	s3 =	sadd.s32 s3, s9;
	s6 =	sadd.s32 @!p0 $0x88, s6;
	s7 =	simm.s32 @p2 $0x1082  }
0x22: {  	[simem:s7], [sflag:s8] =	dma.local @!p0 [hbm:s6], $0xF7A  }
0x23: {  	s9 =	sor.u32 $0xD0000000, s2;
	s6 =	simm.s32 $0x108;
	_ =	swait.ge @!p0 [sflag:s8], $0x0  }
0x24: {  	s3 =	sadd.s32 $0x88, s3;
	s6 =	simm.s32 @!p1 $0x1082;
	[sflag:s4] =	ssyncset.s32 $0xFFFFF086  }
0x25: {  	[simem:s6], [sflag:s4] =	dma.local [hbm:s3], $0xF7A  }
0x26: {  	[smem:$0x3F93] =	sst s1;
	(tag) =	ssettag s2;
	_ =	strace s9  }
0x27: {  	s1 =	sld [smem:$0x3FA3]  }
0x28: {  	s2 =	sld [smem:$0x3FA4]  }
0x29: {  	s4 =	sld [smem:$0x3FA6]  }
0x2a: {  	p0 =	seq.s32 s5, $0x0;
	s5 =	sld [smem:$0x3FA7]  }
0x2b: {  	s6 =	sld [smem:$0x3FA8]  }
0x2c: {  	s7 =	sld [smem:$0x3FA9]  }
0x2d: {  	s3 =	simm.s32 $0x108;
	s8 =	sld [smem:$0x3FAA]  }
0x2e: {  	s3 =	simm.s32 @!p0 $0x1082;
	s9 =	sld [smem:$0x3FAB]  }
0x2f: {  	lr =	sadd.s32 s0, s3;
	s0 =	sld [smem:$0x3FA2]  }
0x30: {  	s3 =	sld [smem:$0x3FA5]  }
0x31: {  	[smem:$0x3FAE] =	sst s10  }
0x32: {  	s10 =	sld [smem:$0x3FAC];
	_ =	sdelay $0x3  }
0x33: {  	p0 =	seq.s32 s10, $0x1;
	s10 =	sld [smem:$0x3FAE];
	_ =	sdelay $0x3  }
0x34: {  	[smem:$0x3FAE] =	sst s10  }
0x35: {  	s10 =	sld [smem:$0x3FAD];
	_ =	sdelay $0x3  }
0x36: {  	p1 =	seq.s32 s10, $0x1;
	s10 =	sld [smem:$0x3FAE];
	_ =	sdelay $0x3  }
0x37: {  	[smem:$0x3FAE] =	sst s10  }
0x38: {  	s10 =	sld [smem:$0x3FAF]  }
0x39: {  	_ = 	snop;
	(pc) =	sbr.ind lr, $3  }
0x3a: {  	_ = 	snop  }
0x3b: {  	_ = 	snop  }
0x3c: {  	p2 =	seq.s32 s10, $0x1;
	s10 =	sld [smem:$0x3FAE]  }
0x3d: {  	_ =	shalt  }
0x3e: {  	_ =	shalt  }
0x3f: {  	_ =	shalt  }
0x40: {  	_ =	shalt  }
0x41: {  	_ =	shalt  }
0x42: {  	_ =	shalt  }
0x43: {  	_ =	shalt  }
0x44: {  	_ =	shalt  }
0x45: {  	_ =	shalt  }
0x46: {  	_ =	shalt  }
0x47: {  	_ =	shalt  }
0x48: {  	_ =	shalt  }
0x49: {  	_ =	shalt  }
0x4a: {  	_ =	shalt  }
0x4b: {  	_ =	shalt  }
0x4c: {  	_ =	shalt  }
0x4d: {  	_ =	shalt  }
0x4e: {  	_ =	shalt  }
0x4f: {  	_ =	shalt  }
0x50: {  	_ =	shalt  }
0x51: {  	_ =	shalt  }
0x52: {  	_ =	shalt  }
0x53: {  	_ =	shalt  }
0x54: {  	_ =	shalt  }
0x55: {  	_ =	shalt  }
0x56: {  	_ =	shalt  }
0x57: {  	_ =	shalt  }
0x58: {  	_ =	shalt  }
0x59: {  	_ =	shalt  }
0x5a: {  	_ =	shalt  }
0x5b: {  	_ =	shalt  }
0x5c: {  	_ =	shalt  }
0x5d: {  	_ =	shalt  }
0x5e: {  	_ =	shalt  }
0x5f: {  	_ =	shalt  }
0x60: {  	_ =	shalt  }
0x61: {  	_ =	shalt  }
0x62: {  	_ =	shalt  }
0x63: {  	_ =	shalt  }
0x64: {  	_ =	shalt  }
0x65: {  	_ =	shalt  }
0x66: {  	_ =	shalt  }
0x67: {  	_ =	shalt  }
0x68: {  	_ =	shalt  }
0x69: {  	_ =	shalt  }
0x6a: {  	_ =	shalt  }
0x6b: {  	_ =	shalt  }
0x6c: {  	_ =	shalt  }
0x6d: {  	_ =	shalt  }
0x6e: {  	_ =	shalt  }
0x6f: {  	_ =	shalt  }
0x70: {  	_ =	shalt  }
0x71: {  	_ =	shalt  }
0x72: {  	_ =	shalt  }
0x73: {  	_ =	shalt  }
0x74: {  	_ =	shalt  }
0x75: {  	_ =	shalt  }
0x76: {  	_ =	shalt  }
0x77: {  	_ =	shalt  }
0x78: {  	_ =	shalt  }
0x79: {  	_ =	shalt  }
0x7a: {  	_ =	shalt  }
0x7b: {  	_ =	shalt  }
0x7c: {  	_ =	shalt  }
0x7d: {  	_ =	shalt  }
0x7e: {  	_ =	shalt  }
0x7f: {  	_ =	shalt  }
0x80: {  	_ =	shalt  }
0x81: {  	_ =	shalt  }
0x82: {  	_ =	shalt  }
0x83: {  	_ =	shalt  }
0x84: {  	_ =	shalt  }
0x85: {  	_ =	shalt  }
0x86: {  	_ =	shalt  }
0x87: {  	_ =	shalt  }
.Lfunc_end0:
.L_simem_size_0:
called_computation.2_lowered:
.L_overlay_start_0:
0x88: {  	s2 =	sld [smem:$0x3FD9]  }
0x89: {  	s3 =	sld [smem:$0x3FFE];
	_ =	sdelay $0x1  }
0x8a: {  	s1 =	srdreg.scid  }
0x8b: {  	s0 =	sand.u32 $0x1, s1  }
0x8c: {  	s17 =	sshll.u32 s0, $0xA;
	s2 =	sadd.s32 s3, s2  }
0x8d: {  	s2 =	sadd.s32 s2, s17  }
0x8e: {  	[smem:$0x3FBA] =	sst s2  }
0x8f: {  	_ = 	snop  }
0x90: {  	s2 =	sld [smem:$0x3FD0];
	(tm) =	ssettm $0x1  }
0x91: {  	s18 =	sld [smem:$0x3FFB];
	_ =	sdelay $0x3  }
0x92: {  	_ =	strace s18  }
0x93: {  	s3 =	sld [smem:$0x3FFC];
	_ =	sdelay $0x3  }
0x94: {  	_ =	strace s3  }
0x95: {  	s3 =	sld [smem:$0x3FFD];
	_ =	sdelay $0x3  }
0x96: {  	_ =	strace s3  }
0x97: {  	_ =	strace $0x8FFFFFFF  }
0x98: {  	s19 =	sld [smem:$0x3FDB];
	_ =	sdelay $0x1  }
0x99: {  	s4 =	simm.s32 $_scs_section_size  }
0x9a: {  	s5 =	simm.s32 $_size__tile_overlayer_lowered;
	s6 =	simm.s32 $_tile_overlayer_lowered  }
0x9b: {  	s22 =	simm.s32 $0x1BFF;
	s21 =	sshll.u32 s6, $0x1;
	s3 =	sadd.s32 s4, s19  }
0x9c: {  	s7 =	simm.s32 $0x0;
	s20 =	sshll.u32 s5, $0x1;
	s5 =	sadd.s32 s21, s3  }
0x9d: {  	[timem:s7], [sflag:s22] =	dma.local [hbm:s5], s20  }
0x9e: {  	_ =	swait.ge [sflag:s22], s20  }
0x9f: {  	s4 =	ssub.s32 $0x0, s20;
	[sflag:s22] =	ssyncset.done $0x0  }
0xa0: {  	[sflag:s22] =	ssyncadd.s32 s4;
	_ =	sdelay $0x1  }
0xa1: {  	s23 =	simm.s32 $0x1B8B  }
0xa2: {  	_ =	swait.ge [sflag:s23], $0x1  }
0xa3: {  	[sflag:s23] =	ssyncset.done $0x0  }
0xa4: {  	s25 =	simm.s32 $0x1B8E;
	s24 =	sld [smem:$0x3FFE];
	[sflag:s23] =	ssyncadd.s32 $0xFFFFFFFF  }
0xa5: {  	s26 =	simm.s32 $execute0_lowered;
	[smem:$0x3FD2] =	sst s25  }
0xa6: {  	s5 =	sshll.u32 s26, $0x1;
	_ =	strace $0x8000004C;
	[dreg:$0x1] =	wrdreg $0xFFFFFFFF  }
0xa7: {  	s28 =	simm.s32 $_size_execute0_lowered;
	s3 =	sadd.s32 s3, s5;
	[dreg:$0x0] =	wrdreg $0x0  }
0xa8: {  	s5 =	sshll.u32 s28, $0x1;
	[dreg:$0x2] =	wrdreg s3  }
0xa9: {  	[dreg:$0x3] =	wrdreg s5  }
0xaa: {  	[dreg:$0x4] =	wrdreg $0xC0  }
0xab: {  	_ =	task [dreg:s7], $0x5FFFF  }
0xac: {  	[dreg:$0x1] =	wrdreg $0xFFFFFFFF  }
0xad: {  	[dreg:$0x0] =	wrdreg $0x60  }
0xae: {  	[dreg:$0x2] =	wrdreg s24  }
0xaf: {  	[dreg:$0x3] =	wrdreg s2  }
0xb0: {  	[dreg:$0x4] =	wrdreg $0x0  }
0xb1: {  	[dreg:$0x5] =	wrdreg $0x9  }
0xb2: {  	_ =	task.clear_ibuf [dreg:s7], $0x6FFFF;
	_ =	strace $0x9000004C  }
0xb3: {  	s29 =	simm.s32 $0x9;
	_ =	strace $0x8000004E  }
0xb4: {  	_ =	swait.ge [sflag:s29], $0x1  }
0xb5: {  	[sflag:s29] =	ssyncadd.s32 $0xFFFFFFFF  }
0xb6: {  	_ =	strace $0x9000004E  }
0xb7: {  	_ =	sfence  }
0xb8: {  	s30 =	sld [smem:$0x0];
	_ =	sdelay $0x2  }
0xb9: {  	s31 =	sshll.u32 s1, $0xD;
	s1 =	sshrl.u32 s1, $0x2  }
0xba: {  	s3 =	sand.u32 $0x4000, s31;
	s1 =	sadd.s32 s1, s30  }
0xbb: {  	s0 =	sor.u32 s3, s0;
	s1 =	sshll.u32 s1, $0x11  }
0xbc: {  	s0 =	sor.u32 s1, s0  }
0xbd: {  	s0 =	sadd.s32 $0x8F2B, s0  }
0xbe: {  	[sflag:s0] =	ssyncadd.remote.s32 $0x1  }
0xbf: {  	_ =	sfence.sel $0xFFFF  }
0xc0: {  	[dreg:$0x0] =	wrdreg $0xFFFFFFFF;
	(pc) =	sbr.abs _section_cstart, $3  }
0xc1: {  	[dreg:$0x1] =	wrdreg $0xFFFFFFFF  }
0xc2: {  	_ =	task.clear_ibuf [dreg:s7], $0x2FFFF;
	_ =	strace $0x9FFFFFFF  }
0xc3: {  	(tm) =	ssettm $0x7FFFFFFF  }
tec
execute0_lowered:
.L_overlay_start_1:
0x0: {  	(tag) =	ssettag $0x1  }
0x1: {  	s0 =	rddreg [dreg:$0x0]  }
0x2: {  	s2 =	rddreg [dreg:$0x1]  }
0x3: {  	s1 =	rddreg [dreg:$0x2];
	s3 =	simm.s32 $0x0  }
0x4: {  	s4 =	srdreg.scid;
	s26 =	stileid.u32;
	s28 =	simm.s32 $0xB400  }
0x5: {  	s29 =	simm.s32 $0x3;
	s31 =	simm.s32 $0xF400;
	s30 =	simm.s32 $0x0  }
0x6: {  	[smem:$0x7FF] =	sst s3;
	s15 =	sadd.s32 $0x2600, s0;
	s8 =	smul.u32 $0x140, s26  }
0x7: {  	s14 =	sand.u32 $0x1, s4;
	s16 =	sadd.s32 $0x288600, s0;
	s22 =	smul.u32 $0x1400, s26  }
0x8: {  	s20 =	sshll.u32 s26, $0x1;
	s9 =	sadd.s32 $0x142600, s0;
	s19 =	smul.u32 $0x28000, s26  }
0x9: {  	s0 =	sadd.s32 $0x156600, s0;
	s4 =	sor.u32 s14, s20;
	s13 =	smul.u32 $0xA0000, s14  }
0xa: {  	p0 =	sgt.u32 s26, $0x7;
	s5 =	ssub.s32 $0x2, s14;
	s6 =	smul.u32 $0x1400, s4  }
0xb: {  	_ =	strace $0x8000004D;
	s7 =	sshrl.u32 s5, $0x1;
	s17 =	smul.u32 $0x14000, s4  }
0xc: {  	s23 =	sadd.s32 $0x40, s8;
	s10 =	sadd.s32 $0x80, s8;
	s4 =	sadd.s32 $0xC0, s8  }
0xd: {  	s12 =	sadd.s32 $0x100, s8;
	s18 =	ssub.s32 s5, s7;
	s24 =	sshll.u32 s23, $0x4  }
0xe: {  	s25 =	sshll.u32 s10, $0x4;
	s20 =	sshll.u32 s23, $0x7;
	s11 =	sshll.u32 s4, $0x4  }
0xf: {  	s5 =	sshll.u32 s12, $0x4;
	s23 =	sshll.u32 s12, $0x7;
	s21 =	sshrl.u32 s6, $0x3  }
0x10: {  	s6 =	sadd.s32 s9, s24;
	s7 =	sadd.s32 s9, s25;
	s8 =	sadd.s32 s9, s11  }
0x11: {  	s18 =	smax.u32 s18, $0x1;
	s2 =	sadd.s32 s2, s21;
	s21 =	smul.u32 $0xA000, s26  }
0x12: {  	[dreg:$0x4] =	wrdreg s2;
	s2 =	sadd.s32 s9, s22;
	s22 =	sshll.u32 s10, $0x7  }
0x13: {  	s9 =	sadd.s32 s9, s5;
	s5 =	smul.u32 $0x14000, s14;
	[dreg:$0x5] =	wrdreg s2  }
0x14: {  	s2 =	sshll.u32 s4, $0x7;
	s11 =	sadd.s32 s13, s21;
	s21 =	sadd.s32 s13, s20  }
0x15: {  	s24 =	sadd.s32 s13, s22;
	s10 =	sshrl.u32 s11, $0x3;
	s11 =	sshrl.u32 s21, $0x3  }
0x16: {  	s12 =	sshrl.u32 s24, $0x3;
	s25 =	sadd.s32 s13, s2;
	s24 =	sadd.s32 s13, s23  }
0x17: {  	s23 =	sadd.s32 s23, s1;
	s10 =	sadd.s32 s0, s10;
	s11 =	sadd.s32 s0, s11  }
0x18: {  	s12 =	sadd.s32 s0, s12;
	s21 =	sshrl.u32 s25, $0x3;
	s4 =	sshrl.u32 s24, $0x3  }
0x19: {  	s25 =	sshrl.u32 s19, $0x2;
	s13 =	sadd.s32 s0, s21;
	s14 =	sadd.s32 s0, s4  }
0x1a: {  	s0 =	sadd.s32 s16, s17;
	s16 =	sadd.s32 s19, s16;
	s4 =	sadd.s32 s15, s17  }
0x1b: {  	s15 =	sadd.s32 s19, s15;
	s17 =	sadd.s32 s25, s1;
	s19 =	sadd.s32 s20, s1  }
0x1c: {  	s20 =	sadd.s32 s22, s1;
	s21 =	sadd.s32 s2, s1;
	s2 =	simm.s32 $0x80  }
.Ltmp0:
0x1d: {  	s24 =	sadd.s32 $0xFFEC0000, s0;
	[dreg:$0x6] =	wrdreg s4;
	(pc) =	sbr.rel .LBB2_1-.Ltmp0, $4  }
0x1e: {  	s16 =	sadd.s32 s5, s16;
	s0 =	sadd.s32 $0xFFED3800, s0;
	[dreg:$0x7] =	wrdreg s24  }
0x1f: {  	s15 =	sadd.s32 s5, s15;
	s26 =	sadd.s32 $0x13800, s4;
	[dreg:$0x8] =	wrdreg s0  }
0x20: {  	s24 =	sadd.s32 $0xFFEC0800, s16;
	s25 =	sadd.s32 $0x1000, s15;
	[dreg:$0x9] =	wrdreg s26  }
0x21: {  	s26 =	simm.s32 $0xA000;
	s0 =	simm.s32 $0x1;
	s16 =	simm.s32 $0x2  }
.LBB2_7:
0x22: {  	[sflag:s29] =	ssyncadd.s32 $0xFFFFC000;
	s15 =	rddreg [dreg:$0x8]  }
.LBB2_8:
0x23: {  	[tilespmem:s31], [sflag:$0x2] =	stream.linear.gather [hbm4b:s15+s3], $0x4000, $0x38;
	[tilespmem:$0x13400] =	vst v63  }
0x24: {  	_ =	swait.ge [sflag:s0], $0x4000  }
0x25: {  	[sflag:s0] =	ssyncset.done $0x0  }
0x26: {  	s4 =	simm.s32 $0xB300;
	[sflag:s0] =	ssyncadd.s32 $0xFFFFC000  }
0x27: {  	[spmem:s1] =	stream.indirect.scatter.add.f32 [tilespmem:s28], [sflag:$0x3], $0x80, s4, s2, $0xb8;
	[tilespmem:$0x13400] =	vst v63  }
0x28: {  	_ =	swait.ge [sflag:s29], $0x4000  }
0x29: {  	[sflag:s29] =	ssyncset.done $0x0  }
0x2a: {  	[sflag:s29] =	ssyncadd.s32 $0xFFFFC000  }
0x2b: {  	_ =	swait.ge [sflag:s16], $0x4000  }
0x2c: {  	[sflag:s16] =	ssyncset.done $0x0  }
0x2d: {  	s22 =	simm.s32 $0xB380;
	[sflag:s16] =	ssyncadd.s32 $0xFFFFC000  }
0x2e: {  	[spmem:s1] =	stream.indirect.scatter.add.f32 [tilespmem:s31], [sflag:$0x3], $0x80, s22, s2, $0xb8;
	[tilespmem:$0x13400] =	vst v63  }
0x2f: {  	_ =	swait.ge [sflag:s29], $0x4000  }
0x30: {  	[sflag:s29] =	ssyncset.done $0x0  }
0x31: {  	[sflag:s29] =	ssyncadd.s32 $0xFFFFC000  }
0x32: {  	[bflag:$0x0] =	sbarrier.arrive $0xFFFF  }
0x33: {  	[tilespmem:s28], [sflag:$0x3] =	stream.linear.gather [spmem:s17], $0x2000, $0x38;
	[tilespmem:$0x13400] =	vst v63  }
0x34: {  	_ =	swait.ge [sflag:s29], $0x2000  }
0x35: {  	[sflag:s29] =	ssyncset.done $0x0  }
0x36: {  	[sflag:s29] =	ssyncadd.s32 $0xFFFFE000  }
0x37: {  	[hbm4b:s10+s3] =	stream.linear.scatter [tilespmem:s28], [sflag:$0x3], $0x2000, $0x38;
	[tilespmem:$0x13400] =	vst v63  }
0x38: {  	_ =	swait.ge [sflag:s29], $0x2000  }
0x39: {  	[sflag:s29] =	ssyncset.done $0x0  }
0x3a: {  	[sflag:s29] =	ssyncadd.s32 $0xFFFFE000  }
0x3b: {  	[tilespmem:s28], [sflag:$0x3] =	stream.linear.gather [spmem:s19], $0x2000, $0x38;
	[tilespmem:$0x13400] =	vst v63  }
0x3c: {  	_ =	swait.ge [sflag:s29], $0x2000  }
0x3d: {  	[sflag:s29] =	ssyncset.done $0x0  }
0x3e: {  	[sflag:s29] =	ssyncadd.s32 $0xFFFFE000  }
0x3f: {  	[hbm4b:s11+s3] =	stream.linear.scatter [tilespmem:s28], [sflag:$0x3], $0x2000, $0x38;
	[tilespmem:$0x13400] =	vst v63  }
0x40: {  	_ =	swait.ge [sflag:s29], $0x2000  }
0x41: {  	[sflag:s29] =	ssyncset.done $0x0  }
0x42: {  	[sflag:s29] =	ssyncadd.s32 $0xFFFFE000  }
0x43: {  	[tilespmem:s28], [sflag:$0x3] =	stream.linear.gather [spmem:s20], $0x2000, $0x38;
	[tilespmem:$0x13400] =	vst v63  }
0x44: {  	_ =	swait.ge [sflag:s29], $0x2000  }
0x45: {  	[sflag:s29] =	ssyncset.done $0x0  }
0x46: {  	[sflag:s29] =	ssyncadd.s32 $0xFFFFE000  }
0x47: {  	[hbm4b:s12+s3] =	stream.linear.scatter [tilespmem:s28], [sflag:$0x3], $0x2000, $0x38;
	[tilespmem:$0x13400] =	vst v63  }
0x48: {  	_ =	swait.ge [sflag:s29], $0x2000  }
0x49: {  	[sflag:s29] =	ssyncset.done $0x0  }
0x4a: {  	[sflag:s29] =	ssyncadd.s32 $0xFFFFE000  }
0x4b: {  	[tilespmem:s28], [sflag:$0x3] =	stream.linear.gather [spmem:s21], $0x2000, $0x38;
	[tilespmem:$0x13400] =	vst v63  }
0x4c: {  	_ =	swait.ge [sflag:s29], $0x2000  }
0x4d: {  	[sflag:s29] =	ssyncset.done $0x0  }
0x4e: {  	[sflag:s29] =	ssyncadd.s32 $0xFFFFE000  }
0x4f: {  	[hbm4b:s13+s3] =	stream.linear.scatter [tilespmem:s28], [sflag:$0x3], $0x2000, $0x38;
	[tilespmem:$0x13400] =	vst v63  }
0x50: {  	_ =	swait.ge [sflag:s29], $0x2000  }
0x51: {  	[sflag:s29] =	ssyncset.done $0x0  }
0x52: {  	[sflag:s29] =	ssyncadd.s32 $0xFFFFE000  }
0x53: {  	[tilespmem:s28], [sflag:$0x3] =	stream.linear.gather [spmem:s23], $0x2000, $0x38;
	[tilespmem:$0x13400] =	vst v63  }
0x54: {  	s30 =	sadd.s32 $0x1, s30;
	_ =	swait.ge [sflag:s29], $0x2000  }
0x55: {  	p1 =	sne.s32 s30, s18;
	[sflag:s29] =	ssyncset.done $0x0  }
.Ltmp1:
0x56: {  	[sflag:s29] =	ssyncadd.s32 $0xFFFFE000;
	(pc) =	sbr.rel @!p1 .LBB2_9-.Ltmp1, $4  }
0x57: {  	[hbm4b:s14+s3] =	stream.linear.scatter [tilespmem:s28], [sflag:$0x3], $0x2000, $0x38;
	[tilespmem:$0x13400] =	vst v63  }
0x58: {  	_ =	swait.ge [sflag:s29], $0x2000  }
0x59: {  	[sflag:s29] =	ssyncset.done $0x0  }
0x5a: {  	[sflag:s29] =	ssyncadd.s32 $0xFFFFE000  }
.LBB2_1:
0x5b: {  	s4 =	rddreg [dreg:$0x5]  }
0x5c: {  	[tilespmem:s28], [sflag:$0x3] =	stream.linear.gather [hbm4b:s4+s3], $0x2000, $0x38;
	[tilespmem:$0x13400] =	vst v63  }
0x5d: {  	_ =	swait.ge [sflag:s29], $0x2000  }
0x5e: {  	[sflag:s29] =	ssyncset.done $0x0  }
0x5f: {  	[sflag:s29] =	ssyncadd.s32 $0xFFFFE000  }
0x60: {  	[spmem:s17] =	stream.linear.scatter [tilespmem:s28], [sflag:$0x3], $0x2000, $0x38;
	[tilespmem:$0x13400] =	vst v63  }
0x61: {  	_ =	swait.ge [sflag:s29], $0x2000  }
0x62: {  	[sflag:s29] =	ssyncset.done $0x0  }
0x63: {  	[sflag:s29] =	ssyncadd.s32 $0xFFFFE000  }
0x64: {  	[tilespmem:s28], [sflag:$0x3] =	stream.linear.gather [hbm4b:s6+s3], $0x2000, $0x38;
	[tilespmem:$0x13400] =	vst v63  }
0x65: {  	_ =	swait.ge [sflag:s29], $0x2000  }
0x66: {  	[sflag:s29] =	ssyncset.done $0x0  }
0x67: {  	[sflag:s29] =	ssyncadd.s32 $0xFFFFE000  }
0x68: {  	[spmem:s19] =	stream.linear.scatter [tilespmem:s28], [sflag:$0x3], $0x2000, $0x38;
	[tilespmem:$0x13400] =	vst v63  }
0x69: {  	_ =	swait.ge [sflag:s29], $0x2000  }
0x6a: {  	[sflag:s29] =	ssyncset.done $0x0  }
0x6b: {  	[sflag:s29] =	ssyncadd.s32 $0xFFFFE000  }
0x6c: {  	[tilespmem:s28], [sflag:$0x3] =	stream.linear.gather [hbm4b:s7+s3], $0x2000, $0x38;
	[tilespmem:$0x13400] =	vst v63  }
0x6d: {  	_ =	swait.ge [sflag:s29], $0x2000  }
0x6e: {  	[sflag:s29] =	ssyncset.done $0x0  }
0x6f: {  	[sflag:s29] =	ssyncadd.s32 $0xFFFFE000  }
0x70: {  	[spmem:s20] =	stream.linear.scatter [tilespmem:s28], [sflag:$0x3], $0x2000, $0x38;
	[tilespmem:$0x13400] =	vst v63  }
0x71: {  	_ =	swait.ge [sflag:s29], $0x2000  }
0x72: {  	[sflag:s29] =	ssyncset.done $0x0  }
0x73: {  	[sflag:s29] =	ssyncadd.s32 $0xFFFFE000  }
0x74: {  	[tilespmem:s28], [sflag:$0x3] =	stream.linear.gather [hbm4b:s8+s3], $0x2000, $0x38;
	[tilespmem:$0x13400] =	vst v63  }
0x75: {  	_ =	swait.ge [sflag:s29], $0x2000  }
0x76: {  	[sflag:s29] =	ssyncset.done $0x0  }
0x77: {  	[sflag:s29] =	ssyncadd.s32 $0xFFFFE000  }
0x78: {  	[spmem:s21] =	stream.linear.scatter [tilespmem:s28], [sflag:$0x3], $0x2000, $0x38;
	[tilespmem:$0x13400] =	vst v63  }
0x79: {  	_ =	swait.ge [sflag:s29], $0x2000  }
0x7a: {  	[sflag:s29] =	ssyncset.done $0x0  }
0x7b: {  	[sflag:s29] =	ssyncadd.s32 $0xFFFFE000  }
0x7c: {  	[tilespmem:s28], [sflag:$0x3] =	stream.linear.gather [hbm4b:s9+s3], $0x2000, $0x38;
	[tilespmem:$0x13400] =	vst v63  }
0x7d: {  	_ =	swait.ge [sflag:s29], $0x2000  }
0x7e: {  	[sflag:s29] =	ssyncset.done $0x0  }
0x7f: {  	[sflag:s29] =	ssyncadd.s32 $0xFFFFE000  }
0x80: {  	[spmem:s23] =	stream.linear.scatter [tilespmem:s28], [sflag:$0x3], $0x2000, $0x38;
	[tilespmem:$0x13400] =	vst v63  }
0x81: {  	_ =	swait.ge [sflag:s29], $0x2000  }
0x82: {  	[sflag:s29] =	ssyncset.done $0x0  }
0x83: {  	s22 =	rddreg [dreg:$0x4];
	[sflag:s29] =	ssyncadd.s32 $0xFFFFE000  }
0x84: {  	[tilespmem:s26], [sflag:$0x3] =	stream.linear.gather [hbm4b:s22+s3], $0x1400, $0x38;
	[tilespmem:$0x13400] =	vst v63  }
.Ltmp2:
0x85: {  	_ =	swait.ge [sflag:s29], $0x1400;
	(pc) =	sbr.rel @p0 .LBB2_5-.Ltmp2, $3  }
0x86: {  	[sflag:s29] =	ssyncset.done $0x0  }
0x87: {  	[sflag:s29] =	ssyncadd.s32 $0xFFFFEC00  }
0x88: {  	[bflag:$0x0] =	sbarrier.arrive $0xFFFF;
	_ =	sdelay $0x1  }
0x89: {  	s15 =	simm.s32 $0x0;
	s4 =	rddreg [dreg:$0x6]  }
0x8a: {  	[tilespmem:s28], [sflag:$0x1] =	stream.linear.gather [hbm4b:s4+s15], $0x4000, $0x38;
	[tilespmem:$0x13400] =	vst v63  }
0x8b: {  	s5 =	sadd.s32 $0xFFFFF800, s25  }
0x8c: {  	[tilespmem:s31], [sflag:$0x2] =	stream.linear.gather [hbm4b:s5+s3], $0x4000, $0x38;
	[tilespmem:$0x13400] =	vst v63  }
0x8d: {  	_ =	swait.ge [sflag:s0], $0x4000  }
0x8e: {  	[sflag:s0] =	ssyncset.done $0x0  }
0x8f: {  	s22 =	simm.s32 $0xA000;
	[sflag:s0] =	ssyncadd.s32 $0xFFFFC000  }
0x90: {  	[spmem:s1] =	stream.indirect.scatter.add.f32 [tilespmem:s28], [sflag:$0x3], $0x80, s22, s2, $0xb8;
	[tilespmem:$0x13400] =	vst v63  }
0x91: {  	_ =	swait.ge [sflag:s29], $0x4000  }
0x92: {  	[sflag:s29] =	ssyncset.done $0x0  }
0x93: {  	[sflag:s29] =	ssyncadd.s32 $0xFFFFC000  }
0x94: {  	[tilespmem:s28], [sflag:$0x1] =	stream.linear.gather [hbm4b:s25+s3], $0x4000, $0x38;
	[tilespmem:$0x13400] =	vst v63  }
0x95: {  	_ =	swait.ge [sflag:s16], $0x4000  }
0x96: {  	[sflag:s16] =	ssyncset.done $0x0  }
0x97: {  	s26 =	simm.s32 $0xA080;
	[sflag:s16] =	ssyncadd.s32 $0xFFFFC000  }
0x98: {  	[spmem:s1] =	stream.indirect.scatter.add.f32 [tilespmem:s31], [sflag:$0x3], $0x80, s26, s2, $0xb8;
	[tilespmem:$0x13400] =	vst v63  }
0x99: {  	s15 =	simm.s32 $0x400;
	_ =	swait.ge [sflag:s29], $0x4000  }
0x9a: {  	s22 =	sadd.s32 $0x1000, s25;
	s26 =	simm.s32 $0x800;
	[sflag:s29] =	ssyncset.done $0x0  }
.LBB2_3:
0x9b: {  	p1 =	seq.s32 s26, $0x4800;
	s4 =	sadd.s32 $0xFFFFF800, s22;
	[sflag:s29] =	ssyncadd.s32 $0xFFFFC000  }
0x9c: {  	[tilespmem:s31], [sflag:$0x2] =	stream.linear.gather [hbm4b:s4+s3], $0x4000, $0x38;
	[tilespmem:$0x13400] =	vst v63  }
0x9d: {  	s4 =	smov.u32 s26;
	s26 =	sadd.s32 $0x400, s26;
	_ =	swait.ge [sflag:s0], $0x4000  }
0x9e: {  	s5 =	sshra.s32 s15, $0x2;
	s15 =	smov.u32 s4;
	[sflag:s0] =	ssyncset.done $0x0  }
0x9f: {  	s4 =	sadd.s32 $0xA000, s5;
	[sflag:s0] =	ssyncadd.s32 $0xFFFFC000  }
0xa0: {  	[spmem:s1] =	stream.indirect.scatter.add.f32 [tilespmem:s28], [sflag:$0x3], $0x80, s4, s2, $0xb8;
	[tilespmem:$0x13400] =	vst v63  }
0xa1: {  	_ =	swait.ge [sflag:s29], $0x4000  }
0xa2: {  	[sflag:s29] =	ssyncset.done $0x0  }
0xa3: {  	[sflag:s29] =	ssyncadd.s32 $0xFFFFC000  }
0xa4: {  	[tilespmem:s28], [sflag:$0x1] =	stream.linear.gather [hbm4b:s22+s3], $0x4000, $0x38;
	[tilespmem:$0x13400] =	vst v63  }
0xa5: {  	_ =	swait.ge [sflag:s16], $0x4000  }
.Ltmp3:
0xa6: {  	[sflag:s16] =	ssyncset.done $0x0;
	(pc) =	sbr.rel @!p1 .LBB2_3-.Ltmp3, $4  }
0xa7: {  	s4 =	sadd.s32 $0xA080, s5;
	[sflag:s16] =	ssyncadd.s32 $0xFFFFC000  }
0xa8: {  	[spmem:s1] =	stream.indirect.scatter.add.f32 [tilespmem:s31], [sflag:$0x3], $0x80, s4, s2, $0xb8;
	[tilespmem:$0x13400] =	vst v63  }
0xa9: {  	_ =	swait.ge [sflag:s29], $0x4000  }
0xaa: {  	s22 =	sadd.s32 $0x1000, s22;
	[sflag:s29] =	ssyncset.done $0x0  }
0xab: {  	s4 =	sadd.s32 $0xFFFFF800, s22;
	[sflag:s29] =	ssyncadd.s32 $0xFFFFC000  }
0xac: {  	[tilespmem:s31], [sflag:$0x2] =	stream.linear.gather [hbm4b:s4+s3], $0x4000, $0x38;
	[tilespmem:$0x13400] =	vst v63  }
0xad: {  	_ =	swait.ge [sflag:s0], $0x4000  }
0xae: {  	s26 =	sshra.s32 s15, $0x2;
	[sflag:s0] =	ssyncset.done $0x0  }
0xaf: {  	s5 =	sadd.s32 $0xA000, s26;
	[sflag:s0] =	ssyncadd.s32 $0xFFFFC000  }
0xb0: {  	[spmem:s1] =	stream.indirect.scatter.add.f32 [tilespmem:s28], [sflag:$0x3], $0x80, s5, s2, $0xb8;
	[tilespmem:$0x13400] =	vst v63  }
0xb1: {  	_ =	swait.ge [sflag:s29], $0x4000  }
0xb2: {  	[sflag:s29] =	ssyncset.done $0x0  }
0xb3: {  	[sflag:s29] =	ssyncadd.s32 $0xFFFFC000  }
0xb4: {  	[tilespmem:s28], [sflag:$0x1] =	stream.linear.gather [hbm4b:s22+s3], $0x4000, $0x38;
	[tilespmem:$0x13400] =	vst v63  }
0xb5: {  	_ =	swait.ge [sflag:s16], $0x4000  }
0xb6: {  	[sflag:s16] =	ssyncset.done $0x0  }
.Ltmp4:
0xb7: {  	s4 =	sadd.s32 $0xA080, s26;
	[sflag:s16] =	ssyncadd.s32 $0xFFFFC000;
	(pc) =	sbr.rel .LBB2_8-.Ltmp4, $4  }
0xb8: {  	[spmem:s1] =	stream.indirect.scatter.add.f32 [tilespmem:s31], [sflag:$0x3], $0x80, s4, s2, $0xb8;
	[tilespmem:$0x13400] =	vst v63  }
0xb9: {  	_ =	swait.ge [sflag:s29], $0x4000  }
0xba: {  	[sflag:s29] =	ssyncset.done $0x0  }
0xbb: {  	s26 =	simm.s32 $0xA000;
	s15 =	rddreg [dreg:$0x9];
	[sflag:s29] =	ssyncadd.s32 $0xFFFFC000  }
.LBB2_5:
0xbc: {  	s4 =	simm.s32 $0x0;
	s5 =	rddreg [dreg:$0x7]  }
0xbd: {  	[tilespmem:s28], [sflag:$0x1] =	stream.linear.gather [hbm4b:s5+s4], $0x4000, $0x38;
	[tilespmem:$0x13400] =	vst v63  }
0xbe: {  	_ = 	snop  }
0xbf: {  	[tilespmem:s31], [sflag:$0x2] =	stream.linear.gather [hbm4b:s24+s3], $0x4000, $0x38;
	[tilespmem:$0x13400] =	vst v63  }
0xc0: {  	_ =	swait.ge [sflag:s0], $0x4000  }
0xc1: {  	[sflag:s0] =	ssyncset.done $0x0  }
0xc2: {  	s5 =	simm.s32 $0xA000;
	[sflag:s0] =	ssyncadd.s32 $0xFFFFC000  }
0xc3: {  	[spmem:s1] =	stream.indirect.scatter.add.f32 [tilespmem:s28], [sflag:$0x3], $0x80, s5, s2, $0xb8;
	[tilespmem:$0x13400] =	vst v63  }
0xc4: {  	_ =	swait.ge [sflag:s29], $0x4000  }
0xc5: {  	[sflag:s29] =	ssyncset.done $0x0  }
0xc6: {  	s15 =	sadd.s32 $0x800, s24;
	[sflag:s29] =	ssyncadd.s32 $0xFFFFC000  }
0xc7: {  	[tilespmem:s28], [sflag:$0x1] =	stream.linear.gather [hbm4b:s15+s3], $0x4000, $0x38;
	[tilespmem:$0x13400] =	vst v63  }
0xc8: {  	_ =	swait.ge [sflag:s16], $0x4000  }
0xc9: {  	[sflag:s16] =	ssyncset.done $0x0  }
0xca: {  	s22 =	simm.s32 $0xA080;
	[sflag:s16] =	ssyncadd.s32 $0xFFFFC000  }
0xcb: {  	[spmem:s1] =	stream.indirect.scatter.add.f32 [tilespmem:s31], [sflag:$0x3], $0x80, s22, s2, $0xb8;
	[tilespmem:$0x13400] =	vst v63  }
0xcc: {  	_ =	swait.ge [sflag:s29], $0x4000  }
0xcd: {  	s15 =	simm.s32 $0x400;
	s22 =	smov.u32 s24;
	[sflag:s29] =	ssyncset.done $0x0  }
.LBB2_6:
0xce: {  	p1 =	sne.s32 s15, $0x4800;
	[sflag:s29] =	ssyncadd.s32 $0xFFFFC000;
	s22 =	sadd.s32 $0x1000, s22  }
0xcf: {  	[tilespmem:s31], [sflag:$0x2] =	stream.linear.gather [hbm4b:s22+s3], $0x4000, $0x38;
	[tilespmem:$0x13400] =	vst v63  }
0xd0: {  	s4 =	smov.u32 s15;
	s15 =	sadd.s32 $0x400, s15;
	_ =	swait.ge [sflag:s0], $0x4000  }
0xd1: {  	s4 =	sshra.s32 s4, $0x2;
	[sflag:s0] =	ssyncset.done $0x0  }
0xd2: {  	s5 =	sadd.s32 $0xA000, s4;
	[sflag:s0] =	ssyncadd.s32 $0xFFFFC000  }
0xd3: {  	[spmem:s1] =	stream.indirect.scatter.add.f32 [tilespmem:s28], [sflag:$0x3], $0x80, s5, s2, $0xb8;
	[tilespmem:$0x13400] =	vst v63  }
0xd4: {  	_ =	swait.ge [sflag:s29], $0x4000  }
0xd5: {  	[sflag:s29] =	ssyncset.done $0x0  }
0xd6: {  	s5 =	sadd.s32 $0x800, s22;
	[sflag:s29] =	ssyncadd.s32 $0xFFFFC000  }
0xd7: {  	[tilespmem:s28], [sflag:$0x1] =	stream.linear.gather [hbm4b:s5+s3], $0x4000, $0x38;
	[tilespmem:$0x13400] =	vst v63  }
0xd8: {  	_ =	swait.ge [sflag:s16], $0x4000  }
.Ltmp5:
0xd9: {  	[sflag:s16] =	ssyncset.done $0x0;
	(pc) =	sbr.rel @p1 .LBB2_6-.Ltmp5, $4  }
0xda: {  	s4 =	sadd.s32 $0xA080, s4;
	[sflag:s16] =	ssyncadd.s32 $0xFFFFC000  }
0xdb: {  	[spmem:s1] =	stream.indirect.scatter.add.f32 [tilespmem:s31], [sflag:$0x3], $0x80, s4, s2, $0xb8;
	[tilespmem:$0x13400] =	vst v63  }
0xdc: {  	_ =	swait.ge [sflag:s29], $0x4000  }
0xdd: {  	[sflag:s29] =	ssyncset.done $0x0  }
.Ltmp6:
0xde: {  	_ = 	snop;
	(pc) =	sbr.rel .LBB2_7-.Ltmp6, $1  }
0xdf: {  	_ =	sdelay $0x3  }
.LBB2_9:
0xe0: {  	_ =	sfence.sel $0x180000  }
0xe1: {  	[bflag:$0x0] =	sbarrier.arrive $0xFFFF  }
0xe2: {  	_ =	strace $0x9000004D  }
0xe3: {  	s0 =	stileid.u32;
	[bflag:$0x2] =	sbarrier.arrive $0xFFFF  }
0xe4: {  	p0 =	sne.s32 s0, $0x0;
	s0 =	rddreg [dreg:$0x3]  }
0xe5: {  	s0 =	sadd.s32 @!p0 $0x100000, s0  }
0xe6: {  	[sflag:s0] =	ssyncadd.tile.s32 @!p0 $0x1;
	_ =	shalt  }
.Lfunc_end2:
_tile_overlayer_lowered:
.L_overlay_start_2:
0xe7: {  	(tag) =	ssettag $0x2  }
0xe8: {  	s0 =	rddreg [dreg:$0x0];
	s2 =	stileid.u32  }
0xe9: {  	s1 =	rddreg [dreg:$0x1];
	p0 =	sne.s32 s2, $0x0  }
0xea: {  	s3 =	rddreg [dreg:$0x2];
	[bflag:$0x3] =	sbarrier.arrive $0xFFFF;
	s2 =	simm.s32 @!p0 $0x1C03  }
0xeb: {  	[timem:s3], [sflag:s2] =	dma.local @!p0 [hbm:s0], s1  }
0xec: {  	s0 =	simm.s32 @!p0 $0x3  }
0xed: {  	_ =	swait.ge @!p0 [sflag:s0], s1  }
0xee: {  	s1 =	ssub.s32 @!p0 $0x0, s1;
	[sflag:s0] =	ssyncset.done @!p0 $0x0  }
0xef: {  	[sflag:s0] =	ssyncadd.s32 @!p0 s1  }
0xf0: {  	[bflag:$0x3] =	sbarrier.arrive $0xFFFF  }
0xf1: {  	_ =	shalt  }

// kernel: kernel.8.cloned.1.call-start
scs
__scs_entry_jumppad:
0x0: {  	(pc) =	sbr.rel $0x88, $3  }
0x1: {  	(tag) =	ssettag $0x0;
	lr =	simm.s32 $0x1  }
0x2: {  	[smem:$0x3F93] =	sst lr;
	_ =	strace $0xD0000000  }
0x3: {  	_ = 	snop  }
0x4: {  	_ = 	snop  }
0x5: {  	_ = 	snop  }
0x6: {  	_ = 	snop  }
0x7: {  	_ = 	snop  }
__scs_overlays_trampoline_lowered:
0x8: {  	[smem:$0x3FA2] =	sst s0  }
0x9: {  	[smem:$0x3FA3] =	sst s1  }
0xa: {  	[smem:$0x3FA4] =	sst s2  }
0xb: {  	[smem:$0x3FA5] =	sst s3  }
0xc: {  	[smem:$0x3FA6] =	sst s4  }
0xd: {  	[smem:$0x3FA7] =	sst s5  }
0xe: {  	[smem:$0x3FA8] =	sst s6  }
0xf: {  	[smem:$0x3FA9] =	sst s7  }
0x10: {  	[smem:$0x3FAA] =	sst s8  }
0x11: {  	[smem:$0x3FAB] =	sst s9;
	s0 =	simm.s32 @!p0 $0x0  }
0x12: {  	s1 =	sld [smem:$0x3F91];
	s0 =	simm.s32 @p0 $0x1  }
0x13: {  	[smem:$0x3FAC] =	sst s0;
	s0 =	simm.s32 @!p1 $0x0  }
0x14: {  	s2 =	sld [smem:$0x3F90];
	s0 =	simm.s32 @p1 $0x1  }
0x15: {  	[smem:$0x3FAD] =	sst s0;
	s0 =	simm.s32 @!p2 $0x0  }
0x16: {  	s3 =	sld [smem:$0x3FDB];
	s0 =	simm.s32 @p2 $0x1  }
0x17: {  	s4 =	simm.s32 $0x1BF5;
	[smem:$0x3FAF] =	sst s0  }
0x18: {  	s0 =	sld [smem:$0x3F92];
	_ =	swait.ge [sflag:s4], $0x0  }
0x19: {  	s7 =	sld [smem:$0x3F93]  }
0x1a: {  	s8 =	sadd.s32 $0xFFFFE003, lr  }
0x1b: {  	s9 =	sadd.s32 $0xFFFFFEF7, lr;
	s5 =	simm.s32 $0xFFFFFFFF;
	p2 =	slt.u32 s8, $0xFFFFF086  }
0x1c: {  	p1 =	slt.u32 s9, $0xF7A;
	s5 =	simm.s32 @!p2 $0x0  }
0x1d: {  	s5 =	simm.s32 @p1 $0x1;
	p0 =	seq.s32 s7, s2  }
0x1e: {  	s7 =	smul.u32 @!p0 $0xF7A, s2;
	p2 =	seq.s32 @!p0 s5, $0x0  }
0x1f: {  	s9 =	smul.u32 $0xF7A, s1;
	s8 =	simm.s32 @!p0 $0x1BF5;
	p2 =	por !p2, p0  }
0x20: {  	[sflag:s8] =	ssyncset.s32 @!p0 $0xFFFFF086;
	s6 =	sadd.s32 @!p0 s3, s7;
	s7 =	simm.s32 @!p0 $0x108  }
0x21: {  	s3 =	sadd.s32 s3, s9;
	s6 =	sadd.s32 @!p0 $0x88, s6;
	s7 =	simm.s32 @p2 $0x1082  }
0x22: {  	[simem:s7], [sflag:s8] =	dma.local @!p0 [hbm:s6], $0xF7A  }
0x23: {  	s9 =	sor.u32 $0xD0000000, s2;
	s6 =	simm.s32 $0x108;
	_ =	swait.ge @!p0 [sflag:s8], $0x0  }
0x24: {  	s3 =	sadd.s32 $0x88, s3;
	s6 =	simm.s32 @!p1 $0x1082;
	[sflag:s4] =	ssyncset.s32 $0xFFFFF086  }
0x25: {  	[simem:s6], [sflag:s4] =	dma.local [hbm:s3], $0xF7A  }
0x26: {  	[smem:$0x3F93] =	sst s1;
	(tag) =	ssettag s2;
	_ =	strace s9  }
0x27: {  	s1 =	sld [smem:$0x3FA3]  }
0x28: {  	s2 =	sld [smem:$0x3FA4]  }
0x29: {  	s4 =	sld [smem:$0x3FA6]  }
0x2a: {  	p0 =	seq.s32 s5, $0x0;
	s5 =	sld [smem:$0x3FA7]  }
0x2b: {  	s6 =	sld [smem:$0x3FA8]  }
0x2c: {  	s7 =	sld [smem:$0x3FA9]  }
0x2d: {  	s3 =	simm.s32 $0x108;
	s8 =	sld [smem:$0x3FAA]  }
0x2e: {  	s3 =	simm.s32 @!p0 $0x1082;
	s9 =	sld [smem:$0x3FAB]  }
0x2f: {  	lr =	sadd.s32 s0, s3;
	s0 =	sld [smem:$0x3FA2]  }
0x30: {  	s3 =	sld [smem:$0x3FA5]  }
0x31: {  	[smem:$0x3FAE] =	sst s10  }
0x32: {  	s10 =	sld [smem:$0x3FAC];
	_ =	sdelay $0x3  }
0x33: {  	p0 =	seq.s32 s10, $0x1;
	s10 =	sld [smem:$0x3FAE];
	_ =	sdelay $0x3  }
0x34: {  	[smem:$0x3FAE] =	sst s10  }
0x35: {  	s10 =	sld [smem:$0x3FAD];
	_ =	sdelay $0x3  }
0x36: {  	p1 =	seq.s32 s10, $0x1;
	s10 =	sld [smem:$0x3FAE];
	_ =	sdelay $0x3  }
0x37: {  	[smem:$0x3FAE] =	sst s10  }
0x38: {  	s10 =	sld [smem:$0x3FAF]  }
0x39: {  	_ = 	snop;
	(pc) =	sbr.ind lr, $3  }
0x3a: {  	_ = 	snop  }
0x3b: {  	_ = 	snop  }
0x3c: {  	p2 =	seq.s32 s10, $0x1;
	s10 =	sld [smem:$0x3FAE]  }
0x3d: {  	_ =	shalt  }
0x3e: {  	_ =	shalt  }
0x3f: {  	_ =	shalt  }
0x40: {  	_ =	shalt  }
0x41: {  	_ =	shalt  }
0x42: {  	_ =	shalt  }
0x43: {  	_ =	shalt  }
0x44: {  	_ =	shalt  }
0x45: {  	_ =	shalt  }
0x46: {  	_ =	shalt  }
0x47: {  	_ =	shalt  }
0x48: {  	_ =	shalt  }
0x49: {  	_ =	shalt  }
0x4a: {  	_ =	shalt  }
0x4b: {  	_ =	shalt  }
0x4c: {  	_ =	shalt  }
0x4d: {  	_ =	shalt  }
0x4e: {  	_ =	shalt  }
0x4f: {  	_ =	shalt  }
0x50: {  	_ =	shalt  }
0x51: {  	_ =	shalt  }
0x52: {  	_ =	shalt  }
0x53: {  	_ =	shalt  }
0x54: {  	_ =	shalt  }
0x55: {  	_ =	shalt  }
0x56: {  	_ =	shalt  }
0x57: {  	_ =	shalt  }
0x58: {  	_ =	shalt  }
0x59: {  	_ =	shalt  }
0x5a: {  	_ =	shalt  }
0x5b: {  	_ =	shalt  }
0x5c: {  	_ =	shalt  }
0x5d: {  	_ =	shalt  }
0x5e: {  	_ =	shalt  }
0x5f: {  	_ =	shalt  }
0x60: {  	_ =	shalt  }
0x61: {  	_ =	shalt  }
0x62: {  	_ =	shalt  }
0x63: {  	_ =	shalt  }
0x64: {  	_ =	shalt  }
0x65: {  	_ =	shalt  }
0x66: {  	_ =	shalt  }
0x67: {  	_ =	shalt  }
0x68: {  	_ =	shalt  }
0x69: {  	_ =	shalt  }
0x6a: {  	_ =	shalt  }
0x6b: {  	_ =	shalt  }
0x6c: {  	_ =	shalt  }
0x6d: {  	_ =	shalt  }
0x6e: {  	_ =	shalt  }
0x6f: {  	_ =	shalt  }
0x70: {  	_ =	shalt  }
0x71: {  	_ =	shalt  }
0x72: {  	_ =	shalt  }
0x73: {  	_ =	shalt  }
0x74: {  	_ =	shalt  }
0x75: {  	_ =	shalt  }
0x76: {  	_ =	shalt  }
0x77: {  	_ =	shalt  }
0x78: {  	_ =	shalt  }
0x79: {  	_ =	shalt  }
0x7a: {  	_ =	shalt  }
0x7b: {  	_ =	shalt  }
0x7c: {  	_ =	shalt  }
0x7d: {  	_ =	shalt  }
0x7e: {  	_ =	shalt  }
0x7f: {  	_ =	shalt  }
0x80: {  	_ =	shalt  }
0x81: {  	_ =	shalt  }
0x82: {  	_ =	shalt  }
0x83: {  	_ =	shalt  }
0x84: {  	_ =	shalt  }
0x85: {  	_ =	shalt  }
0x86: {  	_ =	shalt  }
0x87: {  	_ =	shalt  }
.Lfunc_end0:
.L_simem_size_0:
called_computation_lowered:
.L_overlay_start_0:
0x88: {  	s2 =	sld [smem:$0x3FD9]  }
0x89: {  	s3 =	sld [smem:$0x3FFE];
	_ =	sdelay $0x1  }
0x8a: {  	s1 =	srdreg.scid  }
0x8b: {  	s0 =	sand.u32 $0x1, s1  }
0x8c: {  	s17 =	sshll.u32 s0, $0xA;
	s2 =	sadd.s32 s3, s2  }
0x8d: {  	s2 =	sadd.s32 s2, s17  }
0x8e: {  	[smem:$0x3FBA] =	sst s2  }
0x8f: {  	_ = 	snop  }
0x90: {  	s18 =	sld [smem:$0x3FC9];
	(tm) =	ssettm $0x1  }
0x91: {  	s19 =	sld [smem:$0x3FFB];
	_ =	sdelay $0x3  }
0x92: {  	_ =	strace s19  }
0x93: {  	s2 =	sld [smem:$0x3FFC];
	_ =	sdelay $0x3  }
0x94: {  	_ =	strace s2  }
0x95: {  	s2 =	sld [smem:$0x3FFD];
	_ =	sdelay $0x3  }
0x96: {  	_ =	strace s2  }
0x97: {  	_ =	strace $0x8FFFFFFF  }
0x98: {  	s20 =	sld [smem:$0x3FDB];
	_ =	sdelay $0x1  }
0x99: {  	s4 =	simm.s32 $_scs_section_size  }
0x9a: {  	s5 =	simm.s32 $_size__tile_overlayer_lowered;
	s6 =	simm.s32 $_tile_overlayer_lowered  }
0x9b: {  	s7 =	simm.s32 $0x1BFF;
	s21 =	sshll.u32 s6, $0x1;
	s4 =	sadd.s32 s4, s20  }
0x9c: {  	s22 =	simm.s32 $0x0;
	s5 =	sshll.u32 s5, $0x1;
	s6 =	sadd.s32 s21, s4  }
0x9d: {  	[timem:s22], [sflag:s7] =	dma.local [hbm:s6], s5  }
0x9e: {  	_ =	swait.ge [sflag:s7], s5  }
0x9f: {  	s5 =	ssub.s32 $0x0, s5;
	[sflag:s7] =	ssyncset.done $0x0  }
0xa0: {  	[sflag:s7] =	ssyncadd.s32 s5;
	_ =	sdelay $0x1  }
0xa1: {  	s23 =	simm.s32 $0x1B8B  }
0xa2: {  	_ =	swait.ge [sflag:s23], $0x1  }
0xa3: {  	[sflag:s23] =	ssyncset.done $0x0  }
0xa4: {  	[sflag:s23] =	ssyncadd.s32 $0xFFFFFFFF  }
0xa5: {  	s5 =	sld [smem:$0x0]  }
0xa6: {  	s6 =	sand.u32 $0xFFFFFFFE, s1  }
0xa7: {  	p0 =	sne.s32 s1, s6  }
0xa8: {  	s6 =	sshll.u32 @p0 s6, $0xE  }
0xa9: {  	s6 =	sadd.s32 @p0 $0x11B8D, s6;
	s7 =	sshll.u32 @p0 s5, $0x11  }
0xaa: {  	s6 =	sor.u32 @p0 s7, s6  }
0xab: {  	[sflag:s6] =	ssyncadd.remote.s32 @p0 $0x1;
	_ =	sdelay $0x1  }
0xac: {  	s6 =	simm.s32 @p0 $0x1B8D  }
0xad: {  	_ =	swait.eq @p0 [sflag:s6], $0x1  }
0xae: {  	[sflag:s6] =	ssyncadd.s32 @p0 $0xFFFFFFFF  }
0xaf: {  	s7 =	sshll.u32 @!p0 s1, $0xE  }
0xb0: {  	s7 =	sor.u32 @!p0 $0x4000, s7;
	s6 =	simm.s32 @!p0 $0x1B8D  }
0xb1: {  	s5 =	sshll.u32 @!p0 s5, $0x11;
	s7 =	sadd.s32 @!p0 $0x11B8D, s7;
	_ =	swait.eq @!p0 [sflag:s6], $0x1  }
0xb2: {  	s5 =	sor.u32 @!p0 s5, s7;
	[sflag:s6] =	ssyncadd.s32 @!p0 $0xFFFFFFFF  }
0xb3: {  	s25 =	simm.s32 $0x1B8E;
	s24 =	sld [smem:$0x3FFE];
	[sflag:s5] =	ssyncadd.remote.s32 @!p0 $0x1  }
0xb4: {  	s26 =	simm.s32 $execute0_lowered;
	[smem:$0x3FD2] =	sst s25  }
0xb5: {  	s6 =	sshll.u32 s26, $0x1;
	_ =	strace $0x80000049;
	[dreg:$0x1] =	wrdreg $0xFFFFFFFF  }
0xb6: {  	s28 =	simm.s32 $_size_execute0_lowered;
	s4 =	sadd.s32 s4, s6;
	[dreg:$0x0] =	wrdreg $0x0  }
0xb7: {  	s6 =	sshll.u32 s28, $0x1;
	[dreg:$0x2] =	wrdreg s4  }
0xb8: {  	[dreg:$0x3] =	wrdreg s6  }
0xb9: {  	[dreg:$0x4] =	wrdreg $0xC0  }
0xba: {  	_ =	task [dreg:s22], $0x5FFFF  }
0xbb: {  	[dreg:$0x1] =	wrdreg $0xFFFFFFFF  }
0xbc: {  	[dreg:$0x0] =	wrdreg $0x60  }
0xbd: {  	[dreg:$0x2] =	wrdreg s18  }
0xbe: {  	[dreg:$0x3] =	wrdreg s24  }
0xbf: {  	[dreg:$0x4] =	wrdreg $0x9  }
0xc0: {  	_ =	task.clear_ibuf [dreg:s22], $0x5FFFF;
	_ =	strace $0x90000049  }
0xc1: {  	s29 =	simm.s32 $0x9;
	_ =	strace $0x8000004B  }
0xc2: {  	_ =	swait.ge [sflag:s29], $0x1  }
0xc3: {  	[sflag:s29] =	ssyncadd.s32 $0xFFFFFFFF  }
0xc4: {  	_ =	strace $0x9000004B  }
0xc5: {  	_ =	sfence  }
0xc6: {  	s30 =	sld [smem:$0x0];
	_ =	sdelay $0x2  }
0xc7: {  	s31 =	sshll.u32 s1, $0xD;
	s1 =	sshrl.u32 s1, $0x2  }
0xc8: {  	s4 =	sand.u32 $0x4000, s31;
	s1 =	sadd.s32 s1, s30  }
0xc9: {  	s0 =	sor.u32 s4, s0;
	s1 =	sshll.u32 s1, $0x11  }
0xca: {  	s0 =	sor.u32 s1, s0  }
0xcb: {  	s0 =	sadd.s32 $0x8F2B, s0  }
0xcc: {  	[sflag:s0] =	ssyncadd.remote.s32 $0x1  }
0xcd: {  	_ =	sfence.sel $0xFFFF  }
0xce: {  	[dreg:$0x0] =	wrdreg $0xFFFFFFFF;
	(pc) =	sbr.abs _section_cstart, $3  }
0xcf: {  	[dreg:$0x1] =	wrdreg $0xFFFFFFFF  }
0xd0: {  	_ =	task.clear_ibuf [dreg:s22], $0x2FFFF;
	_ =	strace $0x9FFFFFFF  }
0xd1: {  	(tm) =	ssettm $0x7FFFFFFF  }
tec
execute0_lowered:
.L_overlay_start_1:
0x0: {  	(tag) =	ssettag $0x1  }
0x1: {  	s1 =	srdreg.scid  }
0x2: {  	s0 =	stileid.u32;
	s2 =	rddreg [dreg:$0x0]  }
0x3: {  	s5 =	rddreg [dreg:$0x1];
	s3 =	simm.s32 $0x0;
	s13 =	simm.s32 $0x80  }
0x4: {  	s14 =	simm.s32 $0xC00;
	s15 =	simm.s32 $0x4C00;
	s16 =	simm.s32 $0x1  }
0x5: {  	s17 =	simm.s32 $0x3;
	s18 =	simm.s32 $0x100;
	s19 =	simm.s32 $0x2  }
0x6: {  	s20 =	simm.s32 $0x4;
	s21 =	simm.s32 $0x980;
	s22 =	simm.s32 $0x0  }
0x7: {  	s4 =	sand.u32 $0x1, s1;
	s29 =	sshll.u32 s0, $0x1;
	s9 =	smul.u32 $0xA0000, s0  }
0x8: {  	s1 =	rddreg [dreg:$0x2];
	s6 =	sor.u32 s4, s29;
	s11 =	smul.u32 $0x50000, s4  }
0x9: {  	[smem:$0x7FF] =	sst s3;
	s8 =	ssub.s32 $0x2, s4;
	s7 =	smul.u32 $0x180, s6  }
0xa: {  	s12 =	sadd.s32 $0x148600, s5;
	s6 =	smul.u32 $0x50000, s6;
	s10 =	sshrl.u32 s8, $0x1  }
0xb: {  	_ =	strace $0x8000004A;
	s8 =	ssub.s32 s8, s10;
	s9 =	sadd.s32 s11, s9  }
0xc: {  	s7 =	sadd.s32 s7, s5;
	s30 =	sshrl.u32 s6, $0x3;
	s6 =	smax.u32 s8, $0x1  }
0xd: {  	s31 =	sor.u32 $0x8000, s9;
	s11 =	sor.u32 $0xC000, s9;
	s4 =	sadd.s32 $0x145600, s7  }
0xe: {  	s5 =	sadd.s32 s12, s30;
	s10 =	sshrl.u32 s31, $0x3;
	s11 =	sshrl.u32 s11, $0x3  }
0xf: {  	s7 =	sadd.s32 $0x800, s5;
	s8 =	sadd.s32 $0x9000, s5;
	s9 =	sadd.s32 $0x9800, s5  }
0x10: {  	s10 =	sadd.s32 s10, s12;
	s11 =	sadd.s32 s11, s12;
	s12 =	simm.s32 $0x5  }
.LBB2_1:
0x11: {  	[tilespmem:s3], [sflag:$0x5] =	stream.linear.gather [hbm4b:s4+s3], $0xA00, $0x38;
	[tilespmem:$0x8C00] =	vst v63  }
0x12: {  	_ =	swait.ge [sflag:s12], $0xA00  }
0x13: {  	[sflag:s12] =	ssyncset.done $0x0  }
0x14: {  	[sflag:s12] =	ssyncadd.s32 $0xFFFFF600  }
0x15: {  	[tilespmem:s14], [sflag:$0x1] =	stream.indirect.gather [hbm4b:s2+s13], $0x80, s3, s13, $0xb8;
	[tilespmem:$0x8C00] =	vst v63  }
0x16: {  	_ = 	snop  }
0x17: {  	[tilespmem:s15], [sflag:$0x2] =	stream.indirect.gather [hbm4b:s2+s13], $0x80, s13, s13, $0xb8;
	[tilespmem:$0x8C00] =	vst v63  }
0x18: {  	_ =	swait.ge [sflag:s16], $0x4000  }
0x19: {  	[sflag:s16] =	ssyncset.done $0x0  }
0x1a: {  	[sflag:s16] =	ssyncadd.s32 $0xFFFFC000  }
0x1b: {  	[hbm4b:s5+s3] =	stream.linear.scatter [tilespmem:s14], [sflag:$0x3], $0x4000, $0x38;
	[tilespmem:$0x8C00] =	vst v63  }
0x1c: {  	_ =	swait.ge [sflag:s17], $0x4000  }
0x1d: {  	[sflag:s17] =	ssyncset.done $0x0  }
0x1e: {  	[sflag:s17] =	ssyncadd.s32 $0xFFFFC000  }
0x1f: {  	[tilespmem:s14], [sflag:$0x1] =	stream.indirect.gather [hbm4b:s2+s13], $0x80, s18, s13, $0xb8;
	[tilespmem:$0x8C00] =	vst v63  }
0x20: {  	_ =	swait.ge [sflag:s19], $0x4000  }
0x21: {  	[sflag:s19] =	ssyncset.done $0x0  }
0x22: {  	[sflag:s19] =	ssyncadd.s32 $0xFFFFC000  }
0x23: {  	[hbm4b:s7+s3] =	stream.linear.scatter [tilespmem:s15], [sflag:$0x4], $0x4000, $0x38;
	[tilespmem:$0x8C00] =	vst v63  }
0x24: {  	_ =	swait.ge [sflag:s20], $0x4000  }
0x25: {  	[sflag:s20] =	ssyncset.done $0x0  }
0x26: {  	s23 =	simm.s32 $0x180;
	[sflag:s20] =	ssyncadd.s32 $0xFFFFC000  }
0x27: {  	[tilespmem:s15], [sflag:$0x2] =	stream.indirect.gather [hbm4b:s2+s13], $0x80, s23, s13, $0xb8;
	[tilespmem:$0x8C00] =	vst v63  }
0x28: {  	_ =	swait.ge [sflag:s16], $0x4000  }
0x29: {  	[sflag:s16] =	ssyncset.done $0x0  }
0x2a: {  	s30 =	sadd.s32 $0x0, s10;
	[sflag:s16] =	ssyncadd.s32 $0xFFFFC000  }
0x2b: {  	[hbm4b:s30+s3] =	stream.linear.scatter [tilespmem:s14], [sflag:$0x3], $0x4000, $0x38;
	[tilespmem:$0x8C00] =	vst v63  }
0x2c: {  	_ =	swait.ge [sflag:s17], $0x4000  }
0x2d: {  	[sflag:s17] =	ssyncset.done $0x0  }
0x2e: {  	s31 =	simm.s32 $0x200;
	[sflag:s17] =	ssyncadd.s32 $0xFFFFC000  }
0x2f: {  	[tilespmem:s14], [sflag:$0x1] =	stream.indirect.gather [hbm4b:s2+s13], $0x80, s31, s13, $0xb8;
	[tilespmem:$0x8C00] =	vst v63  }
0x30: {  	_ =	swait.ge [sflag:s19], $0x4000  }
0x31: {  	s25 =	sadd.s32 $0x0, s11;
	[sflag:s19] =	ssyncset.done $0x0  }
0x32: {  	s24 =	simm.s32 $0x300;
	s23 =	simm.s32 $0x1000;
	[sflag:s19] =	ssyncadd.s32 $0xFFFFC000  }
.LBB2_2:
0x33: {  	[hbm4b:s25+s3] =	stream.linear.scatter [tilespmem:s15], [sflag:$0x4], $0x4000, $0x38;
	[tilespmem:$0x8C00] =	vst v63  }
0x34: {  	s25 =	smov.u32 s23  }
0x35: {  	p0 =	sne.s32 s23, $0x7000;
	s23 =	sadd.s32 $0x1000, s23;
	_ =	swait.ge [sflag:s20], $0x4000  }
0x36: {  	[sflag:s20] =	ssyncset.done $0x0  }
0x37: {  	s26 =	sadd.s32 $0xFFFFFF80, s24;
	[sflag:s20] =	ssyncadd.s32 $0xFFFFC000  }
0x38: {  	[tilespmem:s15], [sflag:$0x2] =	stream.indirect.gather [hbm4b:s2+s13], $0x80, s26, s13, $0xb8;
	[tilespmem:$0x8C00] =	vst v63  }
0x39: {  	_ =	swait.ge [sflag:s16], $0x4000  }
0x3a: {  	[sflag:s16] =	ssyncset.done $0x0  }
0x3b: {  	s26 =	sadd.s32 s25, s10;
	[sflag:s16] =	ssyncadd.s32 $0xFFFFC000  }
0x3c: {  	[hbm4b:s26+s3] =	stream.linear.scatter [tilespmem:s14], [sflag:$0x3], $0x4000, $0x38;
	[tilespmem:$0x8C00] =	vst v63  }
0x3d: {  	_ =	swait.ge [sflag:s17], $0x4000  }
0x3e: {  	[sflag:s17] =	ssyncset.done $0x0  }
.Ltmp0:
0x3f: {  	[sflag:s17] =	ssyncadd.s32 $0xFFFFC000;
	(pc) =	sbr.rel @p0 .LBB2_2-.Ltmp0, $4  }
0x40: {  	[tilespmem:s14], [sflag:$0x1] =	stream.indirect.gather [hbm4b:s2+s13], $0x80, s24, s13, $0xb8;
	[tilespmem:$0x8C00] =	vst v63  }
0x41: {  	_ =	swait.ge [sflag:s19], $0x4000  }
0x42: {  	[sflag:s19] =	ssyncset.done $0x0  }
0x43: {  	s25 =	sadd.s32 s25, s11;
	s24 =	sadd.s32 $0x100, s24;
	[sflag:s19] =	ssyncadd.s32 $0xFFFFC000  }
0x44: {  	[hbm4b:s25+s3] =	stream.linear.scatter [tilespmem:s15], [sflag:$0x4], $0x4000, $0x38;
	[tilespmem:$0x8C00] =	vst v63  }
0x45: {  	_ =	swait.ge [sflag:s20], $0x4000  }
0x46: {  	[sflag:s20] =	ssyncset.done $0x0  }
0x47: {  	[sflag:s20] =	ssyncadd.s32 $0xFFFFC000  }
0x48: {  	[tilespmem:s15], [sflag:$0x2] =	stream.indirect.gather [hbm4b:s2+s13], $0x80, s21, s13, $0xb8;
	[tilespmem:$0x8C00] =	vst v63  }
0x49: {  	_ =	swait.ge [sflag:s16], $0x4000  }
0x4a: {  	[sflag:s16] =	ssyncset.done $0x0  }
0x4b: {  	[sflag:s16] =	ssyncadd.s32 $0xFFFFC000  }
0x4c: {  	[hbm4b:s8+s3] =	stream.linear.scatter [tilespmem:s14], [sflag:$0x3], $0x4000, $0x38;
	[tilespmem:$0x8C00] =	vst v63  }
0x4d: {  	_ =	swait.ge [sflag:s19], $0x4000  }
0x4e: {  	[sflag:s19] =	ssyncset.done $0x0  }
0x4f: {  	s22 =	sadd.s32 $0x1, s22;
	[sflag:s19] =	ssyncadd.s32 $0xFFFFC000  }
0x50: {  	[hbm4b:s9+s3] =	stream.linear.scatter [tilespmem:s15], [sflag:$0x4], $0x4000, $0x38;
	[tilespmem:$0x8C00] =	vst v63  }
0x51: {  	p0 =	sne.s32 s22, s6;
	_ =	swait.ge [sflag:s17], $0x4000  }
.Ltmp1:
0x52: {  	[sflag:s17] =	ssyncset.done $0x0;
	(pc) =	sbr.rel @p0 .LBB2_1-.Ltmp1, $4  }
0x53: {  	[sflag:s17] =	ssyncadd.s32 $0xFFFFC000  }
0x54: {  	_ =	swait.ge [sflag:s20], $0x4000  }
0x55: {  	[sflag:s20] =	ssyncset.done $0x0  }
0x56: {  	[sflag:s20] =	ssyncadd.s32 $0xFFFFC000  }
0x57: {  	_ =	sfence.sel $0x180000  }
0x58: {  	[bflag:$0x0] =	sbarrier.arrive $0xFFFF  }
0x59: {  	p0 =	sne.s32 s0, $0x0;
	_ =	strace $0x9000004A  }
0x5a: {  	s0 =	sadd.s32 @!p0 $0x100000, s1;
	[bflag:$0x2] =	sbarrier.arrive $0xFFFF  }
0x5b: {  	[sflag:s0] =	ssyncadd.tile.s32 @!p0 $0x1;
	_ =	shalt  }
.Lfunc_end2:
_tile_overlayer_lowered:
.L_overlay_start_2:
0x5c: {  	(tag) =	ssettag $0x2  }
0x5d: {  	s0 =	rddreg [dreg:$0x0];
	s2 =	stileid.u32  }
0x5e: {  	s1 =	rddreg [dreg:$0x1];
	p0 =	sne.s32 s2, $0x0  }
0x5f: {  	s3 =	rddreg [dreg:$0x2];
	[bflag:$0x3] =	sbarrier.arrive $0xFFFF;
	s2 =	simm.s32 @!p0 $0x1C05  }
0x60: {  	[timem:s3], [sflag:s2] =	dma.local @!p0 [hbm:s0], s1  }
0x61: {  	s0 =	simm.s32 @!p0 $0x5  }
0x62: {  	_ =	swait.ge @!p0 [sflag:s0], s1  }
0x63: {  	s1 =	ssub.s32 @!p0 $0x0, s1;
	[sflag:s0] =	ssyncset.done @!p0 $0x0  }
0x64: {  	[sflag:s0] =	ssyncadd.s32 @!p0 s1  }
0x65: {  	[bflag:$0x3] =	sbarrier.arrive $0xFFFF  }
0x66: {  	_ =	shalt  }

</sc_bundles>
